<compile_context>
chip_gen: v7x
topology: tpu7x:2x2x1
jax: 0.10.2.dev20260603
libtpu: 0.0.44.dev20260713+nightly
codegen_flags: <defaults>
</compile_context>

<pallas_src>
import jax
import jax.numpy as jnp
from jax import lax
from jax.experimental import pallas as pl
from jax.experimental.pallas import tpu as pltpu
from jax.experimental.pallas import tpu_sc as plsc

N = 10000
E = 320000
D = 128

NC = 2
NS = 16
NW = NC * NS
K = 80
EP = E // NW
G = EP // K
HALF = 5120
AR = 5632
RPT = AR // NS
ZR = 32


def _matmul_body(h_ref, w_ref, b_ref, o_ref):
    o_ref[...] = (
        jnp.dot(h_ref[...], w_ref[...], preferred_element_type=jnp.float32)
        + b_ref[...]
    )


def _combine_body(p_ref, o_ref):
    o_ref[...] = jnp.maximum(p_ref[0, 0] + p_ref[1, 0], 0.0)


def _sc_body(hw, src, dst, av, out, src_v, dst_v, dstp_v, av_v, rows_a,
             rows_b, zbuf, acc, gsa, gsb, ssa, ssb):
    c = lax.axis_index("c")
    s = lax.axis_index("s")
    wid = c * NS + s

    def _zero_row(i, _):
        for j in range(D // 16):
            zbuf[i, pl.ds(j * 16, 16)] = jnp.zeros((16,), jnp.float32)
        return 0

    lax.fori_loop(0, ZR, _zero_row, 0)

    pltpu.sync_copy(src.at[wid], src_v)
    pltpu.sync_copy(dst.at[wid], dst_v)
    pltpu.sync_copy(av.at[wid], av_v)

    dbase = HALF + s * 32

    def _scale_buf(buf, g):
        @plsc.parallel_loop(0, K, step=1, unroll=4)
        def _scale(e):
            ab = plsc.load_gather(av_v, [jnp.full((16,), g * K + e, jnp.int32)])
            for j in range(D // 16):
                sl = pl.ds(j * 16, 16)
                buf[e, sl] = buf[e, sl] * ab

    for p in range(2):
        def _remap(r, _):
            for c5 in range(K // 16):
                sl = pl.ds(c5 * 16, 16)
                d16 = dst_v[r, sl]
                local = d16 - p * HALF
                oob = (local < 0) | (local >= HALF)
                dump = dbase + ((c5 * 16 + lax.iota(jnp.int32, 16)) & 31)
                dstp_v[r, sl] = jnp.where(oob, dump, local)
            return 0

        lax.fori_loop(0, G, _remap, 0)

        for r in range(RPT // ZR):
            pltpu.sync_copy(zbuf, acc.at[pl.ds(s * RPT + r * ZR, ZR)])
        plsc.subcore_barrier()

        pltpu.async_copy(hw.at[src_v.at[0]], rows_a, gsa)

        def _pair(t, _):
            g0 = 2 * t
            g1 = 2 * t + 1

            @pl.when(t > 0)
            def _():
                pltpu.make_async_copy(rows_b, acc.at[dstp_v.at[g1]], ssb).wait()

            pltpu.async_copy(hw.at[src_v.at[g1]], rows_b, gsb)

            pltpu.make_async_copy(hw.at[src_v.at[g0]], rows_a, gsa).wait()
            _scale_buf(rows_a, g0)
            pltpu.async_copy(rows_a, acc.at[dstp_v.at[g0]], ssa, add=True)

            pltpu.make_async_copy(hw.at[src_v.at[g1]], rows_b, gsb).wait()
            _scale_buf(rows_b, g1)
            pltpu.async_copy(rows_b, acc.at[dstp_v.at[g1]], ssb, add=True)

            pltpu.make_async_copy(rows_a, acc.at[dstp_v.at[g0]], ssa).wait()
            pltpu.async_copy(hw.at[src_v.at[g0 + 2]], rows_a, gsa)
            return 0

        lax.fori_loop(0, G // 2, _pair, 0)

        pltpu.make_async_copy(rows_b, acc.at[dstp_v.at[G - 2]], ssb).wait()
        pltpu.make_async_copy(hw.at[src_v.at[G - 1]], rows_a, gsa).wait()
        _scale_buf(rows_a, G - 1)
        pltpu.sync_copy(rows_a, acc.at[dstp_v.at[G - 1]], add=True)
        plsc.subcore_barrier()

        pltpu.sync_copy(
            acc.at[pl.ds(s * (HALF // NS), HALF // NS)],
            out.at[c, p, pl.ds(s * (HALF // NS), HALF // NS)],
        )
        plsc.subcore_barrier()


def kernel(H, edge_index, A_vals, W, b):
    hw = pl.pallas_call(
        _matmul_body,
        grid=(10,),
        in_specs=[
            pl.BlockSpec((N // 10, D), lambda i: (i, 0)),
            pl.BlockSpec((D, D), lambda i: (0, 0)),
            pl.BlockSpec((1, D), lambda i: (0, 0)),
        ],
        out_specs=pl.BlockSpec((N // 10, D), lambda i: (i, 0)),
        out_shape=jax.ShapeDtypeStruct((N, D), jnp.float32),
    )(H.astype(jnp.bfloat16), W.astype(jnp.bfloat16), b.reshape(1, D))

    src2 = edge_index[0].reshape(NW, G, K)
    dst2 = edge_index[1].reshape(NW, G, K)
    av2 = A_vals.reshape(NW, G * K)

    mesh = plsc.VectorSubcoreMesh(
        core_axis_name="c", subcore_axis_name="s", num_cores=NC, num_subcores=NS
    )
    scatter = pl.kernel(
        _sc_body,
        out_type=jax.ShapeDtypeStruct((NC, 2, HALF, D), jnp.float32),
        mesh=mesh,
        compiler_params=pltpu.CompilerParams(needs_layout_passes=False),
        scratch_types=[
            pltpu.VMEM((G, K), jnp.int32),
            pltpu.VMEM((G, K), jnp.int32),
            pltpu.VMEM((G, K), jnp.int32),
            pltpu.VMEM((G * K,), jnp.float32),
            pltpu.VMEM((K, D), jnp.float32),
            pltpu.VMEM((K, D), jnp.float32),
            pltpu.VMEM((ZR, D), jnp.float32),
            pltpu.VMEM_SHARED((AR, D), jnp.float32),
            pltpu.SemaphoreType.DMA,
            pltpu.SemaphoreType.DMA,
            pltpu.SemaphoreType.DMA,
            pltpu.SemaphoreType.DMA,
        ],
    )
    partials = scatter(hw, src2, dst2, av2)

    out = pl.pallas_call(
        _combine_body,
        grid=(2, 5),
        in_specs=[
            pl.BlockSpec((NC, 1, 1024, D), lambda q, r: (0, q, r, 0)),
        ],
        out_specs=pl.BlockSpec((1024, D), lambda q, r: (q * 5 + r, 0)),
        out_shape=jax.ShapeDtypeStruct((N, D), jnp.float32),
    )(partials)
    return out

# --- scband reference (transcript-rebuilt; emitter-appended) ---
"""Pipeline reference for scband-gcnlayer-46875273069088 (READ-ONLY COPY).

The authoritative reference and input builder live on the scoring server;
editing this copy changes nothing except your own understanding.
"""

import jax, jax.numpy as jnp
import numpy as np

N = 10000
E = 320000
D_IN = 128
D_OUT = 128


def setup_inputs(seed: int = 0) -> dict:
    key = jax.random.key(seed)
    k1, k2, k3, k4 = jax.random.split(key, 4)
    H = jax.random.normal(k1, (N, D_IN), dtype=jnp.float32)
    edge_index = jax.random.randint(k2, (2, E), 0, N, dtype=jnp.int32)
    A_vals = jax.random.uniform(k3, (E,), dtype=jnp.float32)
    # learned parameters per build(): W glorot_uniform [D_IN, D_OUT], b zeros [D_OUT]
    limit = float(np.sqrt(6.0 / (D_IN + D_OUT)))
    W = jax.random.uniform(k4, (D_IN, D_OUT), dtype=jnp.float32, minval=-limit, maxval=limit)
    b = jnp.zeros((D_OUT,), dtype=jnp.float32)
    return {"H": H, "edge_index": edge_index, "A_vals": A_vals, "W": W, "b": b}


def reference(H, edge_index, A_vals, W, b):
    # GCNLayer.call with sparse A (COO: edge_index + A_vals), dense H
    # HW = H @ W + b
    HW = jnp.matmul(H, W) + b
    # AHW = sparse_tensor_dense_matmul(A, HW):
    # row = dst (output node), col = src (input node)
    src = edge_index[0]
    dst = edge_index[1]
    msgs = A_vals[:, None] * jnp.take(HW, src, axis=0)
    AHW = jax.ops.segment_sum(msgs, dst, num_segments=N)
    # activation = tf.nn.relu
    return jax.nn.relu(AHW)

if __name__ == "__main__":
    import jax
    _d = setup_inputs()
    print(jax.jit(kernel)(*tuple(_d.values())))

</pallas_src>

<mosaic_0001>
#map = affine_map<(d0, d1) -> (0, 0)>
#map1 = affine_map<(d0, d1) -> (0, 0, 0)>
#map2 = affine_map<(d0, d1) -> (0, 0, 0, 0)>
module attributes {stable_mosaic.version = 14 : i64} {
  func.func @_sc_body(%arg0: i32, %arg1: i32, %arg2: memref<10000x128xf32, #tpu.memory_space<hbm>>, %arg3: memref<32x125x80xi32, #tpu.memory_space<hbm>>, %arg4: memref<32x125x80xi32, #tpu.memory_space<hbm>>, %arg5: memref<32x10000xf32, #tpu.memory_space<hbm>>, %arg6: memref<2x2x5120x128xf32, #tpu.memory_space<hbm>>, %arg7: memref<125x80xi32, #tpu.memory_space<vmem>>, %arg8: memref<125x80xi32, #tpu.memory_space<vmem>>, %arg9: memref<125x80xi32, #tpu.memory_space<vmem>>, %arg10: memref<10000xf32, #tpu.memory_space<vmem>>, %arg11: memref<80x128xf32, #tpu.memory_space<vmem>>, %arg12: memref<80x128xf32, #tpu.memory_space<vmem>>, %arg13: memref<32x128xf32, #tpu.memory_space<vmem>>, %arg14: memref<5632x128xf32, #tpu.memory_space<vmem_shared>>, %arg15: memref<!tpu.dma_semaphore, #tpu.memory_space<semaphore_mem>>, %arg16: memref<!tpu.dma_semaphore, #tpu.memory_space<semaphore_mem>>, %arg17: memref<!tpu.dma_semaphore, #tpu.memory_space<semaphore_mem>>, %arg18: memref<!tpu.dma_semaphore, #tpu.memory_space<semaphore_mem>>) attributes {dimension_semantics = [#tpu.dimension_semantics<core_parallel>, #tpu.dimension_semantics<subcore_parallel>], iteration_bounds = array<i64: 2, 16>, scalar_prefetch = 0 : i64, scratch_operands = 12 : i64, tpu.core_type = #tpu.core_type<sc_vector_subcore>, window_params = [{transform_indices = #map}, {transform_indices = #map1}, {transform_indices = #map1}, {transform_indices = #map}, {transform_indices = #map2}]} {
    %mul3A = arith.constant 16 : i32
    %mul3A_0 = arith.muli %arg0, %mul3A : i32
    %add3A = arith.addi %mul3A_0, %arg1 : i32
    %scan3A = arith.constant 0 : i32
    %scan3A_1 = arith.constant 0 : i32
    %scan3A_2 = arith.constant 32 : i32
    %scan3A_3 = arith.addi %scan3A_1, %scan3A_2 : i32
    %scan3A_4 = arith.constant 1 : i32
    %scan3A_5 = scf.for %scan3A_188 = %scan3A_1 to %scan3A_3 step %scan3A_4 iter_args(%scan3A_189 = %scan3A) -> (i32)  : i32 {
      %broadcast_in_dim3A = arith.constant 0.000000e+00 : f32
      %broadcast_in_dim3A_190 = vector.broadcast %broadcast_in_dim3A : f32 to vector<16xf32>
      %swap3A = arith.index_cast %scan3A_188 : i32 to index
      %swap3A_191 = arith.constant 0 : index
      %swap3A_192 = tpu.vector_load %arg13[%swap3A, %swap3A_191] {strides = array<i32>} : memref<32x128xf32, #tpu.memory_space<vmem>>, vector<16xf32>,
      tpu.vector_store %arg13[%swap3A, %swap3A_191], %broadcast_in_dim3A_190 {strides = array<i32>} : memref<32x128xf32, #tpu.memory_space<vmem>>, vector<16xf32>,
      %broadcast_in_dim3A_193 = arith.constant 0.000000e+00 : f32
      %broadcast_in_dim3A_194 = vector.broadcast %broadcast_in_dim3A_193 : f32 to vector<16xf32>
      %swap3A_195 = arith.index_cast %scan3A_188 : i32 to index
      %swap3A_196 = arith.constant 16 : index
      %swap3A_197 = tpu.vector_load %arg13[%swap3A_195, %swap3A_196] {strides = array<i32>} : memref<32x128xf32, #tpu.memory_space<vmem>>, vector<16xf32>,
      tpu.vector_store %arg13[%swap3A_195, %swap3A_196], %broadcast_in_dim3A_194 {strides = array<i32>} : memref<32x128xf32, #tpu.memory_space<vmem>>, vector<16xf32>,
      %broadcast_in_dim3A_198 = arith.constant 0.000000e+00 : f32
      %broadcast_in_dim3A_199 = vector.broadcast %broadcast_in_dim3A_198 : f32 to vector<16xf32>
      %swap3A_200 = arith.index_cast %scan3A_188 : i32 to index
      %swap3A_201 = arith.constant 32 : index
      %swap3A_202 = tpu.vector_load %arg13[%swap3A_200, %swap3A_201] {strides = array<i32>} : memref<32x128xf32, #tpu.memory_space<vmem>>, vector<16xf32>,
      tpu.vector_store %arg13[%swap3A_200, %swap3A_201], %broadcast_in_dim3A_199 {strides = array<i32>} : memref<32x128xf32, #tpu.memory_space<vmem>>, vector<16xf32>,
      %broadcast_in_dim3A_203 = arith.constant 0.000000e+00 : f32
      %broadcast_in_dim3A_204 = vector.broadcast %broadcast_in_dim3A_203 : f32 to vector<16xf32>
      %swap3A_205 = arith.index_cast %scan3A_188 : i32 to index
      %swap3A_206 = arith.constant 48 : index
      %swap3A_207 = tpu.vector_load %arg13[%swap3A_205, %swap3A_206] {strides = array<i32>} : memref<32x128xf32, #tpu.memory_space<vmem>>, vector<16xf32>,
      tpu.vector_store %arg13[%swap3A_205, %swap3A_206], %broadcast_in_dim3A_204 {strides = array<i32>} : memref<32x128xf32, #tpu.memory_space<vmem>>, vector<16xf32>,
      %broadcast_in_dim3A_208 = arith.constant 0.000000e+00 : f32
      %broadcast_in_dim3A_209 = vector.broadcast %broadcast_in_dim3A_208 : f32 to vector<16xf32>
      %swap3A_210 = arith.index_cast %scan3A_188 : i32 to index
      %swap3A_211 = arith.constant 64 : index
      %swap3A_212 = tpu.vector_load %arg13[%swap3A_210, %swap3A_211] {strides = array<i32>} : memref<32x128xf32, #tpu.memory_space<vmem>>, vector<16xf32>,
      tpu.vector_store %arg13[%swap3A_210, %swap3A_211], %broadcast_in_dim3A_209 {strides = array<i32>} : memref<32x128xf32, #tpu.memory_space<vmem>>, vector<16xf32>,
      %broadcast_in_dim3A_213 = arith.constant 0.000000e+00 : f32
      %broadcast_in_dim3A_214 = vector.broadcast %broadcast_in_dim3A_213 : f32 to vector<16xf32>
      %swap3A_215 = arith.index_cast %scan3A_188 : i32 to index
      %swap3A_216 = arith.constant 80 : index
      %swap3A_217 = tpu.vector_load %arg13[%swap3A_215, %swap3A_216] {strides = array<i32>} : memref<32x128xf32, #tpu.memory_space<vmem>>, vector<16xf32>,
      tpu.vector_store %arg13[%swap3A_215, %swap3A_216], %broadcast_in_dim3A_214 {strides = array<i32>} : memref<32x128xf32, #tpu.memory_space<vmem>>, vector<16xf32>,
      %broadcast_in_dim3A_218 = arith.constant 0.000000e+00 : f32
      %broadcast_in_dim3A_219 = vector.broadcast %broadcast_in_dim3A_218 : f32 to vector<16xf32>
      %swap3A_220 = arith.index_cast %scan3A_188 : i32 to index
      %swap3A_221 = arith.constant 96 : index
      %swap3A_222 = tpu.vector_load %arg13[%swap3A_220, %swap3A_221] {strides = array<i32>} : memref<32x128xf32, #tpu.memory_space<vmem>>, vector<16xf32>,
      tpu.vector_store %arg13[%swap3A_220, %swap3A_221], %broadcast_in_dim3A_219 {strides = array<i32>} : memref<32x128xf32, #tpu.memory_space<vmem>>, vector<16xf32>,
      %broadcast_in_dim3A_223 = arith.constant 0.000000e+00 : f32
      %broadcast_in_dim3A_224 = vector.broadcast %broadcast_in_dim3A_223 : f32 to vector<16xf32>
      %swap3A_225 = arith.index_cast %scan3A_188 : i32 to index
      %swap3A_226 = arith.constant 112 : index
      %swap3A_227 = tpu.vector_load %arg13[%swap3A_225, %swap3A_226] {strides = array<i32>} : memref<32x128xf32, #tpu.memory_space<vmem>>, vector<16xf32>,
      tpu.vector_store %arg13[%swap3A_225, %swap3A_226], %broadcast_in_dim3A_224 {strides = array<i32>} : memref<32x128xf32, #tpu.memory_space<vmem>>, vector<16xf32>,
      %scan3A_228 = arith.constant 0 : i32
      scf.yield %scan3A_228 : i32
    }
    %scan3A_6 = arith.constant 32 : i32
    "tpu.region"() ({
      %run_scoped3A_188 = tpu.sem_alloc : memref<!tpu.dma_semaphore, #tpu.memory_space<semaphore_mem>>
      %dma_start3A_189 = arith.constant 0 : i32
      %dma_start3A_190 = arith.constant 0 : i32
      %dma_start3A_191 = tpu.memref_slice %arg3[%add3A, %dma_start3A_189, %dma_start3A_190] : memref<32x125x80xi32, #tpu.memory_space<hbm>> -> memref<1x125x80xi32, #tpu.memory_space<hbm>>
      %dma_start3A_192 = tpu.memref_squeeze %dma_start3A_191 : memref<1x125x80xi32, #tpu.memory_space<hbm>> -> memref<125x80xi32, #tpu.memory_space<hbm>>
      %dma_start3A_193 = arith.constant 0 : i32
      %dma_start3A_194 = arith.constant 0 : i32
      %dma_start3A_195 = tpu.memref_slice %arg3[%add3A, %dma_start3A_193, %dma_start3A_194] : memref<32x125x80xi32, #tpu.memory_space<hbm>> -> memref<1x125x80xi32, #tpu.memory_space<hbm>>
      %dma_start3A_196 = tpu.memref_squeeze %dma_start3A_195 : memref<1x125x80xi32, #tpu.memory_space<hbm>> -> memref<125x80xi32, #tpu.memory_space<hbm>>
      tpu.enqueue_dma source(%dma_start3A_196 : memref<125x80xi32, #tpu.memory_space<hbm>>) target(%arg7 : memref<125x80xi32, #tpu.memory_space<vmem>>) target_semaphore(%run_scoped3A_188 : memref<!tpu.dma_semaphore, #tpu.memory_space<semaphore_mem>>)
      %dma_wait3A_197 = arith.constant 0 : i32
      %dma_wait3A_198 = arith.constant 0 : i32
      %dma_wait3A_199 = tpu.memref_slice %arg3[%add3A, %dma_wait3A_197, %dma_wait3A_198] : memref<32x125x80xi32, #tpu.memory_space<hbm>> -> memref<1x125x80xi32, #tpu.memory_space<hbm>>
      %dma_wait3A_200 = tpu.memref_squeeze %dma_wait3A_199 : memref<1x125x80xi32, #tpu.memory_space<hbm>> -> memref<125x80xi32, #tpu.memory_space<hbm>>
      %dma_wait3A_201 = arith.constant 0 : i32
      %dma_wait3A_202 = arith.constant 0 : i32
      %dma_wait3A_203 = tpu.memref_slice %arg3[%add3A, %dma_wait3A_201, %dma_wait3A_202] : memref<32x125x80xi32, #tpu.memory_space<hbm>> -> memref<1x125x80xi32, #tpu.memory_space<hbm>>
      %dma_wait3A_204 = tpu.memref_squeeze %dma_wait3A_203 : memref<1x125x80xi32, #tpu.memory_space<hbm>> -> memref<125x80xi32, #tpu.memory_space<hbm>>
      tpu.wait_dma2 semaphore(%run_scoped3A_188 : memref<!tpu.dma_semaphore, #tpu.memory_space<semaphore_mem>>) src(%dma_wait3A_204 : memref<125x80xi32, #tpu.memory_space<hbm>>) dst(%arg7 : memref<125x80xi32, #tpu.memory_space<vmem>>)
      tpu.yield
    }) : () -> ()
    "tpu.region"() ({
      %run_scoped3A_188 = tpu.sem_alloc : memref<!tpu.dma_semaphore, #tpu.memory_space<semaphore_mem>>
      %dma_start3A_189 = arith.constant 0 : i32
      %dma_start3A_190 = arith.constant 0 : i32
      %dma_start3A_191 = tpu.memref_slice %arg4[%add3A, %dma_start3A_189, %dma_start3A_190] : memref<32x125x80xi32, #tpu.memory_space<hbm>> -> memref<1x125x80xi32, #tpu.memory_space<hbm>>
      %dma_start3A_192 = tpu.memref_squeeze %dma_start3A_191 : memref<1x125x80xi32, #tpu.memory_space<hbm>> -> memref<125x80xi32, #tpu.memory_space<hbm>>
      %dma_start3A_193 = arith.constant 0 : i32
      %dma_start3A_194 = arith.constant 0 : i32
      %dma_start3A_195 = tpu.memref_slice %arg4[%add3A, %dma_start3A_193, %dma_start3A_194] : memref<32x125x80xi32, #tpu.memory_space<hbm>> -> memref<1x125x80xi32, #tpu.memory_space<hbm>>
      %dma_start3A_196 = tpu.memref_squeeze %dma_start3A_195 : memref<1x125x80xi32, #tpu.memory_space<hbm>> -> memref<125x80xi32, #tpu.memory_space<hbm>>
      tpu.enqueue_dma source(%dma_start3A_196 : memref<125x80xi32, #tpu.memory_space<hbm>>) target(%arg8 : memref<125x80xi32, #tpu.memory_space<vmem>>) target_semaphore(%run_scoped3A_188 : memref<!tpu.dma_semaphore, #tpu.memory_space<semaphore_mem>>)
      %dma_wait3A_197 = arith.constant 0 : i32
      %dma_wait3A_198 = arith.constant 0 : i32
      %dma_wait3A_199 = tpu.memref_slice %arg4[%add3A, %dma_wait3A_197, %dma_wait3A_198] : memref<32x125x80xi32, #tpu.memory_space<hbm>> -> memref<1x125x80xi32, #tpu.memory_space<hbm>>
      %dma_wait3A_200 = tpu.memref_squeeze %dma_wait3A_199 : memref<1x125x80xi32, #tpu.memory_space<hbm>> -> memref<125x80xi32, #tpu.memory_space<hbm>>
      %dma_wait3A_201 = arith.constant 0 : i32
      %dma_wait3A_202 = arith.constant 0 : i32
      %dma_wait3A_203 = tpu.memref_slice %arg4[%add3A, %dma_wait3A_201, %dma_wait3A_202] : memref<32x125x80xi32, #tpu.memory_space<hbm>> -> memref<1x125x80xi32, #tpu.memory_space<hbm>>
      %dma_wait3A_204 = tpu.memref_squeeze %dma_wait3A_203 : memref<1x125x80xi32, #tpu.memory_space<hbm>> -> memref<125x80xi32, #tpu.memory_space<hbm>>
      tpu.wait_dma2 semaphore(%run_scoped3A_188 : memref<!tpu.dma_semaphore, #tpu.memory_space<semaphore_mem>>) src(%dma_wait3A_204 : memref<125x80xi32, #tpu.memory_space<hbm>>) dst(%arg8 : memref<125x80xi32, #tpu.memory_space<vmem>>)
      tpu.yield
    }) : () -> ()
    "tpu.region"() ({
      %run_scoped3A_188 = tpu.sem_alloc : memref<!tpu.dma_semaphore, #tpu.memory_space<semaphore_mem>>
      %dma_start3A_189 = arith.constant 0 : i32
      %dma_start3A_190 = tpu.memref_slice %arg5[%add3A, %dma_start3A_189] : memref<32x10000xf32, #tpu.memory_space<hbm>> -> memref<1x10000xf32, #tpu.memory_space<hbm>>
      %dma_start3A_191 = tpu.memref_squeeze %dma_start3A_190 : memref<1x10000xf32, #tpu.memory_space<hbm>> -> memref<10000xf32, #tpu.memory_space<hbm>>
      %dma_start3A_192 = arith.constant 0 : i32
      %dma_start3A_193 = tpu.memref_slice %arg5[%add3A, %dma_start3A_192] : memref<32x10000xf32, #tpu.memory_space<hbm>> -> memref<1x10000xf32, #tpu.memory_space<hbm>>
      %dma_start3A_194 = tpu.memref_squeeze %dma_start3A_193 : memref<1x10000xf32, #tpu.memory_space<hbm>> -> memref<10000xf32, #tpu.memory_space<hbm>>
      tpu.enqueue_dma source(%dma_start3A_194 : memref<10000xf32, #tpu.memory_space<hbm>>) target(%arg10 : memref<10000xf32, #tpu.memory_space<vmem>>) target_semaphore(%run_scoped3A_188 : memref<!tpu.dma_semaphore, #tpu.memory_space<semaphore_mem>>)
      %dma_wait3A_195 = arith.constant 0 : i32
      %dma_wait3A_196 = tpu.memref_slice %arg5[%add3A, %dma_wait3A_195] : memref<32x10000xf32, #tpu.memory_space<hbm>> -> memref<1x10000xf32, #tpu.memory_space<hbm>>
      %dma_wait3A_197 = tpu.memref_squeeze %dma_wait3A_196 : memref<1x10000xf32, #tpu.memory_space<hbm>> -> memref<10000xf32, #tpu.memory_space<hbm>>
      %dma_wait3A_198 = arith.constant 0 : i32
      %dma_wait3A_199 = tpu.memref_slice %arg5[%add3A, %dma_wait3A_198] : memref<32x10000xf32, #tpu.memory_space<hbm>> -> memref<1x10000xf32, #tpu.memory_space<hbm>>
      %dma_wait3A_200 = tpu.memref_squeeze %dma_wait3A_199 : memref<1x10000xf32, #tpu.memory_space<hbm>> -> memref<10000xf32, #tpu.memory_space<hbm>>
      tpu.wait_dma2 semaphore(%run_scoped3A_188 : memref<!tpu.dma_semaphore, #tpu.memory_space<semaphore_mem>>) src(%dma_wait3A_200 : memref<10000xf32, #tpu.memory_space<hbm>>) dst(%arg10 : memref<10000xf32, #tpu.memory_space<vmem>>)
      tpu.yield
    }) : () -> ()
    %mul3A_7 = arith.constant 32 : i32
    %mul3A_8 = arith.muli %arg1, %mul3A_7 : i32
    %add3A_9 = arith.constant 5120 : i32
    %add3A_10 = arith.addi %add3A_9, %mul3A_8 : i32
    %scan3A_11 = arith.constant 0 : i32
    %scan3A_12 = arith.constant 0 : i32
    %scan3A_13 = arith.constant 125 : i32
    %scan3A_14 = arith.addi %scan3A_12, %scan3A_13 : i32
    %scan3A_15 = arith.constant 1 : i32
    %scan3A_16 = scf.for %scan3A_188 = %scan3A_12 to %scan3A_14 step %scan3A_15 iter_args(%scan3A_189 = %scan3A_11) -> (i32)  : i32 {
      %get3A = arith.index_cast %scan3A_188 : i32 to index
      %get3A_190 = arith.constant 0 : index
      %get3A_191 = tpu.vector_load %arg8[%get3A, %get3A_190] {strides = array<i32>} : memref<125x80xi32, #tpu.memory_space<vmem>>, vector<16xi32>,
      %sub3A = arith.constant 0 : i32
      %sub3A_192 = vector.broadcast %sub3A : i32 to vector<16xi32>
      %sub3A_193 = arith.subi %get3A_191, %sub3A_192 : vector<16xi32>
      %lt3A = arith.constant 0 : i32
      %lt3A_194 = vector.broadcast %lt3A : i32 to vector<16xi32>
      %lt3A_195 = arith.cmpi slt, %sub3A_193, %lt3A_194 : vector<16xi32>
      %ge3A = arith.constant 5120 : i32
      %ge3A_196 = vector.broadcast %ge3A : i32 to vector<16xi32>
      %ge3A_197 = arith.cmpi sge, %sub3A_193, %ge3A_196 : vector<16xi32>
      %or3A = arith.ori %lt3A_195, %ge3A_197 : vector<16xi1>
      %iota3A = tpu.iota {dimensions = array<i32: 0>} : vector<16xi32>
      %add3A_198 = arith.constant 0 : i32
      %add3A_199 = vector.broadcast %add3A_198 : i32 to vector<16xi32>
      %add3A_200 = arith.addi %add3A_199, %iota3A : vector<16xi32>
      %and3A = arith.constant 31 : i32
      %and3A_201 = vector.broadcast %and3A : i32 to vector<16xi32>
      %and3A_202 = arith.andi %add3A_200, %and3A_201 : vector<16xi32>
      %add3A_203 = vector.broadcast %add3A_10 : i32 to vector<16xi32>
      %add3A_204 = arith.addi %add3A_203, %and3A_202 : vector<16xi32>
      %select_n3A = arith.select %or3A, %add3A_204, %sub3A_193 : vector<16xi1>, vector<16xi32>
      %swap3A = arith.index_cast %scan3A_188 : i32 to index
      %swap3A_205 = arith.constant 0 : index
      %swap3A_206 = tpu.vector_load %arg9[%swap3A, %swap3A_205] {strides = array<i32>} : memref<125x80xi32, #tpu.memory_space<vmem>>, vector<16xi32>,
      tpu.vector_store %arg9[%swap3A, %swap3A_205], %select_n3A {strides = array<i32>} : memref<125x80xi32, #tpu.memory_space<vmem>>, vector<16xi32>,
      %get3A_207 = arith.index_cast %scan3A_188 : i32 to index
      %get3A_208 = arith.constant 16 : index
      %get3A_209 = tpu.vector_load %arg8[%get3A_207, %get3A_208] {strides = array<i32>} : memref<125x80xi32, #tpu.memory_space<vmem>>, vector<16xi32>,
      %sub3A_210 = arith.constant 0 : i32
      %sub3A_211 = vector.broadcast %sub3A_210 : i32 to vector<16xi32>
      %sub3A_212 = arith.subi %get3A_209, %sub3A_211 : vector<16xi32>
      %lt3A_213 = arith.constant 0 : i32
      %lt3A_214 = vector.broadcast %lt3A_213 : i32 to vector<16xi32>
      %lt3A_215 = arith.cmpi slt, %sub3A_212, %lt3A_214 : vector<16xi32>
      %ge3A_216 = arith.constant 5120 : i32
      %ge3A_217 = vector.broadcast %ge3A_216 : i32 to vector<16xi32>
      %ge3A_218 = arith.cmpi sge, %sub3A_212, %ge3A_217 : vector<16xi32>
      %or3A_219 = arith.ori %lt3A_215, %ge3A_218 : vector<16xi1>
      %iota3A_220 = tpu.iota {dimensions = array<i32: 0>} : vector<16xi32>
      %add3A_221 = arith.constant 16 : i32
      %add3A_222 = vector.broadcast %add3A_221 : i32 to vector<16xi32>
      %add3A_223 = arith.addi %add3A_222, %iota3A_220 : vector<16xi32>
      %and3A_224 = arith.constant 31 : i32
      %and3A_225 = vector.broadcast %and3A_224 : i32 to vector<16xi32>
      %and3A_226 = arith.andi %add3A_223, %and3A_225 : vector<16xi32>
      %add3A_227 = vector.broadcast %add3A_10 : i32 to vector<16xi32>
      %add3A_228 = arith.addi %add3A_227, %and3A_226 : vector<16xi32>
      %select_n3A_229 = arith.select %or3A_219, %add3A_228, %sub3A_212 : vector<16xi1>, vector<16xi32>
      %swap3A_230 = arith.index_cast %scan3A_188 : i32 to index
      %swap3A_231 = arith.constant 16 : index
      %swap3A_232 = tpu.vector_load %arg9[%swap3A_230, %swap3A_231] {strides = array<i32>} : memref<125x80xi32, #tpu.memory_space<vmem>>, vector<16xi32>,
      tpu.vector_store %arg9[%swap3A_230, %swap3A_231], %select_n3A_229 {strides = array<i32>} : memref<125x80xi32, #tpu.memory_space<vmem>>, vector<16xi32>,
      %get3A_233 = arith.index_cast %scan3A_188 : i32 to index
      %get3A_234 = arith.constant 32 : index
      %get3A_235 = tpu.vector_load %arg8[%get3A_233, %get3A_234] {strides = array<i32>} : memref<125x80xi32, #tpu.memory_space<vmem>>, vector<16xi32>,
      %sub3A_236 = arith.constant 0 : i32
      %sub3A_237 = vector.broadcast %sub3A_236 : i32 to vector<16xi32>
      %sub3A_238 = arith.subi %get3A_235, %sub3A_237 : vector<16xi32>
      %lt3A_239 = arith.constant 0 : i32
      %lt3A_240 = vector.broadcast %lt3A_239 : i32 to vector<16xi32>
      %lt3A_241 = arith.cmpi slt, %sub3A_238, %lt3A_240 : vector<16xi32>
      %ge3A_242 = arith.constant 5120 : i32
      %ge3A_243 = vector.broadcast %ge3A_242 : i32 to vector<16xi32>
      %ge3A_244 = arith.cmpi sge, %sub3A_238, %ge3A_243 : vector<16xi32>
      %or3A_245 = arith.ori %lt3A_241, %ge3A_244 : vector<16xi1>
      %iota3A_246 = tpu.iota {dimensions = array<i32: 0>} : vector<16xi32>
      %add3A_247 = arith.constant 32 : i32
      %add3A_248 = vector.broadcast %add3A_247 : i32 to vector<16xi32>
      %add3A_249 = arith.addi %add3A_248, %iota3A_246 : vector<16xi32>
      %and3A_250 = arith.constant 31 : i32
      %and3A_251 = vector.broadcast %and3A_250 : i32 to vector<16xi32>
      %and3A_252 = arith.andi %add3A_249, %and3A_251 : vector<16xi32>
      %add3A_253 = vector.broadcast %add3A_10 : i32 to vector<16xi32>
      %add3A_254 = arith.addi %add3A_253, %and3A_252 : vector<16xi32>
      %select_n3A_255 = arith.select %or3A_245, %add3A_254, %sub3A_238 : vector<16xi1>, vector<16xi32>
      %swap3A_256 = arith.index_cast %scan3A_188 : i32 to index
      %swap3A_257 = arith.constant 32 : index
      %swap3A_258 = tpu.vector_load %arg9[%swap3A_256, %swap3A_257] {strides = array<i32>} : memref<125x80xi32, #tpu.memory_space<vmem>>, vector<16xi32>,
      tpu.vector_store %arg9[%swap3A_256, %swap3A_257], %select_n3A_255 {strides = array<i32>} : memref<125x80xi32, #tpu.memory_space<vmem>>, vector<16xi32>,
      %get3A_259 = arith.index_cast %scan3A_188 : i32 to index
      %get3A_260 = arith.constant 48 : index
      %get3A_261 = tpu.vector_load %arg8[%get3A_259, %get3A_260] {strides = array<i32>} : memref<125x80xi32, #tpu.memory_space<vmem>>, vector<16xi32>,
      %sub3A_262 = arith.constant 0 : i32
      %sub3A_263 = vector.broadcast %sub3A_262 : i32 to vector<16xi32>
      %sub3A_264 = arith.subi %get3A_261, %sub3A_263 : vector<16xi32>
      %lt3A_265 = arith.constant 0 : i32
      %lt3A_266 = vector.broadcast %lt3A_265 : i32 to vector<16xi32>
      %lt3A_267 = arith.cmpi slt, %sub3A_264, %lt3A_266 : vector<16xi32>
      %ge3A_268 = arith.constant 5120 : i32
      %ge3A_269 = vector.broadcast %ge3A_268 : i32 to vector<16xi32>
      %ge3A_270 = arith.cmpi sge, %sub3A_264, %ge3A_269 : vector<16xi32>
      %or3A_271 = arith.ori %lt3A_267, %ge3A_270 : vector<16xi1>
      %iota3A_272 = tpu.iota {dimensions = array<i32: 0>} : vector<16xi32>
      %add3A_273 = arith.constant 48 : i32
      %add3A_274 = vector.broadcast %add3A_273 : i32 to vector<16xi32>
      %add3A_275 = arith.addi %add3A_274, %iota3A_272 : vector<16xi32>
      %and3A_276 = arith.constant 31 : i32
      %and3A_277 = vector.broadcast %and3A_276 : i32 to vector<16xi32>
      %and3A_278 = arith.andi %add3A_275, %and3A_277 : vector<16xi32>
      %add3A_279 = vector.broadcast %add3A_10 : i32 to vector<16xi32>
      %add3A_280 = arith.addi %add3A_279, %and3A_278 : vector<16xi32>
      %select_n3A_281 = arith.select %or3A_271, %add3A_280, %sub3A_264 : vector<16xi1>, vector<16xi32>
      %swap3A_282 = arith.index_cast %scan3A_188 : i32 to index
      %swap3A_283 = arith.constant 48 : index
      %swap3A_284 = tpu.vector_load %arg9[%swap3A_282, %swap3A_283] {strides = array<i32>} : memref<125x80xi32, #tpu.memory_space<vmem>>, vector<16xi32>,
      tpu.vector_store %arg9[%swap3A_282, %swap3A_283], %select_n3A_281 {strides = array<i32>} : memref<125x80xi32, #tpu.memory_space<vmem>>, vector<16xi32>,
      %get3A_285 = arith.index_cast %scan3A_188 : i32 to index
      %get3A_286 = arith.constant 64 : index
      %get3A_287 = tpu.vector_load %arg8[%get3A_285, %get3A_286] {strides = array<i32>} : memref<125x80xi32, #tpu.memory_space<vmem>>, vector<16xi32>,
      %sub3A_288 = arith.constant 0 : i32
      %sub3A_289 = vector.broadcast %sub3A_288 : i32 to vector<16xi32>
      %sub3A_290 = arith.subi %get3A_287, %sub3A_289 : vector<16xi32>
      %lt3A_291 = arith.constant 0 : i32
      %lt3A_292 = vector.broadcast %lt3A_291 : i32 to vector<16xi32>
      %lt3A_293 = arith.cmpi slt, %sub3A_290, %lt3A_292 : vector<16xi32>
      %ge3A_294 = arith.constant 5120 : i32
      %ge3A_295 = vector.broadcast %ge3A_294 : i32 to vector<16xi32>
      %ge3A_296 = arith.cmpi sge, %sub3A_290, %ge3A_295 : vector<16xi32>
      %or3A_297 = arith.ori %lt3A_293, %ge3A_296 : vector<16xi1>
      %iota3A_298 = tpu.iota {dimensions = array<i32: 0>} : vector<16xi32>
      %add3A_299 = arith.constant 64 : i32
      %add3A_300 = vector.broadcast %add3A_299 : i32 to vector<16xi32>
      %add3A_301 = arith.addi %add3A_300, %iota3A_298 : vector<16xi32>
      %and3A_302 = arith.constant 31 : i32
      %and3A_303 = vector.broadcast %and3A_302 : i32 to vector<16xi32>
      %and3A_304 = arith.andi %add3A_301, %and3A_303 : vector<16xi32>
      %add3A_305 = vector.broadcast %add3A_10 : i32 to vector<16xi32>
      %add3A_306 = arith.addi %add3A_305, %and3A_304 : vector<16xi32>
      %select_n3A_307 = arith.select %or3A_297, %add3A_306, %sub3A_290 : vector<16xi1>, vector<16xi32>
      %swap3A_308 = arith.index_cast %scan3A_188 : i32 to index
      %swap3A_309 = arith.constant 64 : index
      %swap3A_310 = tpu.vector_load %arg9[%swap3A_308, %swap3A_309] {strides = array<i32>} : memref<125x80xi32, #tpu.memory_space<vmem>>, vector<16xi32>,
      tpu.vector_store %arg9[%swap3A_308, %swap3A_309], %select_n3A_307 {strides = array<i32>} : memref<125x80xi32, #tpu.memory_space<vmem>>, vector<16xi32>,
      %scan3A_311 = arith.constant 0 : i32
      scf.yield %scan3A_311 : i32
    }
    %scan3A_17 = arith.constant 125 : i32
    %mul3A_18 = arith.constant 352 : i32
    %mul3A_19 = arith.muli %arg1, %mul3A_18 : i32
    %add3A_20 = arith.constant 0 : i32
    %add3A_21 = arith.addi %mul3A_19, %add3A_20 : i32
    "tpu.region"() ({
      %run_scoped3A_188 = tpu.sem_alloc : memref<!tpu.dma_semaphore, #tpu.memory_space<semaphore_mem>>
      %dma_start3A_189 = arith.constant 0 : i32
      %dma_start3A_190 = tpu.memref_slice %arg14[%add3A_21, %dma_start3A_189] : memref<5632x128xf32, #tpu.memory_space<vmem_shared>> -> memref<32x128xf32, #tpu.memory_space<vmem_shared>>
      %dma_start3A_191 = arith.constant 0 : i32
      %dma_start3A_192 = tpu.memref_slice %arg14[%add3A_21, %dma_start3A_191] : memref<5632x128xf32, #tpu.memory_space<vmem_shared>> -> memref<32x128xf32, #tpu.memory_space<vmem_shared>>
      tpu.enqueue_dma source(%arg13 : memref<32x128xf32, #tpu.memory_space<vmem>>) target(%dma_start3A_192 : memref<32x128xf32, #tpu.memory_space<vmem_shared>>) target_semaphore(%run_scoped3A_188 : memref<!tpu.dma_semaphore, #tpu.memory_space<semaphore_mem>>)
      %dma_wait3A_193 = arith.constant 0 : i32
      %dma_wait3A_194 = tpu.memref_slice %arg14[%add3A_21, %dma_wait3A_193] : memref<5632x128xf32, #tpu.memory_space<vmem_shared>> -> memref<32x128xf32, #tpu.memory_space<vmem_shared>>
      %dma_wait3A_195 = arith.constant 0 : i32
      %dma_wait3A_196 = tpu.memref_slice %arg14[%add3A_21, %dma_wait3A_195] : memref<5632x128xf32, #tpu.memory_space<vmem_shared>> -> memref<32x128xf32, #tpu.memory_space<vmem_shared>>
      tpu.wait_dma2 semaphore(%run_scoped3A_188 : memref<!tpu.dma_semaphore, #tpu.memory_space<semaphore_mem>>) src(%arg13 : memref<32x128xf32, #tpu.memory_space<vmem>>) dst(%dma_wait3A_196 : memref<32x128xf32, #tpu.memory_space<vmem_shared>>)
      tpu.yield
    }) : () -> ()
    %mul3A_22 = arith.constant 352 : i32
    %mul3A_23 = arith.muli %arg1, %mul3A_22 : i32
    %add3A_24 = arith.constant 32 : i32
    %add3A_25 = arith.addi %mul3A_23, %add3A_24 : i32
    "tpu.region"() ({
      %run_scoped3A_188 = tpu.sem_alloc : memref<!tpu.dma_semaphore, #tpu.memory_space<semaphore_mem>>
      %dma_start3A_189 = arith.constant 0 : i32
      %dma_start3A_190 = tpu.memref_slice %arg14[%add3A_25, %dma_start3A_189] : memref<5632x128xf32, #tpu.memory_space<vmem_shared>> -> memref<32x128xf32, #tpu.memory_space<vmem_shared>>
      %dma_start3A_191 = arith.constant 0 : i32
      %dma_start3A_192 = tpu.memref_slice %arg14[%add3A_25, %dma_start3A_191] : memref<5632x128xf32, #tpu.memory_space<vmem_shared>> -> memref<32x128xf32, #tpu.memory_space<vmem_shared>>
      tpu.enqueue_dma source(%arg13 : memref<32x128xf32, #tpu.memory_space<vmem>>) target(%dma_start3A_192 : memref<32x128xf32, #tpu.memory_space<vmem_shared>>) target_semaphore(%run_scoped3A_188 : memref<!tpu.dma_semaphore, #tpu.memory_space<semaphore_mem>>)
      %dma_wait3A_193 = arith.constant 0 : i32
      %dma_wait3A_194 = tpu.memref_slice %arg14[%add3A_25, %dma_wait3A_193] : memref<5632x128xf32, #tpu.memory_space<vmem_shared>> -> memref<32x128xf32, #tpu.memory_space<vmem_shared>>
      %dma_wait3A_195 = arith.constant 0 : i32
      %dma_wait3A_196 = tpu.memref_slice %arg14[%add3A_25, %dma_wait3A_195] : memref<5632x128xf32, #tpu.memory_space<vmem_shared>> -> memref<32x128xf32, #tpu.memory_space<vmem_shared>>
      tpu.wait_dma2 semaphore(%run_scoped3A_188 : memref<!tpu.dma_semaphore, #tpu.memory_space<semaphore_mem>>) src(%arg13 : memref<32x128xf32, #tpu.memory_space<vmem>>) dst(%dma_wait3A_196 : memref<32x128xf32, #tpu.memory_space<vmem_shared>>)
      tpu.yield
    }) : () -> ()
    %mul3A_26 = arith.constant 352 : i32
    %mul3A_27 = arith.muli %arg1, %mul3A_26 : i32
    %add3A_28 = arith.constant 64 : i32
    %add3A_29 = arith.addi %mul3A_27, %add3A_28 : i32
    "tpu.region"() ({
      %run_scoped3A_188 = tpu.sem_alloc : memref<!tpu.dma_semaphore, #tpu.memory_space<semaphore_mem>>
      %dma_start3A_189 = arith.constant 0 : i32
      %dma_start3A_190 = tpu.memref_slice %arg14[%add3A_29, %dma_start3A_189] : memref<5632x128xf32, #tpu.memory_space<vmem_shared>> -> memref<32x128xf32, #tpu.memory_space<vmem_shared>>
      %dma_start3A_191 = arith.constant 0 : i32
      %dma_start3A_192 = tpu.memref_slice %arg14[%add3A_29, %dma_start3A_191] : memref<5632x128xf32, #tpu.memory_space<vmem_shared>> -> memref<32x128xf32, #tpu.memory_space<vmem_shared>>
      tpu.enqueue_dma source(%arg13 : memref<32x128xf32, #tpu.memory_space<vmem>>) target(%dma_start3A_192 : memref<32x128xf32, #tpu.memory_space<vmem_shared>>) target_semaphore(%run_scoped3A_188 : memref<!tpu.dma_semaphore, #tpu.memory_space<semaphore_mem>>)
      %dma_wait3A_193 = arith.constant 0 : i32
      %dma_wait3A_194 = tpu.memref_slice %arg14[%add3A_29, %dma_wait3A_193] : memref<5632x128xf32, #tpu.memory_space<vmem_shared>> -> memref<32x128xf32, #tpu.memory_space<vmem_shared>>
      %dma_wait3A_195 = arith.constant 0 : i32
      %dma_wait3A_196 = tpu.memref_slice %arg14[%add3A_29, %dma_wait3A_195] : memref<5632x128xf32, #tpu.memory_space<vmem_shared>> -> memref<32x128xf32, #tpu.memory_space<vmem_shared>>
      tpu.wait_dma2 semaphore(%run_scoped3A_188 : memref<!tpu.dma_semaphore, #tpu.memory_space<semaphore_mem>>) src(%arg13 : memref<32x128xf32, #tpu.memory_space<vmem>>) dst(%dma_wait3A_196 : memref<32x128xf32, #tpu.memory_space<vmem_shared>>)
      tpu.yield
    }) : () -> ()
    %mul3A_30 = arith.constant 352 : i32
    %mul3A_31 = arith.muli %arg1, %mul3A_30 : i32
    %add3A_32 = arith.constant 96 : i32
    %add3A_33 = arith.addi %mul3A_31, %add3A_32 : i32
    "tpu.region"() ({
      %run_scoped3A_188 = tpu.sem_alloc : memref<!tpu.dma_semaphore, #tpu.memory_space<semaphore_mem>>
      %dma_start3A_189 = arith.constant 0 : i32
      %dma_start3A_190 = tpu.memref_slice %arg14[%add3A_33, %dma_start3A_189] : memref<5632x128xf32, #tpu.memory_space<vmem_shared>> -> memref<32x128xf32, #tpu.memory_space<vmem_shared>>
      %dma_start3A_191 = arith.constant 0 : i32
      %dma_start3A_192 = tpu.memref_slice %arg14[%add3A_33, %dma_start3A_191] : memref<5632x128xf32, #tpu.memory_space<vmem_shared>> -> memref<32x128xf32, #tpu.memory_space<vmem_shared>>
      tpu.enqueue_dma source(%arg13 : memref<32x128xf32, #tpu.memory_space<vmem>>) target(%dma_start3A_192 : memref<32x128xf32, #tpu.memory_space<vmem_shared>>) target_semaphore(%run_scoped3A_188 : memref<!tpu.dma_semaphore, #tpu.memory_space<semaphore_mem>>)
      %dma_wait3A_193 = arith.constant 0 : i32
      %dma_wait3A_194 = tpu.memref_slice %arg14[%add3A_33, %dma_wait3A_193] : memref<5632x128xf32, #tpu.memory_space<vmem_shared>> -> memref<32x128xf32, #tpu.memory_space<vmem_shared>>
      %dma_wait3A_195 = arith.constant 0 : i32
      %dma_wait3A_196 = tpu.memref_slice %arg14[%add3A_33, %dma_wait3A_195] : memref<5632x128xf32, #tpu.memory_space<vmem_shared>> -> memref<32x128xf32, #tpu.memory_space<vmem_shared>>
      tpu.wait_dma2 semaphore(%run_scoped3A_188 : memref<!tpu.dma_semaphore, #tpu.memory_space<semaphore_mem>>) src(%arg13 : memref<32x128xf32, #tpu.memory_space<vmem>>) dst(%dma_wait3A_196 : memref<32x128xf32, #tpu.memory_space<vmem_shared>>)
      tpu.yield
    }) : () -> ()
    %mul3A_34 = arith.constant 352 : i32
    %mul3A_35 = arith.muli %arg1, %mul3A_34 : i32
    %add3A_36 = arith.constant 128 : i32
    %add3A_37 = arith.addi %mul3A_35, %add3A_36 : i32
    "tpu.region"() ({
      %run_scoped3A_188 = tpu.sem_alloc : memref<!tpu.dma_semaphore, #tpu.memory_space<semaphore_mem>>
      %dma_start3A_189 = arith.constant 0 : i32
      %dma_start3A_190 = tpu.memref_slice %arg14[%add3A_37, %dma_start3A_189] : memref<5632x128xf32, #tpu.memory_space<vmem_shared>> -> memref<32x128xf32, #tpu.memory_space<vmem_shared>>
      %dma_start3A_191 = arith.constant 0 : i32
      %dma_start3A_192 = tpu.memref_slice %arg14[%add3A_37, %dma_start3A_191] : memref<5632x128xf32, #tpu.memory_space<vmem_shared>> -> memref<32x128xf32, #tpu.memory_space<vmem_shared>>
      tpu.enqueue_dma source(%arg13 : memref<32x128xf32, #tpu.memory_space<vmem>>) target(%dma_start3A_192 : memref<32x128xf32, #tpu.memory_space<vmem_shared>>) target_semaphore(%run_scoped3A_188 : memref<!tpu.dma_semaphore, #tpu.memory_space<semaphore_mem>>)
      %dma_wait3A_193 = arith.constant 0 : i32
      %dma_wait3A_194 = tpu.memref_slice %arg14[%add3A_37, %dma_wait3A_193] : memref<5632x128xf32, #tpu.memory_space<vmem_shared>> -> memref<32x128xf32, #tpu.memory_space<vmem_shared>>
      %dma_wait3A_195 = arith.constant 0 : i32
      %dma_wait3A_196 = tpu.memref_slice %arg14[%add3A_37, %dma_wait3A_195] : memref<5632x128xf32, #tpu.memory_space<vmem_shared>> -> memref<32x128xf32, #tpu.memory_space<vmem_shared>>
      tpu.wait_dma2 semaphore(%run_scoped3A_188 : memref<!tpu.dma_semaphore, #tpu.memory_space<semaphore_mem>>) src(%arg13 : memref<32x128xf32, #tpu.memory_space<vmem>>) dst(%dma_wait3A_196 : memref<32x128xf32, #tpu.memory_space<vmem_shared>>)
      tpu.yield
    }) : () -> ()
    %mul3A_38 = arith.constant 352 : i32
    %mul3A_39 = arith.muli %arg1, %mul3A_38 : i32
    %add3A_40 = arith.constant 160 : i32
    %add3A_41 = arith.addi %mul3A_39, %add3A_40 : i32
    "tpu.region"() ({
      %run_scoped3A_188 = tpu.sem_alloc : memref<!tpu.dma_semaphore, #tpu.memory_space<semaphore_mem>>
      %dma_start3A_189 = arith.constant 0 : i32
      %dma_start3A_190 = tpu.memref_slice %arg14[%add3A_41, %dma_start3A_189] : memref<5632x128xf32, #tpu.memory_space<vmem_shared>> -> memref<32x128xf32, #tpu.memory_space<vmem_shared>>
      %dma_start3A_191 = arith.constant 0 : i32
      %dma_start3A_192 = tpu.memref_slice %arg14[%add3A_41, %dma_start3A_191] : memref<5632x128xf32, #tpu.memory_space<vmem_shared>> -> memref<32x128xf32, #tpu.memory_space<vmem_shared>>
      tpu.enqueue_dma source(%arg13 : memref<32x128xf32, #tpu.memory_space<vmem>>) target(%dma_start3A_192 : memref<32x128xf32, #tpu.memory_space<vmem_shared>>) target_semaphore(%run_scoped3A_188 : memref<!tpu.dma_semaphore, #tpu.memory_space<semaphore_mem>>)
      %dma_wait3A_193 = arith.constant 0 : i32
      %dma_wait3A_194 = tpu.memref_slice %arg14[%add3A_41, %dma_wait3A_193] : memref<5632x128xf32, #tpu.memory_space<vmem_shared>> -> memref<32x128xf32, #tpu.memory_space<vmem_shared>>
      %dma_wait3A_195 = arith.constant 0 : i32
      %dma_wait3A_196 = tpu.memref_slice %arg14[%add3A_41, %dma_wait3A_195] : memref<5632x128xf32, #tpu.memory_space<vmem_shared>> -> memref<32x128xf32, #tpu.memory_space<vmem_shared>>
      tpu.wait_dma2 semaphore(%run_scoped3A_188 : memref<!tpu.dma_semaphore, #tpu.memory_space<semaphore_mem>>) src(%arg13 : memref<32x128xf32, #tpu.memory_space<vmem>>) dst(%dma_wait3A_196 : memref<32x128xf32, #tpu.memory_space<vmem_shared>>)
      tpu.yield
    }) : () -> ()
    %mul3A_42 = arith.constant 352 : i32
    %mul3A_43 = arith.muli %arg1, %mul3A_42 : i32
    %add3A_44 = arith.constant 192 : i32
    %add3A_45 = arith.addi %mul3A_43, %add3A_44 : i32
    "tpu.region"() ({
      %run_scoped3A_188 = tpu.sem_alloc : memref<!tpu.dma_semaphore, #tpu.memory_space<semaphore_mem>>
      %dma_start3A_189 = arith.constant 0 : i32
      %dma_start3A_190 = tpu.memref_slice %arg14[%add3A_45, %dma_start3A_189] : memref<5632x128xf32, #tpu.memory_space<vmem_shared>> -> memref<32x128xf32, #tpu.memory_space<vmem_shared>>
      %dma_start3A_191 = arith.constant 0 : i32
      %dma_start3A_192 = tpu.memref_slice %arg14[%add3A_45, %dma_start3A_191] : memref<5632x128xf32, #tpu.memory_space<vmem_shared>> -> memref<32x128xf32, #tpu.memory_space<vmem_shared>>
      tpu.enqueue_dma source(%arg13 : memref<32x128xf32, #tpu.memory_space<vmem>>) target(%dma_start3A_192 : memref<32x128xf32, #tpu.memory_space<vmem_shared>>) target_semaphore(%run_scoped3A_188 : memref<!tpu.dma_semaphore, #tpu.memory_space<semaphore_mem>>)
      %dma_wait3A_193 = arith.constant 0 : i32
      %dma_wait3A_194 = tpu.memref_slice %arg14[%add3A_45, %dma_wait3A_193] : memref<5632x128xf32, #tpu.memory_space<vmem_shared>> -> memref<32x128xf32, #tpu.memory_space<vmem_shared>>
      %dma_wait3A_195 = arith.constant 0 : i32
      %dma_wait3A_196 = tpu.memref_slice %arg14[%add3A_45, %dma_wait3A_195] : memref<5632x128xf32, #tpu.memory_space<vmem_shared>> -> memref<32x128xf32, #tpu.memory_space<vmem_shared>>
      tpu.wait_dma2 semaphore(%run_scoped3A_188 : memref<!tpu.dma_semaphore, #tpu.memory_space<semaphore_mem>>) src(%arg13 : memref<32x128xf32, #tpu.memory_space<vmem>>) dst(%dma_wait3A_196 : memref<32x128xf32, #tpu.memory_space<vmem_shared>>)
      tpu.yield
    }) : () -> ()
    %mul3A_46 = arith.constant 352 : i32
    %mul3A_47 = arith.muli %arg1, %mul3A_46 : i32
    %add3A_48 = arith.constant 224 : i32
    %add3A_49 = arith.addi %mul3A_47, %add3A_48 : i32
    "tpu.region"() ({
      %run_scoped3A_188 = tpu.sem_alloc : memref<!tpu.dma_semaphore, #tpu.memory_space<semaphore_mem>>
      %dma_start3A_189 = arith.constant 0 : i32
      %dma_start3A_190 = tpu.memref_slice %arg14[%add3A_49, %dma_start3A_189] : memref<5632x128xf32, #tpu.memory_space<vmem_shared>> -> memref<32x128xf32, #tpu.memory_space<vmem_shared>>
      %dma_start3A_191 = arith.constant 0 : i32
      %dma_start3A_192 = tpu.memref_slice %arg14[%add3A_49, %dma_start3A_191] : memref<5632x128xf32, #tpu.memory_space<vmem_shared>> -> memref<32x128xf32, #tpu.memory_space<vmem_shared>>
      tpu.enqueue_dma source(%arg13 : memref<32x128xf32, #tpu.memory_space<vmem>>) target(%dma_start3A_192 : memref<32x128xf32, #tpu.memory_space<vmem_shared>>) target_semaphore(%run_scoped3A_188 : memref<!tpu.dma_semaphore, #tpu.memory_space<semaphore_mem>>)
      %dma_wait3A_193 = arith.constant 0 : i32
      %dma_wait3A_194 = tpu.memref_slice %arg14[%add3A_49, %dma_wait3A_193] : memref<5632x128xf32, #tpu.memory_space<vmem_shared>> -> memref<32x128xf32, #tpu.memory_space<vmem_shared>>
      %dma_wait3A_195 = arith.constant 0 : i32
      %dma_wait3A_196 = tpu.memref_slice %arg14[%add3A_49, %dma_wait3A_195] : memref<5632x128xf32, #tpu.memory_space<vmem_shared>> -> memref<32x128xf32, #tpu.memory_space<vmem_shared>>
      tpu.wait_dma2 semaphore(%run_scoped3A_188 : memref<!tpu.dma_semaphore, #tpu.memory_space<semaphore_mem>>) src(%arg13 : memref<32x128xf32, #tpu.memory_space<vmem>>) dst(%dma_wait3A_196 : memref<32x128xf32, #tpu.memory_space<vmem_shared>>)
      tpu.yield
    }) : () -> ()
    %mul3A_50 = arith.constant 352 : i32
    %mul3A_51 = arith.muli %arg1, %mul3A_50 : i32
    %add3A_52 = arith.constant 256 : i32
    %add3A_53 = arith.addi %mul3A_51, %add3A_52 : i32
    "tpu.region"() ({
      %run_scoped3A_188 = tpu.sem_alloc : memref<!tpu.dma_semaphore, #tpu.memory_space<semaphore_mem>>
      %dma_start3A_189 = arith.constant 0 : i32
      %dma_start3A_190 = tpu.memref_slice %arg14[%add3A_53, %dma_start3A_189] : memref<5632x128xf32, #tpu.memory_space<vmem_shared>> -> memref<32x128xf32, #tpu.memory_space<vmem_shared>>
      %dma_start3A_191 = arith.constant 0 : i32
      %dma_start3A_192 = tpu.memref_slice %arg14[%add3A_53, %dma_start3A_191] : memref<5632x128xf32, #tpu.memory_space<vmem_shared>> -> memref<32x128xf32, #tpu.memory_space<vmem_shared>>
      tpu.enqueue_dma source(%arg13 : memref<32x128xf32, #tpu.memory_space<vmem>>) target(%dma_start3A_192 : memref<32x128xf32, #tpu.memory_space<vmem_shared>>) target_semaphore(%run_scoped3A_188 : memref<!tpu.dma_semaphore, #tpu.memory_space<semaphore_mem>>)
      %dma_wait3A_193 = arith.constant 0 : i32
      %dma_wait3A_194 = tpu.memref_slice %arg14[%add3A_53, %dma_wait3A_193] : memref<5632x128xf32, #tpu.memory_space<vmem_shared>> -> memref<32x128xf32, #tpu.memory_space<vmem_shared>>
      %dma_wait3A_195 = arith.constant 0 : i32
      %dma_wait3A_196 = tpu.memref_slice %arg14[%add3A_53, %dma_wait3A_195] : memref<5632x128xf32, #tpu.memory_space<vmem_shared>> -> memref<32x128xf32, #tpu.memory_space<vmem_shared>>
      tpu.wait_dma2 semaphore(%run_scoped3A_188 : memref<!tpu.dma_semaphore, #tpu.memory_space<semaphore_mem>>) src(%arg13 : memref<32x128xf32, #tpu.memory_space<vmem>>) dst(%dma_wait3A_196 : memref<32x128xf32, #tpu.memory_space<vmem_shared>>)
      tpu.yield
    }) : () -> ()
    %mul3A_54 = arith.constant 352 : i32
    %mul3A_55 = arith.muli %arg1, %mul3A_54 : i32
    %add3A_56 = arith.constant 288 : i32
    %add3A_57 = arith.addi %mul3A_55, %add3A_56 : i32
    "tpu.region"() ({
      %run_scoped3A_188 = tpu.sem_alloc : memref<!tpu.dma_semaphore, #tpu.memory_space<semaphore_mem>>
      %dma_start3A_189 = arith.constant 0 : i32
      %dma_start3A_190 = tpu.memref_slice %arg14[%add3A_57, %dma_start3A_189] : memref<5632x128xf32, #tpu.memory_space<vmem_shared>> -> memref<32x128xf32, #tpu.memory_space<vmem_shared>>
      %dma_start3A_191 = arith.constant 0 : i32
      %dma_start3A_192 = tpu.memref_slice %arg14[%add3A_57, %dma_start3A_191] : memref<5632x128xf32, #tpu.memory_space<vmem_shared>> -> memref<32x128xf32, #tpu.memory_space<vmem_shared>>
      tpu.enqueue_dma source(%arg13 : memref<32x128xf32, #tpu.memory_space<vmem>>) target(%dma_start3A_192 : memref<32x128xf32, #tpu.memory_space<vmem_shared>>) target_semaphore(%run_scoped3A_188 : memref<!tpu.dma_semaphore, #tpu.memory_space<semaphore_mem>>)
      %dma_wait3A_193 = arith.constant 0 : i32
      %dma_wait3A_194 = tpu.memref_slice %arg14[%add3A_57, %dma_wait3A_193] : memref<5632x128xf32, #tpu.memory_space<vmem_shared>> -> memref<32x128xf32, #tpu.memory_space<vmem_shared>>
      %dma_wait3A_195 = arith.constant 0 : i32
      %dma_wait3A_196 = tpu.memref_slice %arg14[%add3A_57, %dma_wait3A_195] : memref<5632x128xf32, #tpu.memory_space<vmem_shared>> -> memref<32x128xf32, #tpu.memory_space<vmem_shared>>
      tpu.wait_dma2 semaphore(%run_scoped3A_188 : memref<!tpu.dma_semaphore, #tpu.memory_space<semaphore_mem>>) src(%arg13 : memref<32x128xf32, #tpu.memory_space<vmem>>) dst(%dma_wait3A_196 : memref<32x128xf32, #tpu.memory_space<vmem_shared>>)
      tpu.yield
    }) : () -> ()
    %mul3A_58 = arith.constant 352 : i32
    %mul3A_59 = arith.muli %arg1, %mul3A_58 : i32
    %add3A_60 = arith.constant 320 : i32
    %add3A_61 = arith.addi %mul3A_59, %add3A_60 : i32
    "tpu.region"() ({
      %run_scoped3A_188 = tpu.sem_alloc : memref<!tpu.dma_semaphore, #tpu.memory_space<semaphore_mem>>
      %dma_start3A_189 = arith.constant 0 : i32
      %dma_start3A_190 = tpu.memref_slice %arg14[%add3A_61, %dma_start3A_189] : memref<5632x128xf32, #tpu.memory_space<vmem_shared>> -> memref<32x128xf32, #tpu.memory_space<vmem_shared>>
      %dma_start3A_191 = arith.constant 0 : i32
      %dma_start3A_192 = tpu.memref_slice %arg14[%add3A_61, %dma_start3A_191] : memref<5632x128xf32, #tpu.memory_space<vmem_shared>> -> memref<32x128xf32, #tpu.memory_space<vmem_shared>>
      tpu.enqueue_dma source(%arg13 : memref<32x128xf32, #tpu.memory_space<vmem>>) target(%dma_start3A_192 : memref<32x128xf32, #tpu.memory_space<vmem_shared>>) target_semaphore(%run_scoped3A_188 : memref<!tpu.dma_semaphore, #tpu.memory_space<semaphore_mem>>)
      %dma_wait3A_193 = arith.constant 0 : i32
      %dma_wait3A_194 = tpu.memref_slice %arg14[%add3A_61, %dma_wait3A_193] : memref<5632x128xf32, #tpu.memory_space<vmem_shared>> -> memref<32x128xf32, #tpu.memory_space<vmem_shared>>
      %dma_wait3A_195 = arith.constant 0 : i32
      %dma_wait3A_196 = tpu.memref_slice %arg14[%add3A_61, %dma_wait3A_195] : memref<5632x128xf32, #tpu.memory_space<vmem_shared>> -> memref<32x128xf32, #tpu.memory_space<vmem_shared>>
      tpu.wait_dma2 semaphore(%run_scoped3A_188 : memref<!tpu.dma_semaphore, #tpu.memory_space<semaphore_mem>>) src(%arg13 : memref<32x128xf32, #tpu.memory_space<vmem>>) dst(%dma_wait3A_196 : memref<32x128xf32, #tpu.memory_space<vmem_shared>>)
      tpu.yield
    }) : () -> ()
    %barrier3A = arith.constant 0 : index
    tpu.barrier barrier_id(%barrier3A)
    %dma_start3A = arith.constant 0 : i32
    %dma_start3A_62 = arith.constant 0 : i32
    %dma_start3A_63 = tpu.memref_slice %arg7[%dma_start3A, %dma_start3A_62] : memref<125x80xi32, #tpu.memory_space<vmem>> -> memref<1x80xi32, #tpu.memory_space<vmem>>
    %dma_start3A_64 = tpu.memref_squeeze %dma_start3A_63 : memref<1x80xi32, #tpu.memory_space<vmem>> -> memref<80xi32, #tpu.memory_space<vmem>>
    %dma_start3A_65 = arith.constant 0 : i32
    %dma_start3A_66 = arith.constant 0 : i32
    %dma_start3A_67 = tpu.memref_slice %arg2[%dma_start3A_65, %dma_start3A_66] : memref<10000x128xf32, #tpu.memory_space<hbm>> -> memref<10000x128xf32, #tpu.memory_space<hbm>>
    tpu.enqueue_indirect_dma source(%dma_start3A_67 : memref<10000x128xf32, #tpu.memory_space<hbm>>) target(%arg11 : memref<80x128xf32, #tpu.memory_space<vmem>>) offsets(%dma_start3A_64 : memref<80xi32, #tpu.memory_space<vmem>>) semaphore(%arg15 : memref<!tpu.dma_semaphore, #tpu.memory_space<semaphore_mem>>)
    %scan3A_68 = arith.constant 0 : i32
    %scan3A_69 = arith.constant 0 : i32
    %scan3A_70 = arith.constant 62 : i32
    %scan3A_71 = arith.addi %scan3A_69, %scan3A_70 : i32
    %scan3A_72 = arith.constant 1 : i32
    %scan3A_73 = scf.for %scan3A_188 = %scan3A_69 to %scan3A_71 step %scan3A_72 iter_args(%scan3A_189 = %scan3A_68) -> (i32)  : i32 {
      %mul3A_190 = arith.constant 2 : i32
      %mul3A_191 = arith.muli %mul3A_190, %scan3A_188 : i32
      %mul3A_192 = arith.constant 2 : i32
      %mul3A_193 = arith.muli %mul3A_192, %scan3A_188 : i32
      %add3A_194 = arith.constant 1 : i32
      %add3A_195 = arith.addi %mul3A_193, %add3A_194 : i32
      %gt3A = arith.constant 0 : i32
      %gt3A_196 = arith.cmpi sgt, %scan3A_188, %gt3A : i32
      %convert_element_type3A = arith.extui %gt3A_196 : i1 to i32
      %cond3A = arith.constant 0 : i32
      %cond3A_197 = arith.cmpi ne, %convert_element_type3A, %cond3A : i32
      scf.if %cond3A_197 {
        %dma_wait3A_249 = arith.constant 0 : i32
        %dma_wait3A_250 = tpu.memref_slice %arg9[%add3A_195, %dma_wait3A_249] : memref<125x80xi32, #tpu.memory_space<vmem>> -> memref<1x80xi32, #tpu.memory_space<vmem>>
        %dma_wait3A_251 = tpu.memref_squeeze %dma_wait3A_250 : memref<1x80xi32, #tpu.memory_space<vmem>> -> memref<80xi32, #tpu.memory_space<vmem>>
        %dma_wait3A_252 = arith.constant 0 : i32
        %dma_wait3A_253 = arith.constant 0 : i32
        %dma_wait3A_254 = tpu.memref_slice %arg14[%dma_wait3A_252, %dma_wait3A_253] : memref<5632x128xf32, #tpu.memory_space<vmem_shared>> -> memref<5632x128xf32, #tpu.memory_space<vmem_shared>>
        tpu.wait_indirect_dma semaphore(%arg18 : memref<!tpu.dma_semaphore, #tpu.memory_space<semaphore_mem>>) src(%arg12 : memref<80x128xf32, #tpu.memory_space<vmem>>) dst(%dma_wait3A_254 : memref<5632x128xf32, #tpu.memory_space<vmem_shared>>)
      } else {
      }
      %dma_start3A_198 = arith.constant 0 : i32
      %dma_start3A_199 = tpu.memref_slice %arg7[%add3A_195, %dma_start3A_198] : memref<125x80xi32, #tpu.memory_space<vmem>> -> memref<1x80xi32, #tpu.memory_space<vmem>>
      %dma_start3A_200 = tpu.memref_squeeze %dma_start3A_199 : memref<1x80xi32, #tpu.memory_space<vmem>> -> memref<80xi32, #tpu.memory_space<vmem>>
      %dma_start3A_201 = arith.constant 0 : i32
      %dma_start3A_202 = arith.constant 0 : i32
      %dma_start3A_203 = tpu.memref_slice %arg2[%dma_start3A_201, %dma_start3A_202] : memref<10000x128xf32, #tpu.memory_space<hbm>> -> memref<10000x128xf32, #tpu.memory_space<hbm>>
      tpu.enqueue_indirect_dma source(%dma_start3A_203 : memref<10000x128xf32, #tpu.memory_space<hbm>>) target(%arg12 : memref<80x128xf32, #tpu.memory_space<vmem>>) offsets(%dma_start3A_200 : memref<80xi32, #tpu.memory_space<vmem>>) semaphore(%arg16 : memref<!tpu.dma_semaphore, #tpu.memory_space<semaphore_mem>>)
      %dma_wait3A_204 = arith.constant 0 : i32
      %dma_wait3A_205 = tpu.memref_slice %arg7[%mul3A_191, %dma_wait3A_204] : memref<125x80xi32, #tpu.memory_space<vmem>> -> memref<1x80xi32, #tpu.memory_space<vmem>>
      %dma_wait3A_206 = tpu.memref_squeeze %dma_wait3A_205 : memref<1x80xi32, #tpu.memory_space<vmem>> -> memref<80xi32, #tpu.memory_space<vmem>>
      %dma_wait3A_207 = arith.constant 0 : i32
      %dma_wait3A_208 = arith.constant 0 : i32
      %dma_wait3A_209 = tpu.memref_slice %arg2[%dma_wait3A_207, %dma_wait3A_208] : memref<10000x128xf32, #tpu.memory_space<hbm>> -> memref<10000x128xf32, #tpu.memory_space<hbm>>
      tpu.wait_indirect_dma semaphore(%arg15 : memref<!tpu.dma_semaphore, #tpu.memory_space<semaphore_mem>>) src(%dma_wait3A_209 : memref<10000x128xf32, #tpu.memory_space<hbm>>) dst(%arg11 : memref<80x128xf32, #tpu.memory_space<vmem>>)
      %parallel_loop3A_210 = arith.constant 0 : i32
      %parallel_loop3A_211 = arith.constant 80 : i32
      %parallel_loop3A_212 = arith.constant 1 : i32
      scf.for %parallel_loop3A_249 = %parallel_loop3A_210 to %parallel_loop3A_211 step %parallel_loop3A_212  : i32 {
        %parallel_loop3A_250 = arith.constant 80 : i32
        %parallel_loop3A_251 = arith.muli %mul3A_191, %parallel_loop3A_250 : i32
        %parallel_loop3A_252 = arith.addi %parallel_loop3A_251, %parallel_loop3A_249 : i32
        %parallel_loop3A_253 = vector.broadcast %parallel_loop3A_252 : i32 to vector<16xi32>
        %parallel_loop3A_254 = tpu.vector_load_idx %arg10[%parallel_loop3A_253] : memref<10000xf32, #tpu.memory_space<vmem>>[vector<16xi32>], vector<16xf32>,
        %parallel_loop3A_255 = arith.index_cast %parallel_loop3A_249 : i32 to index
        %parallel_loop3A_256 = arith.constant 0 : index
        %parallel_loop3A_257 = tpu.vector_load %arg11[%parallel_loop3A_255, %parallel_loop3A_256] {strides = array<i32>} : memref<80x128xf32, #tpu.memory_space<vmem>>, vector<16xf32>,
        %parallel_loop3A_258 = arith.mulf %parallel_loop3A_257, %parallel_loop3A_254 : vector<16xf32>
        %parallel_loop3A_259 = arith.index_cast %parallel_loop3A_249 : i32 to index
        %parallel_loop3A_260 = arith.constant 0 : index
        %parallel_loop3A_261 = tpu.vector_load %arg11[%parallel_loop3A_259, %parallel_loop3A_260] {strides = array<i32>} : memref<80x128xf32, #tpu.memory_space<vmem>>, vector<16xf32>,
        tpu.vector_store %arg11[%parallel_loop3A_259, %parallel_loop3A_260], %parallel_loop3A_258 {strides = array<i32>} : memref<80x128xf32, #tpu.memory_space<vmem>>, vector<16xf32>,
        %parallel_loop3A_262 = arith.index_cast %parallel_loop3A_249 : i32 to index
        %parallel_loop3A_263 = arith.constant 16 : index
        %parallel_loop3A_264 = tpu.vector_load %arg11[%parallel_loop3A_262, %parallel_loop3A_263] {strides = array<i32>} : memref<80x128xf32, #tpu.memory_space<vmem>>, vector<16xf32>,
        %parallel_loop3A_265 = arith.mulf %parallel_loop3A_264, %parallel_loop3A_254 : vector<16xf32>
        %parallel_loop3A_266 = arith.index_cast %parallel_loop3A_249 : i32 to index
        %parallel_loop3A_267 = arith.constant 16 : index
        %parallel_loop3A_268 = tpu.vector_load %arg11[%parallel_loop3A_266, %parallel_loop3A_267] {strides = array<i32>} : memref<80x128xf32, #tpu.memory_space<vmem>>, vector<16xf32>,
        tpu.vector_store %arg11[%parallel_loop3A_266, %parallel_loop3A_267], %parallel_loop3A_265 {strides = array<i32>} : memref<80x128xf32, #tpu.memory_space<vmem>>, vector<16xf32>,
        %parallel_loop3A_269 = arith.index_cast %parallel_loop3A_249 : i32 to index
        %parallel_loop3A_270 = arith.constant 32 : index
        %parallel_loop3A_271 = tpu.vector_load %arg11[%parallel_loop3A_269, %parallel_loop3A_270] {strides = array<i32>} : memref<80x128xf32, #tpu.memory_space<vmem>>, vector<16xf32>,
        %parallel_loop3A_272 = arith.mulf %parallel_loop3A_271, %parallel_loop3A_254 : vector<16xf32>
        %parallel_loop3A_273 = arith.index_cast %parallel_loop3A_249 : i32 to index
        %parallel_loop3A_274 = arith.constant 32 : index
        %parallel_loop3A_275 = tpu.vector_load %arg11[%parallel_loop3A_273, %parallel_loop3A_274] {strides = array<i32>} : memref<80x128xf32, #tpu.memory_space<vmem>>, vector<16xf32>,
        tpu.vector_store %arg11[%parallel_loop3A_273, %parallel_loop3A_274], %parallel_loop3A_272 {strides = array<i32>} : memref<80x128xf32, #tpu.memory_space<vmem>>, vector<16xf32>,
        %parallel_loop3A_276 = arith.index_cast %parallel_loop3A_249 : i32 to index
        %parallel_loop3A_277 = arith.constant 48 : index
        %parallel_loop3A_278 = tpu.vector_load %arg11[%parallel_loop3A_276, %parallel_loop3A_277] {strides = array<i32>} : memref<80x128xf32, #tpu.memory_space<vmem>>, vector<16xf32>,
        %parallel_loop3A_279 = arith.mulf %parallel_loop3A_278, %parallel_loop3A_254 : vector<16xf32>
        %parallel_loop3A_280 = arith.index_cast %parallel_loop3A_249 : i32 to index
        %parallel_loop3A_281 = arith.constant 48 : index
        %parallel_loop3A_282 = tpu.vector_load %arg11[%parallel_loop3A_280, %parallel_loop3A_281] {strides = array<i32>} : memref<80x128xf32, #tpu.memory_space<vmem>>, vector<16xf32>,
        tpu.vector_store %arg11[%parallel_loop3A_280, %parallel_loop3A_281], %parallel_loop3A_279 {strides = array<i32>} : memref<80x128xf32, #tpu.memory_space<vmem>>, vector<16xf32>,
        %parallel_loop3A_283 = arith.index_cast %parallel_loop3A_249 : i32 to index
        %parallel_loop3A_284 = arith.constant 64 : index
        %parallel_loop3A_285 = tpu.vector_load %arg11[%parallel_loop3A_283, %parallel_loop3A_284] {strides = array<i32>} : memref<80x128xf32, #tpu.memory_space<vmem>>, vector<16xf32>,
        %parallel_loop3A_286 = arith.mulf %parallel_loop3A_285, %parallel_loop3A_254 : vector<16xf32>
        %parallel_loop3A_287 = arith.index_cast %parallel_loop3A_249 : i32 to index
        %parallel_loop3A_288 = arith.constant 64 : index
        %parallel_loop3A_289 = tpu.vector_load %arg11[%parallel_loop3A_287, %parallel_loop3A_288] {strides = array<i32>} : memref<80x128xf32, #tpu.memory_space<vmem>>, vector<16xf32>,
        tpu.vector_store %arg11[%parallel_loop3A_287, %parallel_loop3A_288], %parallel_loop3A_286 {strides = array<i32>} : memref<80x128xf32, #tpu.memory_space<vmem>>, vector<16xf32>,
        %parallel_loop3A_290 = arith.index_cast %parallel_loop3A_249 : i32 to index
        %parallel_loop3A_291 = arith.constant 80 : index
        %parallel_loop3A_292 = tpu.vector_load %arg11[%parallel_loop3A_290, %parallel_loop3A_291] {strides = array<i32>} : memref<80x128xf32, #tpu.memory_space<vmem>>, vector<16xf32>,
        %parallel_loop3A_293 = arith.mulf %parallel_loop3A_292, %parallel_loop3A_254 : vector<16xf32>
        %parallel_loop3A_294 = arith.index_cast %parallel_loop3A_249 : i32 to index
        %parallel_loop3A_295 = arith.constant 80 : index
        %parallel_loop3A_296 = tpu.vector_load %arg11[%parallel_loop3A_294, %parallel_loop3A_295] {strides = array<i32>} : memref<80x128xf32, #tpu.memory_space<vmem>>, vector<16xf32>,
        tpu.vector_store %arg11[%parallel_loop3A_294, %parallel_loop3A_295], %parallel_loop3A_293 {strides = array<i32>} : memref<80x128xf32, #tpu.memory_space<vmem>>, vector<16xf32>,
        %parallel_loop3A_297 = arith.index_cast %parallel_loop3A_249 : i32 to index
        %parallel_loop3A_298 = arith.constant 96 : index
        %parallel_loop3A_299 = tpu.vector_load %arg11[%parallel_loop3A_297, %parallel_loop3A_298] {strides = array<i32>} : memref<80x128xf32, #tpu.memory_space<vmem>>, vector<16xf32>,
        %parallel_loop3A_300 = arith.mulf %parallel_loop3A_299, %parallel_loop3A_254 : vector<16xf32>
        %parallel_loop3A_301 = arith.index_cast %parallel_loop3A_249 : i32 to index
        %parallel_loop3A_302 = arith.constant 96 : index
        %parallel_loop3A_303 = tpu.vector_load %arg11[%parallel_loop3A_301, %parallel_loop3A_302] {strides = array<i32>} : memref<80x128xf32, #tpu.memory_space<vmem>>, vector<16xf32>,
        tpu.vector_store %arg11[%parallel_loop3A_301, %parallel_loop3A_302], %parallel_loop3A_300 {strides = array<i32>} : memref<80x128xf32, #tpu.memory_space<vmem>>, vector<16xf32>,
        %parallel_loop3A_304 = arith.index_cast %parallel_loop3A_249 : i32 to index
        %parallel_loop3A_305 = arith.constant 112 : index
        %parallel_loop3A_306 = tpu.vector_load %arg11[%parallel_loop3A_304, %parallel_loop3A_305] {strides = array<i32>} : memref<80x128xf32, #tpu.memory_space<vmem>>, vector<16xf32>,
        %parallel_loop3A_307 = arith.mulf %parallel_loop3A_306, %parallel_loop3A_254 : vector<16xf32>
        %parallel_loop3A_308 = arith.index_cast %parallel_loop3A_249 : i32 to index
        %parallel_loop3A_309 = arith.constant 112 : index
        %parallel_loop3A_310 = tpu.vector_load %arg11[%parallel_loop3A_308, %parallel_loop3A_309] {strides = array<i32>} : memref<80x128xf32, #tpu.memory_space<vmem>>, vector<16xf32>,
        tpu.vector_store %arg11[%parallel_loop3A_308, %parallel_loop3A_309], %parallel_loop3A_307 {strides = array<i32>} : memref<80x128xf32, #tpu.memory_space<vmem>>, vector<16xf32>,
      } {sc.loop_unroll_factor = 4 : i64, sc.parallel_access}
      %dma_start3A_213 = arith.constant 0 : i32
      %dma_start3A_214 = tpu.memref_slice %arg9[%mul3A_191, %dma_start3A_213] : memref<125x80xi32, #tpu.memory_space<vmem>> -> memref<1x80xi32, #tpu.memory_space<vmem>>
      %dma_start3A_215 = tpu.memref_squeeze %dma_start3A_214 : memref<1x80xi32, #tpu.memory_space<vmem>> -> memref<80xi32, #tpu.memory_space<vmem>>
      %dma_start3A_216 = arith.constant 0 : i32
      %dma_start3A_217 = arith.constant 0 : i32
      %dma_start3A_218 = tpu.memref_slice %arg14[%dma_start3A_216, %dma_start3A_217] : memref<5632x128xf32, #tpu.memory_space<vmem_shared>> -> memref<5632x128xf32, #tpu.memory_space<vmem_shared>>
      tpu.enqueue_indirect_dma source(%arg11 : memref<80x128xf32, #tpu.memory_space<vmem>>) target(%dma_start3A_218 : memref<5632x128xf32, #tpu.memory_space<vmem_shared>>) offsets(%dma_start3A_215 : memref<80xi32, #tpu.memory_space<vmem>>) semaphore(%arg17 : memref<!tpu.dma_semaphore, #tpu.memory_space<semaphore_mem>>) {add = true}
      %dma_wait3A_219 = arith.constant 0 : i32
      %dma_wait3A_220 = tpu.memref_slice %arg7[%add3A_195, %dma_wait3A_219] : memref<125x80xi32, #tpu.memory_space<vmem>> -> memref<1x80xi32, #tpu.memory_space<vmem>>
      %dma_wait3A_221 = tpu.memref_squeeze %dma_wait3A_220 : memref<1x80xi32, #tpu.memory_space<vmem>> -> memref<80xi32, #tpu.memory_space<vmem>>
      %dma_wait3A_222 = arith.constant 0 : i32
      %dma_wait3A_223 = arith.constant 0 : i32
      %dma_wait3A_224 = tpu.memref_slice %arg2[%dma_wait3A_222, %dma_wait3A_223] : memref<10000x128xf32, #tpu.memory_space<hbm>> -> memref<10000x128xf32, #tpu.memory_space<hbm>>
      tpu.wait_indirect_dma semaphore(%arg16 : memref<!tpu.dma_semaphore, #tpu.memory_space<semaphore_mem>>) src(%dma_wait3A_224 : memref<10000x128xf32, #tpu.memory_space<hbm>>) dst(%arg12 : memref<80x128xf32, #tpu.memory_space<vmem>>)
      %parallel_loop3A_225 = arith.constant 0 : i32
      %parallel_loop3A_226 = arith.constant 80 : i32
      %parallel_loop3A_227 = arith.constant 1 : i32
      scf.for %parallel_loop3A_249 = %parallel_loop3A_225 to %parallel_loop3A_226 step %parallel_loop3A_227  : i32 {
        %parallel_loop3A_250 = arith.constant 80 : i32
        %parallel_loop3A_251 = arith.muli %add3A_195, %parallel_loop3A_250 : i32
        %parallel_loop3A_252 = arith.addi %parallel_loop3A_251, %parallel_loop3A_249 : i32
        %parallel_loop3A_253 = vector.broadcast %parallel_loop3A_252 : i32 to vector<16xi32>
        %parallel_loop3A_254 = tpu.vector_load_idx %arg10[%parallel_loop3A_253] : memref<10000xf32, #tpu.memory_space<vmem>>[vector<16xi32>], vector<16xf32>,
        %parallel_loop3A_255 = arith.index_cast %parallel_loop3A_249 : i32 to index
        %parallel_loop3A_256 = arith.constant 0 : index
        %parallel_loop3A_257 = tpu.vector_load %arg12[%parallel_loop3A_255, %parallel_loop3A_256] {strides = array<i32>} : memref<80x128xf32, #tpu.memory_space<vmem>>, vector<16xf32>,
        %parallel_loop3A_258 = arith.mulf %parallel_loop3A_257, %parallel_loop3A_254 : vector<16xf32>
        %parallel_loop3A_259 = arith.index_cast %parallel_loop3A_249 : i32 to index
        %parallel_loop3A_260 = arith.constant 0 : index
        %parallel_loop3A_261 = tpu.vector_load %arg12[%parallel_loop3A_259, %parallel_loop3A_260] {strides = array<i32>} : memref<80x128xf32, #tpu.memory_space<vmem>>, vector<16xf32>,
        tpu.vector_store %arg12[%parallel_loop3A_259, %parallel_loop3A_260], %parallel_loop3A_258 {strides = array<i32>} : memref<80x128xf32, #tpu.memory_space<vmem>>, vector<16xf32>,
        %parallel_loop3A_262 = arith.index_cast %parallel_loop3A_249 : i32 to index
        %parallel_loop3A_263 = arith.constant 16 : index
        %parallel_loop3A_264 = tpu.vector_load %arg12[%parallel_loop3A_262, %parallel_loop3A_263] {strides = array<i32>} : memref<80x128xf32, #tpu.memory_space<vmem>>, vector<16xf32>,
        %parallel_loop3A_265 = arith.mulf %parallel_loop3A_264, %parallel_loop3A_254 : vector<16xf32>
        %parallel_loop3A_266 = arith.index_cast %parallel_loop3A_249 : i32 to index
        %parallel_loop3A_267 = arith.constant 16 : index
        %parallel_loop3A_268 = tpu.vector_load %arg12[%parallel_loop3A_266, %parallel_loop3A_267] {strides = array<i32>} : memref<80x128xf32, #tpu.memory_space<vmem>>, vector<16xf32>,
        tpu.vector_store %arg12[%parallel_loop3A_266, %parallel_loop3A_267], %parallel_loop3A_265 {strides = array<i32>} : memref<80x128xf32, #tpu.memory_space<vmem>>, vector<16xf32>,
        %parallel_loop3A_269 = arith.index_cast %parallel_loop3A_249 : i32 to index
        %parallel_loop3A_270 = arith.constant 32 : index
        %parallel_loop3A_271 = tpu.vector_load %arg12[%parallel_loop3A_269, %parallel_loop3A_270] {strides = array<i32>} : memref<80x128xf32, #tpu.memory_space<vmem>>, vector<16xf32>,
        %parallel_loop3A_272 = arith.mulf %parallel_loop3A_271, %parallel_loop3A_254 : vector<16xf32>
        %parallel_loop3A_273 = arith.index_cast %parallel_loop3A_249 : i32 to index
        %parallel_loop3A_274 = arith.constant 32 : index
        %parallel_loop3A_275 = tpu.vector_load %arg12[%parallel_loop3A_273, %parallel_loop3A_274] {strides = array<i32>} : memref<80x128xf32, #tpu.memory_space<vmem>>, vector<16xf32>,
        tpu.vector_store %arg12[%parallel_loop3A_273, %parallel_loop3A_274], %parallel_loop3A_272 {strides = array<i32>} : memref<80x128xf32, #tpu.memory_space<vmem>>, vector<16xf32>,
        %parallel_loop3A_276 = arith.index_cast %parallel_loop3A_249 : i32 to index
        %parallel_loop3A_277 = arith.constant 48 : index
        %parallel_loop3A_278 = tpu.vector_load %arg12[%parallel_loop3A_276, %parallel_loop3A_277] {strides = array<i32>} : memref<80x128xf32, #tpu.memory_space<vmem>>, vector<16xf32>,
        %parallel_loop3A_279 = arith.mulf %parallel_loop3A_278, %parallel_loop3A_254 : vector<16xf32>
        %parallel_loop3A_280 = arith.index_cast %parallel_loop3A_249 : i32 to index
        %parallel_loop3A_281 = arith.constant 48 : index
        %parallel_loop3A_282 = tpu.vector_load %arg12[%parallel_loop3A_280, %parallel_loop3A_281] {strides = array<i32>} : memref<80x128xf32, #tpu.memory_space<vmem>>, vector<16xf32>,
        tpu.vector_store %arg12[%parallel_loop3A_280, %parallel_loop3A_281], %parallel_loop3A_279 {strides = array<i32>} : memref<80x128xf32, #tpu.memory_space<vmem>>, vector<16xf32>,
        %parallel_loop3A_283 = arith.index_cast %parallel_loop3A_249 : i32 to index
        %parallel_loop3A_284 = arith.constant 64 : index
        %parallel_loop3A_285 = tpu.vector_load %arg12[%parallel_loop3A_283, %parallel_loop3A_284] {strides = array<i32>} : memref<80x128xf32, #tpu.memory_space<vmem>>, vector<16xf32>,
        %parallel_loop3A_286 = arith.mulf %parallel_loop3A_285, %parallel_loop3A_254 : vector<16xf32>
        %parallel_loop3A_287 = arith.index_cast %parallel_loop3A_249 : i32 to index
        %parallel_loop3A_288 = arith.constant 64 : index
        %parallel_loop3A_289 = tpu.vector_load %arg12[%parallel_loop3A_287, %parallel_loop3A_288] {strides = array<i32>} : memref<80x128xf32, #tpu.memory_space<vmem>>, vector<16xf32>,
        tpu.vector_store %arg12[%parallel_loop3A_287, %parallel_loop3A_288], %parallel_loop3A_286 {strides = array<i32>} : memref<80x128xf32, #tpu.memory_space<vmem>>, vector<16xf32>,
        %parallel_loop3A_290 = arith.index_cast %parallel_loop3A_249 : i32 to index
        %parallel_loop3A_291 = arith.constant 80 : index
        %parallel_loop3A_292 = tpu.vector_load %arg12[%parallel_loop3A_290, %parallel_loop3A_291] {strides = array<i32>} : memref<80x128xf32, #tpu.memory_space<vmem>>, vector<16xf32>,
        %parallel_loop3A_293 = arith.mulf %parallel_loop3A_292, %parallel_loop3A_254 : vector<16xf32>
        %parallel_loop3A_294 = arith.index_cast %parallel_loop3A_249 : i32 to index
        %parallel_loop3A_295 = arith.constant 80 : index
        %parallel_loop3A_296 = tpu.vector_load %arg12[%parallel_loop3A_294, %parallel_loop3A_295] {strides = array<i32>} : memref<80x128xf32, #tpu.memory_space<vmem>>, vector<16xf32>,
        tpu.vector_store %arg12[%parallel_loop3A_294, %parallel_loop3A_295], %parallel_loop3A_293 {strides = array<i32>} : memref<80x128xf32, #tpu.memory_space<vmem>>, vector<16xf32>,
        %parallel_loop3A_297 = arith.index_cast %parallel_loop3A_249 : i32 to index
        %parallel_loop3A_298 = arith.constant 96 : index
        %parallel_loop3A_299 = tpu.vector_load %arg12[%parallel_loop3A_297, %parallel_loop3A_298] {strides = array<i32>} : memref<80x128xf32, #tpu.memory_space<vmem>>, vector<16xf32>,
        %parallel_loop3A_300 = arith.mulf %parallel_loop3A_299, %parallel_loop3A_254 : vector<16xf32>
        %parallel_loop3A_301 = arith.index_cast %parallel_loop3A_249 : i32 to index
        %parallel_loop3A_302 = arith.constant 96 : index
        %parallel_loop3A_303 = tpu.vector_load %arg12[%parallel_loop3A_301, %parallel_loop3A_302] {strides = array<i32>} : memref<80x128xf32, #tpu.memory_space<vmem>>, vector<16xf32>,
        tpu.vector_store %arg12[%parallel_loop3A_301, %parallel_loop3A_302], %parallel_loop3A_300 {strides = array<i32>} : memref<80x128xf32, #tpu.memory_space<vmem>>, vector<16xf32>,
        %parallel_loop3A_304 = arith.index_cast %parallel_loop3A_249 : i32 to index
        %parallel_loop3A_305 = arith.constant 112 : index
        %parallel_loop3A_306 = tpu.vector_load %arg12[%parallel_loop3A_304, %parallel_loop3A_305] {strides = array<i32>} : memref<80x128xf32, #tpu.memory_space<vmem>>, vector<16xf32>,
        %parallel_loop3A_307 = arith.mulf %parallel_loop3A_306, %parallel_loop3A_254 : vector<16xf32>
        %parallel_loop3A_308 = arith.index_cast %parallel_loop3A_249 : i32 to index
        %parallel_loop3A_309 = arith.constant 112 : index
        %parallel_loop3A_310 = tpu.vector_load %arg12[%parallel_loop3A_308, %parallel_loop3A_309] {strides = array<i32>} : memref<80x128xf32, #tpu.memory_space<vmem>>, vector<16xf32>,
        tpu.vector_store %arg12[%parallel_loop3A_308, %parallel_loop3A_309], %parallel_loop3A_307 {strides = array<i32>} : memref<80x128xf32, #tpu.memory_space<vmem>>, vector<16xf32>,
      } {sc.loop_unroll_factor = 4 : i64, sc.parallel_access}
      %dma_start3A_228 = arith.constant 0 : i32
      %dma_start3A_229 = tpu.memref_slice %arg9[%add3A_195, %dma_start3A_228] : memref<125x80xi32, #tpu.memory_space<vmem>> -> memref<1x80xi32, #tpu.memory_space<vmem>>
      %dma_start3A_230 = tpu.memref_squeeze %dma_start3A_229 : memref<1x80xi32, #tpu.memory_space<vmem>> -> memref<80xi32, #tpu.memory_space<vmem>>
      %dma_start3A_231 = arith.constant 0 : i32
      %dma_start3A_232 = arith.constant 0 : i32
      %dma_start3A_233 = tpu.memref_slice %arg14[%dma_start3A_231, %dma_start3A_232] : memref<5632x128xf32, #tpu.memory_space<vmem_shared>> -> memref<5632x128xf32, #tpu.memory_space<vmem_shared>>
      tpu.enqueue_indirect_dma source(%arg12 : memref<80x128xf32, #tpu.memory_space<vmem>>) target(%dma_start3A_233 : memref<5632x128xf32, #tpu.memory_space<vmem_shared>>) offsets(%dma_start3A_230 : memref<80xi32, #tpu.memory_space<vmem>>) semaphore(%arg18 : memref<!tpu.dma_semaphore, #tpu.memory_space<semaphore_mem>>) {add = true}
      %dma_wait3A_234 = arith.constant 0 : i32
      %dma_wait3A_235 = tpu.memref_slice %arg9[%mul3A_191, %dma_wait3A_234] : memref<125x80xi32, #tpu.memory_space<vmem>> -> memref<1x80xi32, #tpu.memory_space<vmem>>
      %dma_wait3A_236 = tpu.memref_squeeze %dma_wait3A_235 : memref<1x80xi32, #tpu.memory_space<vmem>> -> memref<80xi32, #tpu.memory_space<vmem>>
      %dma_wait3A_237 = arith.constant 0 : i32
      %dma_wait3A_238 = arith.constant 0 : i32
      %dma_wait3A_239 = tpu.memref_slice %arg14[%dma_wait3A_237, %dma_wait3A_238] : memref<5632x128xf32, #tpu.memory_space<vmem_shared>> -> memref<5632x128xf32, #tpu.memory_space<vmem_shared>>
      tpu.wait_indirect_dma semaphore(%arg17 : memref<!tpu.dma_semaphore, #tpu.memory_space<semaphore_mem>>) src(%arg11 : memref<80x128xf32, #tpu.memory_space<vmem>>) dst(%dma_wait3A_239 : memref<5632x128xf32, #tpu.memory_space<vmem_shared>>)
      %add3A_240 = arith.constant 2 : i32
      %add3A_241 = arith.addi %mul3A_191, %add3A_240 : i32
      %dma_start3A_242 = arith.constant 0 : i32
      %dma_start3A_243 = tpu.memref_slice %arg7[%add3A_241, %dma_start3A_242] : memref<125x80xi32, #tpu.memory_space<vmem>> -> memref<1x80xi32, #tpu.memory_space<vmem>>
      %dma_start3A_244 = tpu.memref_squeeze %dma_start3A_243 : memref<1x80xi32, #tpu.memory_space<vmem>> -> memref<80xi32, #tpu.memory_space<vmem>>
      %dma_start3A_245 = arith.constant 0 : i32
      %dma_start3A_246 = arith.constant 0 : i32
      %dma_start3A_247 = tpu.memref_slice %arg2[%dma_start3A_245, %dma_start3A_246] : memref<10000x128xf32, #tpu.memory_space<hbm>> -> memref<10000x128xf32, #tpu.memory_space<hbm>>
      tpu.enqueue_indirect_dma source(%dma_start3A_247 : memref<10000x128xf32, #tpu.memory_space<hbm>>) target(%arg11 : memref<80x128xf32, #tpu.memory_space<vmem>>) offsets(%dma_start3A_244 : memref<80xi32, #tpu.memory_space<vmem>>) semaphore(%arg15 : memref<!tpu.dma_semaphore, #tpu.memory_space<semaphore_mem>>)
      %scan3A_248 = arith.constant 0 : i32
      scf.yield %scan3A_248 : i32
    }
    %scan3A_74 = arith.constant 62 : i32
    %dma_wait3A = arith.constant 123 : i32
    %dma_wait3A_75 = arith.constant 0 : i32
    %dma_wait3A_76 = tpu.memref_slice %arg9[%dma_wait3A, %dma_wait3A_75] : memref<125x80xi32, #tpu.memory_space<vmem>> -> memref<1x80xi32, #tpu.memory_space<vmem>>
    %dma_wait3A_77 = tpu.memref_squeeze %dma_wait3A_76 : memref<1x80xi32, #tpu.memory_space<vmem>> -> memref<80xi32, #tpu.memory_space<vmem>>
    %dma_wait3A_78 = arith.constant 0 : i32
    %dma_wait3A_79 = arith.constant 0 : i32
    %dma_wait3A_80 = tpu.memref_slice %arg14[%dma_wait3A_78, %dma_wait3A_79] : memref<5632x128xf32, #tpu.memory_space<vmem_shared>> -> memref<5632x128xf32, #tpu.memory_space<vmem_shared>>
    tpu.wait_indirect_dma semaphore(%arg18 : memref<!tpu.dma_semaphore, #tpu.memory_space<semaphore_mem>>) src(%arg12 : memref<80x128xf32, #tpu.memory_space<vmem>>) dst(%dma_wait3A_80 : memref<5632x128xf32, #tpu.memory_space<vmem_shared>>)
    %dma_wait3A_81 = arith.constant 124 : i32
    %dma_wait3A_82 = arith.constant 0 : i32
    %dma_wait3A_83 = tpu.memref_slice %arg7[%dma_wait3A_81, %dma_wait3A_82] : memref<125x80xi32, #tpu.memory_space<vmem>> -> memref<1x80xi32, #tpu.memory_space<vmem>>
    %dma_wait3A_84 = tpu.memref_squeeze %dma_wait3A_83 : memref<1x80xi32, #tpu.memory_space<vmem>> -> memref<80xi32, #tpu.memory_space<vmem>>
    %dma_wait3A_85 = arith.constant 0 : i32
    %dma_wait3A_86 = arith.constant 0 : i32
    %dma_wait3A_87 = tpu.memref_slice %arg2[%dma_wait3A_85, %dma_wait3A_86] : memref<10000x128xf32, #tpu.memory_space<hbm>> -> memref<10000x128xf32, #tpu.memory_space<hbm>>
    tpu.wait_indirect_dma semaphore(%arg15 : memref<!tpu.dma_semaphore, #tpu.memory_space<semaphore_mem>>) src(%dma_wait3A_87 : memref<10000x128xf32, #tpu.memory_space<hbm>>) dst(%arg11 : memref<80x128xf32, #tpu.memory_space<vmem>>)
    %parallel_loop3A = arith.constant 0 : i32
    %parallel_loop3A_88 = arith.constant 80 : i32
    %parallel_loop3A_89 = arith.constant 1 : i32
    scf.for %parallel_loop3A_188 = %parallel_loop3A to %parallel_loop3A_88 step %parallel_loop3A_89  : i32 {
      %parallel_loop3A_189 = arith.constant 9920 : i32
      %parallel_loop3A_190 = arith.addi %parallel_loop3A_189, %parallel_loop3A_188 : i32
      %parallel_loop3A_191 = vector.broadcast %parallel_loop3A_190 : i32 to vector<16xi32>
      %parallel_loop3A_192 = tpu.vector_load_idx %arg10[%parallel_loop3A_191] : memref<10000xf32, #tpu.memory_space<vmem>>[vector<16xi32>], vector<16xf32>,
      %parallel_loop3A_193 = arith.index_cast %parallel_loop3A_188 : i32 to index
      %parallel_loop3A_194 = arith.constant 0 : index
      %parallel_loop3A_195 = tpu.vector_load %arg11[%parallel_loop3A_193, %parallel_loop3A_194] {strides = array<i32>} : memref<80x128xf32, #tpu.memory_space<vmem>>, vector<16xf32>,
      %parallel_loop3A_196 = arith.mulf %parallel_loop3A_195, %parallel_loop3A_192 : vector<16xf32>
      %parallel_loop3A_197 = arith.index_cast %parallel_loop3A_188 : i32 to index
      %parallel_loop3A_198 = arith.constant 0 : index
      %parallel_loop3A_199 = tpu.vector_load %arg11[%parallel_loop3A_197, %parallel_loop3A_198] {strides = array<i32>} : memref<80x128xf32, #tpu.memory_space<vmem>>, vector<16xf32>,
      tpu.vector_store %arg11[%parallel_loop3A_197, %parallel_loop3A_198], %parallel_loop3A_196 {strides = array<i32>} : memref<80x128xf32, #tpu.memory_space<vmem>>, vector<16xf32>,
      %parallel_loop3A_200 = arith.index_cast %parallel_loop3A_188 : i32 to index
      %parallel_loop3A_201 = arith.constant 16 : index
      %parallel_loop3A_202 = tpu.vector_load %arg11[%parallel_loop3A_200, %parallel_loop3A_201] {strides = array<i32>} : memref<80x128xf32, #tpu.memory_space<vmem>>, vector<16xf32>,
      %parallel_loop3A_203 = arith.mulf %parallel_loop3A_202, %parallel_loop3A_192 : vector<16xf32>
      %parallel_loop3A_204 = arith.index_cast %parallel_loop3A_188 : i32 to index
      %parallel_loop3A_205 = arith.constant 16 : index
      %parallel_loop3A_206 = tpu.vector_load %arg11[%parallel_loop3A_204, %parallel_loop3A_205] {strides = array<i32>} : memref<80x128xf32, #tpu.memory_space<vmem>>, vector<16xf32>,
      tpu.vector_store %arg11[%parallel_loop3A_204, %parallel_loop3A_205], %parallel_loop3A_203 {strides = array<i32>} : memref<80x128xf32, #tpu.memory_space<vmem>>, vector<16xf32>,
      %parallel_loop3A_207 = arith.index_cast %parallel_loop3A_188 : i32 to index
      %parallel_loop3A_208 = arith.constant 32 : index
      %parallel_loop3A_209 = tpu.vector_load %arg11[%parallel_loop3A_207, %parallel_loop3A_208] {strides = array<i32>} : memref<80x128xf32, #tpu.memory_space<vmem>>, vector<16xf32>,
      %parallel_loop3A_210 = arith.mulf %parallel_loop3A_209, %parallel_loop3A_192 : vector<16xf32>
      %parallel_loop3A_211 = arith.index_cast %parallel_loop3A_188 : i32 to index
      %parallel_loop3A_212 = arith.constant 32 : index
      %parallel_loop3A_213 = tpu.vector_load %arg11[%parallel_loop3A_211, %parallel_loop3A_212] {strides = array<i32>} : memref<80x128xf32, #tpu.memory_space<vmem>>, vector<16xf32>,
      tpu.vector_store %arg11[%parallel_loop3A_211, %parallel_loop3A_212], %parallel_loop3A_210 {strides = array<i32>} : memref<80x128xf32, #tpu.memory_space<vmem>>, vector<16xf32>,
      %parallel_loop3A_214 = arith.index_cast %parallel_loop3A_188 : i32 to index
      %parallel_loop3A_215 = arith.constant 48 : index
      %parallel_loop3A_216 = tpu.vector_load %arg11[%parallel_loop3A_214, %parallel_loop3A_215] {strides = array<i32>} : memref<80x128xf32, #tpu.memory_space<vmem>>, vector<16xf32>,
      %parallel_loop3A_217 = arith.mulf %parallel_loop3A_216, %parallel_loop3A_192 : vector<16xf32>
      %parallel_loop3A_218 = arith.index_cast %parallel_loop3A_188 : i32 to index
      %parallel_loop3A_219 = arith.constant 48 : index
      %parallel_loop3A_220 = tpu.vector_load %arg11[%parallel_loop3A_218, %parallel_loop3A_219] {strides = array<i32>} : memref<80x128xf32, #tpu.memory_space<vmem>>, vector<16xf32>,
      tpu.vector_store %arg11[%parallel_loop3A_218, %parallel_loop3A_219], %parallel_loop3A_217 {strides = array<i32>} : memref<80x128xf32, #tpu.memory_space<vmem>>, vector<16xf32>,
      %parallel_loop3A_221 = arith.index_cast %parallel_loop3A_188 : i32 to index
      %parallel_loop3A_222 = arith.constant 64 : index
      %parallel_loop3A_223 = tpu.vector_load %arg11[%parallel_loop3A_221, %parallel_loop3A_222] {strides = array<i32>} : memref<80x128xf32, #tpu.memory_space<vmem>>, vector<16xf32>,
      %parallel_loop3A_224 = arith.mulf %parallel_loop3A_223, %parallel_loop3A_192 : vector<16xf32>
      %parallel_loop3A_225 = arith.index_cast %parallel_loop3A_188 : i32 to index
      %parallel_loop3A_226 = arith.constant 64 : index
      %parallel_loop3A_227 = tpu.vector_load %arg11[%parallel_loop3A_225, %parallel_loop3A_226] {strides = array<i32>} : memref<80x128xf32, #tpu.memory_space<vmem>>, vector<16xf32>,
      tpu.vector_store %arg11[%parallel_loop3A_225, %parallel_loop3A_226], %parallel_loop3A_224 {strides = array<i32>} : memref<80x128xf32, #tpu.memory_space<vmem>>, vector<16xf32>,
      %parallel_loop3A_228 = arith.index_cast %parallel_loop3A_188 : i32 to index
      %parallel_loop3A_229 = arith.constant 80 : index
      %parallel_loop3A_230 = tpu.vector_load %arg11[%parallel_loop3A_228, %parallel_loop3A_229] {strides = array<i32>} : memref<80x128xf32, #tpu.memory_space<vmem>>, vector<16xf32>,
      %parallel_loop3A_231 = arith.mulf %parallel_loop3A_230, %parallel_loop3A_192 : vector<16xf32>
      %parallel_loop3A_232 = arith.index_cast %parallel_loop3A_188 : i32 to index
      %parallel_loop3A_233 = arith.constant 80 : index
      %parallel_loop3A_234 = tpu.vector_load %arg11[%parallel_loop3A_232, %parallel_loop3A_233] {strides = array<i32>} : memref<80x128xf32, #tpu.memory_space<vmem>>, vector<16xf32>,
      tpu.vector_store %arg11[%parallel_loop3A_232, %parallel_loop3A_233], %parallel_loop3A_231 {strides = array<i32>} : memref<80x128xf32, #tpu.memory_space<vmem>>, vector<16xf32>,
      %parallel_loop3A_235 = arith.index_cast %parallel_loop3A_188 : i32 to index
      %parallel_loop3A_236 = arith.constant 96 : index
      %parallel_loop3A_237 = tpu.vector_load %arg11[%parallel_loop3A_235, %parallel_loop3A_236] {strides = array<i32>} : memref<80x128xf32, #tpu.memory_space<vmem>>, vector<16xf32>,
      %parallel_loop3A_238 = arith.mulf %parallel_loop3A_237, %parallel_loop3A_192 : vector<16xf32>
      %parallel_loop3A_239 = arith.index_cast %parallel_loop3A_188 : i32 to index
      %parallel_loop3A_240 = arith.constant 96 : index
      %parallel_loop3A_241 = tpu.vector_load %arg11[%parallel_loop3A_239, %parallel_loop3A_240] {strides = array<i32>} : memref<80x128xf32, #tpu.memory_space<vmem>>, vector<16xf32>,
      tpu.vector_store %arg11[%parallel_loop3A_239, %parallel_loop3A_240], %parallel_loop3A_238 {strides = array<i32>} : memref<80x128xf32, #tpu.memory_space<vmem>>, vector<16xf32>,
      %parallel_loop3A_242 = arith.index_cast %parallel_loop3A_188 : i32 to index
      %parallel_loop3A_243 = arith.constant 112 : index
      %parallel_loop3A_244 = tpu.vector_load %arg11[%parallel_loop3A_242, %parallel_loop3A_243] {strides = array<i32>} : memref<80x128xf32, #tpu.memory_space<vmem>>, vector<16xf32>,
      %parallel_loop3A_245 = arith.mulf %parallel_loop3A_244, %parallel_loop3A_192 : vector<16xf32>
      %parallel_loop3A_246 = arith.index_cast %parallel_loop3A_188 : i32 to index
      %parallel_loop3A_247 = arith.constant 112 : index
      %parallel_loop3A_248 = tpu.vector_load %arg11[%parallel_loop3A_246, %parallel_loop3A_247] {strides = array<i32>} : memref<80x128xf32, #tpu.memory_space<vmem>>, vector<16xf32>,
      tpu.vector_store %arg11[%parallel_loop3A_246, %parallel_loop3A_247], %parallel_loop3A_245 {strides = array<i32>} : memref<80x128xf32, #tpu.memory_space<vmem>>, vector<16xf32>,
    } {sc.loop_unroll_factor = 4 : i64, sc.parallel_access}
    %run_scoped3A = arith.constant 124 : i32
    "tpu.region"() ({
      %run_scoped3A_188 = tpu.sem_alloc : memref<!tpu.dma_semaphore, #tpu.memory_space<semaphore_mem>>
      %dma_start3A_189 = arith.constant 0 : i32
      %dma_start3A_190 = tpu.memref_slice %arg9[%run_scoped3A, %dma_start3A_189] : memref<125x80xi32, #tpu.memory_space<vmem>> -> memref<1x80xi32, #tpu.memory_space<vmem>>
      %dma_start3A_191 = tpu.memref_squeeze %dma_start3A_190 : memref<1x80xi32, #tpu.memory_space<vmem>> -> memref<80xi32, #tpu.memory_space<vmem>>
      %dma_start3A_192 = arith.constant 0 : i32
      %dma_start3A_193 = arith.constant 0 : i32
      %dma_start3A_194 = tpu.memref_slice %arg14[%dma_start3A_192, %dma_start3A_193] : memref<5632x128xf32, #tpu.memory_space<vmem_shared>> -> memref<5632x128xf32, #tpu.memory_space<vmem_shared>>
      tpu.enqueue_indirect_dma source(%arg11 : memref<80x128xf32, #tpu.memory_space<vmem>>) target(%dma_start3A_194 : memref<5632x128xf32, #tpu.memory_space<vmem_shared>>) offsets(%dma_start3A_191 : memref<80xi32, #tpu.memory_space<vmem>>) semaphore(%run_scoped3A_188 : memref<!tpu.dma_semaphore, #tpu.memory_space<semaphore_mem>>) {add = true}
      %dma_wait3A_195 = arith.constant 0 : i32
      %dma_wait3A_196 = tpu.memref_slice %arg9[%run_scoped3A, %dma_wait3A_195] : memref<125x80xi32, #tpu.memory_space<vmem>> -> memref<1x80xi32, #tpu.memory_space<vmem>>
      %dma_wait3A_197 = tpu.memref_squeeze %dma_wait3A_196 : memref<1x80xi32, #tpu.memory_space<vmem>> -> memref<80xi32, #tpu.memory_space<vmem>>
      %dma_wait3A_198 = arith.constant 0 : i32
      %dma_wait3A_199 = arith.constant 0 : i32
      %dma_wait3A_200 = tpu.memref_slice %arg14[%dma_wait3A_198, %dma_wait3A_199] : memref<5632x128xf32, #tpu.memory_space<vmem_shared>> -> memref<5632x128xf32, #tpu.memory_space<vmem_shared>>
      tpu.wait_indirect_dma semaphore(%run_scoped3A_188 : memref<!tpu.dma_semaphore, #tpu.memory_space<semaphore_mem>>) src(%arg11 : memref<80x128xf32, #tpu.memory_space<vmem>>) dst(%dma_wait3A_200 : memref<5632x128xf32, #tpu.memory_space<vmem_shared>>)
      tpu.yield
    }) : () -> ()
    %barrier3A_90 = arith.constant 0 : index
    tpu.barrier barrier_id(%barrier3A_90)
    %mul3A_91 = arith.constant 320 : i32
    %mul3A_92 = arith.muli %arg1, %mul3A_91 : i32
    %mul3A_93 = arith.constant 320 : i32
    %mul3A_94 = arith.muli %arg1, %mul3A_93 : i32
    %run_scoped3A_95 = arith.constant 0 : i32
    "tpu.region"() ({
      %run_scoped3A_188 = tpu.sem_alloc : memref<!tpu.dma_semaphore, #tpu.memory_space<semaphore_mem>>
      %dma_start3A_189 = arith.constant 0 : i32
      %dma_start3A_190 = tpu.memref_slice %arg6[%arg0, %run_scoped3A_95, %mul3A_94, %dma_start3A_189] : memref<2x2x5120x128xf32, #tpu.memory_space<hbm>> -> memref<1x1x320x128xf32, #tpu.memory_space<hbm>>
      %dma_start3A_191 = tpu.memref_squeeze %dma_start3A_190 : memref<1x1x320x128xf32, #tpu.memory_space<hbm>> -> memref<320x128xf32, #tpu.memory_space<hbm>>
      %dma_start3A_192 = arith.constant 0 : i32
      %dma_start3A_193 = tpu.memref_slice %arg14[%mul3A_92, %dma_start3A_192] : memref<5632x128xf32, #tpu.memory_space<vmem_shared>> -> memref<320x128xf32, #tpu.memory_space<vmem_shared>>
      tpu.enqueue_dma source(%dma_start3A_193 : memref<320x128xf32, #tpu.memory_space<vmem_shared>>) target(%dma_start3A_191 : memref<320x128xf32, #tpu.memory_space<hbm>>) target_semaphore(%run_scoped3A_188 : memref<!tpu.dma_semaphore, #tpu.memory_space<semaphore_mem>>)
      %dma_wait3A_194 = arith.constant 0 : i32
      %dma_wait3A_195 = tpu.memref_slice %arg6[%arg0, %run_scoped3A_95, %mul3A_94, %dma_wait3A_194] : memref<2x2x5120x128xf32, #tpu.memory_space<hbm>> -> memref<1x1x320x128xf32, #tpu.memory_space<hbm>>
      %dma_wait3A_196 = tpu.memref_squeeze %dma_wait3A_195 : memref<1x1x320x128xf32, #tpu.memory_space<hbm>> -> memref<320x128xf32, #tpu.memory_space<hbm>>
      %dma_wait3A_197 = arith.constant 0 : i32
      %dma_wait3A_198 = tpu.memref_slice %arg14[%mul3A_92, %dma_wait3A_197] : memref<5632x128xf32, #tpu.memory_space<vmem_shared>> -> memref<320x128xf32, #tpu.memory_space<vmem_shared>>
      tpu.wait_dma2 semaphore(%run_scoped3A_188 : memref<!tpu.dma_semaphore, #tpu.memory_space<semaphore_mem>>) src(%dma_wait3A_198 : memref<320x128xf32, #tpu.memory_space<vmem_shared>>) dst(%dma_wait3A_196 : memref<320x128xf32, #tpu.memory_space<hbm>>)
      tpu.yield
    }) : () -> ()
    %barrier3A_96 = arith.constant 0 : index
    tpu.barrier barrier_id(%barrier3A_96)
    %scan3A_97 = arith.constant 0 : i32
    %scan3A_98 = arith.constant 0 : i32
    %scan3A_99 = arith.constant 125 : i32
    %scan3A_100 = arith.addi %scan3A_98, %scan3A_99 : i32
    %scan3A_101 = arith.constant 1 : i32
    %scan3A_102 = scf.for %scan3A_188 = %scan3A_98 to %scan3A_100 step %scan3A_101 iter_args(%scan3A_189 = %scan3A_97) -> (i32)  : i32 {
      %get3A = arith.index_cast %scan3A_188 : i32 to index
      %get3A_190 = arith.constant 0 : index
      %get3A_191 = tpu.vector_load %arg8[%get3A, %get3A_190] {strides = array<i32>} : memref<125x80xi32, #tpu.memory_space<vmem>>, vector<16xi32>,
      %sub3A = arith.constant 5120 : i32
      %sub3A_192 = vector.broadcast %sub3A : i32 to vector<16xi32>
      %sub3A_193 = arith.subi %get3A_191, %sub3A_192 : vector<16xi32>
      %lt3A = arith.constant 0 : i32
      %lt3A_194 = vector.broadcast %lt3A : i32 to vector<16xi32>
      %lt3A_195 = arith.cmpi slt, %sub3A_193, %lt3A_194 : vector<16xi32>
      %ge3A = arith.constant 5120 : i32
      %ge3A_196 = vector.broadcast %ge3A : i32 to vector<16xi32>
      %ge3A_197 = arith.cmpi sge, %sub3A_193, %ge3A_196 : vector<16xi32>
      %or3A = arith.ori %lt3A_195, %ge3A_197 : vector<16xi1>
      %iota3A = tpu.iota {dimensions = array<i32: 0>} : vector<16xi32>
      %add3A_198 = arith.constant 0 : i32
      %add3A_199 = vector.broadcast %add3A_198 : i32 to vector<16xi32>
      %add3A_200 = arith.addi %add3A_199, %iota3A : vector<16xi32>
      %and3A = arith.constant 31 : i32
      %and3A_201 = vector.broadcast %and3A : i32 to vector<16xi32>
      %and3A_202 = arith.andi %add3A_200, %and3A_201 : vector<16xi32>
      %add3A_203 = vector.broadcast %add3A_10 : i32 to vector<16xi32>
      %add3A_204 = arith.addi %add3A_203, %and3A_202 : vector<16xi32>
      %select_n3A = arith.select %or3A, %add3A_204, %sub3A_193 : vector<16xi1>, vector<16xi32>
      %swap3A = arith.index_cast %scan3A_188 : i32 to index
      %swap3A_205 = arith.constant 0 : index
      %swap3A_206 = tpu.vector_load %arg9[%swap3A, %swap3A_205] {strides = array<i32>} : memref<125x80xi32, #tpu.memory_space<vmem>>, vector<16xi32>,
      tpu.vector_store %arg9[%swap3A, %swap3A_205], %select_n3A {strides = array<i32>} : memref<125x80xi32, #tpu.memory_space<vmem>>, vector<16xi32>,
      %get3A_207 = arith.index_cast %scan3A_188 : i32 to index
      %get3A_208 = arith.constant 16 : index
      %get3A_209 = tpu.vector_load %arg8[%get3A_207, %get3A_208] {strides = array<i32>} : memref<125x80xi32, #tpu.memory_space<vmem>>, vector<16xi32>,
      %sub3A_210 = arith.constant 5120 : i32
      %sub3A_211 = vector.broadcast %sub3A_210 : i32 to vector<16xi32>
      %sub3A_212 = arith.subi %get3A_209, %sub3A_211 : vector<16xi32>
      %lt3A_213 = arith.constant 0 : i32
      %lt3A_214 = vector.broadcast %lt3A_213 : i32 to vector<16xi32>
      %lt3A_215 = arith.cmpi slt, %sub3A_212, %lt3A_214 : vector<16xi32>
      %ge3A_216 = arith.constant 5120 : i32
      %ge3A_217 = vector.broadcast %ge3A_216 : i32 to vector<16xi32>
      %ge3A_218 = arith.cmpi sge, %sub3A_212, %ge3A_217 : vector<16xi32>
      %or3A_219 = arith.ori %lt3A_215, %ge3A_218 : vector<16xi1>
      %iota3A_220 = tpu.iota {dimensions = array<i32: 0>} : vector<16xi32>
      %add3A_221 = arith.constant 16 : i32
      %add3A_222 = vector.broadcast %add3A_221 : i32 to vector<16xi32>
      %add3A_223 = arith.addi %add3A_222, %iota3A_220 : vector<16xi32>
      %and3A_224 = arith.constant 31 : i32
      %and3A_225 = vector.broadcast %and3A_224 : i32 to vector<16xi32>
      %and3A_226 = arith.andi %add3A_223, %and3A_225 : vector<16xi32>
      %add3A_227 = vector.broadcast %add3A_10 : i32 to vector<16xi32>
      %add3A_228 = arith.addi %add3A_227, %and3A_226 : vector<16xi32>
      %select_n3A_229 = arith.select %or3A_219, %add3A_228, %sub3A_212 : vector<16xi1>, vector<16xi32>
      %swap3A_230 = arith.index_cast %scan3A_188 : i32 to index
      %swap3A_231 = arith.constant 16 : index
      %swap3A_232 = tpu.vector_load %arg9[%swap3A_230, %swap3A_231] {strides = array<i32>} : memref<125x80xi32, #tpu.memory_space<vmem>>, vector<16xi32>,
      tpu.vector_store %arg9[%swap3A_230, %swap3A_231], %select_n3A_229 {strides = array<i32>} : memref<125x80xi32, #tpu.memory_space<vmem>>, vector<16xi32>,
      %get3A_233 = arith.index_cast %scan3A_188 : i32 to index
      %get3A_234 = arith.constant 32 : index
      %get3A_235 = tpu.vector_load %arg8[%get3A_233, %get3A_234] {strides = array<i32>} : memref<125x80xi32, #tpu.memory_space<vmem>>, vector<16xi32>,
      %sub3A_236 = arith.constant 5120 : i32
      %sub3A_237 = vector.broadcast %sub3A_236 : i32 to vector<16xi32>
      %sub3A_238 = arith.subi %get3A_235, %sub3A_237 : vector<16xi32>
      %lt3A_239 = arith.constant 0 : i32
      %lt3A_240 = vector.broadcast %lt3A_239 : i32 to vector<16xi32>
      %lt3A_241 = arith.cmpi slt, %sub3A_238, %lt3A_240 : vector<16xi32>
      %ge3A_242 = arith.constant 5120 : i32
      %ge3A_243 = vector.broadcast %ge3A_242 : i32 to vector<16xi32>
      %ge3A_244 = arith.cmpi sge, %sub3A_238, %ge3A_243 : vector<16xi32>
      %or3A_245 = arith.ori %lt3A_241, %ge3A_244 : vector<16xi1>
      %iota3A_246 = tpu.iota {dimensions = array<i32: 0>} : vector<16xi32>
      %add3A_247 = arith.constant 32 : i32
      %add3A_248 = vector.broadcast %add3A_247 : i32 to vector<16xi32>
      %add3A_249 = arith.addi %add3A_248, %iota3A_246 : vector<16xi32>
      %and3A_250 = arith.constant 31 : i32
      %and3A_251 = vector.broadcast %and3A_250 : i32 to vector<16xi32>
      %and3A_252 = arith.andi %add3A_249, %and3A_251 : vector<16xi32>
      %add3A_253 = vector.broadcast %add3A_10 : i32 to vector<16xi32>
      %add3A_254 = arith.addi %add3A_253, %and3A_252 : vector<16xi32>
      %select_n3A_255 = arith.select %or3A_245, %add3A_254, %sub3A_238 : vector<16xi1>, vector<16xi32>
      %swap3A_256 = arith.index_cast %scan3A_188 : i32 to index
      %swap3A_257 = arith.constant 32 : index
      %swap3A_258 = tpu.vector_load %arg9[%swap3A_256, %swap3A_257] {strides = array<i32>} : memref<125x80xi32, #tpu.memory_space<vmem>>, vector<16xi32>,
      tpu.vector_store %arg9[%swap3A_256, %swap3A_257], %select_n3A_255 {strides = array<i32>} : memref<125x80xi32, #tpu.memory_space<vmem>>, vector<16xi32>,
      %get3A_259 = arith.index_cast %scan3A_188 : i32 to index
      %get3A_260 = arith.constant 48 : index
      %get3A_261 = tpu.vector_load %arg8[%get3A_259, %get3A_260] {strides = array<i32>} : memref<125x80xi32, #tpu.memory_space<vmem>>, vector<16xi32>,
      %sub3A_262 = arith.constant 5120 : i32
      %sub3A_263 = vector.broadcast %sub3A_262 : i32 to vector<16xi32>
      %sub3A_264 = arith.subi %get3A_261, %sub3A_263 : vector<16xi32>
      %lt3A_265 = arith.constant 0 : i32
      %lt3A_266 = vector.broadcast %lt3A_265 : i32 to vector<16xi32>
      %lt3A_267 = arith.cmpi slt, %sub3A_264, %lt3A_266 : vector<16xi32>
      %ge3A_268 = arith.constant 5120 : i32
      %ge3A_269 = vector.broadcast %ge3A_268 : i32 to vector<16xi32>
      %ge3A_270 = arith.cmpi sge, %sub3A_264, %ge3A_269 : vector<16xi32>
      %or3A_271 = arith.ori %lt3A_267, %ge3A_270 : vector<16xi1>
      %iota3A_272 = tpu.iota {dimensions = array<i32: 0>} : vector<16xi32>
      %add3A_273 = arith.constant 48 : i32
      %add3A_274 = vector.broadcast %add3A_273 : i32 to vector<16xi32>
      %add3A_275 = arith.addi %add3A_274, %iota3A_272 : vector<16xi32>
      %and3A_276 = arith.constant 31 : i32
      %and3A_277 = vector.broadcast %and3A_276 : i32 to vector<16xi32>
      %and3A_278 = arith.andi %add3A_275, %and3A_277 : vector<16xi32>
      %add3A_279 = vector.broadcast %add3A_10 : i32 to vector<16xi32>
      %add3A_280 = arith.addi %add3A_279, %and3A_278 : vector<16xi32>
      %select_n3A_281 = arith.select %or3A_271, %add3A_280, %sub3A_264 : vector<16xi1>, vector<16xi32>
      %swap3A_282 = arith.index_cast %scan3A_188 : i32 to index
      %swap3A_283 = arith.constant 48 : index
      %swap3A_284 = tpu.vector_load %arg9[%swap3A_282, %swap3A_283] {strides = array<i32>} : memref<125x80xi32, #tpu.memory_space<vmem>>, vector<16xi32>,
      tpu.vector_store %arg9[%swap3A_282, %swap3A_283], %select_n3A_281 {strides = array<i32>} : memref<125x80xi32, #tpu.memory_space<vmem>>, vector<16xi32>,
      %get3A_285 = arith.index_cast %scan3A_188 : i32 to index
      %get3A_286 = arith.constant 64 : index
      %get3A_287 = tpu.vector_load %arg8[%get3A_285, %get3A_286] {strides = array<i32>} : memref<125x80xi32, #tpu.memory_space<vmem>>, vector<16xi32>,
      %sub3A_288 = arith.constant 5120 : i32
      %sub3A_289 = vector.broadcast %sub3A_288 : i32 to vector<16xi32>
      %sub3A_290 = arith.subi %get3A_287, %sub3A_289 : vector<16xi32>
      %lt3A_291 = arith.constant 0 : i32
      %lt3A_292 = vector.broadcast %lt3A_291 : i32 to vector<16xi32>
      %lt3A_293 = arith.cmpi slt, %sub3A_290, %lt3A_292 : vector<16xi32>
      %ge3A_294 = arith.constant 5120 : i32
      %ge3A_295 = vector.broadcast %ge3A_294 : i32 to vector<16xi32>
      %ge3A_296 = arith.cmpi sge, %sub3A_290, %ge3A_295 : vector<16xi32>
      %or3A_297 = arith.ori %lt3A_293, %ge3A_296 : vector<16xi1>
      %iota3A_298 = tpu.iota {dimensions = array<i32: 0>} : vector<16xi32>
      %add3A_299 = arith.constant 64 : i32
      %add3A_300 = vector.broadcast %add3A_299 : i32 to vector<16xi32>
      %add3A_301 = arith.addi %add3A_300, %iota3A_298 : vector<16xi32>
      %and3A_302 = arith.constant 31 : i32
      %and3A_303 = vector.broadcast %and3A_302 : i32 to vector<16xi32>
      %and3A_304 = arith.andi %add3A_301, %and3A_303 : vector<16xi32>
      %add3A_305 = vector.broadcast %add3A_10 : i32 to vector<16xi32>
      %add3A_306 = arith.addi %add3A_305, %and3A_304 : vector<16xi32>
      %select_n3A_307 = arith.select %or3A_297, %add3A_306, %sub3A_290 : vector<16xi1>, vector<16xi32>
      %swap3A_308 = arith.index_cast %scan3A_188 : i32 to index
      %swap3A_309 = arith.constant 64 : index
      %swap3A_310 = tpu.vector_load %arg9[%swap3A_308, %swap3A_309] {strides = array<i32>} : memref<125x80xi32, #tpu.memory_space<vmem>>, vector<16xi32>,
      tpu.vector_store %arg9[%swap3A_308, %swap3A_309], %select_n3A_307 {strides = array<i32>} : memref<125x80xi32, #tpu.memory_space<vmem>>, vector<16xi32>,
      %scan3A_311 = arith.constant 0 : i32
      scf.yield %scan3A_311 : i32
    }
    %scan3A_103 = arith.constant 125 : i32
    %mul3A_104 = arith.constant 352 : i32
    %mul3A_105 = arith.muli %arg1, %mul3A_104 : i32
    %add3A_106 = arith.constant 0 : i32
    %add3A_107 = arith.addi %mul3A_105, %add3A_106 : i32
    "tpu.region"() ({
      %run_scoped3A_188 = tpu.sem_alloc : memref<!tpu.dma_semaphore, #tpu.memory_space<semaphore_mem>>
      %dma_start3A_189 = arith.constant 0 : i32
      %dma_start3A_190 = tpu.memref_slice %arg14[%add3A_107, %dma_start3A_189] : memref<5632x128xf32, #tpu.memory_space<vmem_shared>> -> memref<32x128xf32, #tpu.memory_space<vmem_shared>>
      %dma_start3A_191 = arith.constant 0 : i32
      %dma_start3A_192 = tpu.memref_slice %arg14[%add3A_107, %dma_start3A_191] : memref<5632x128xf32, #tpu.memory_space<vmem_shared>> -> memref<32x128xf32, #tpu.memory_space<vmem_shared>>
      tpu.enqueue_dma source(%arg13 : memref<32x128xf32, #tpu.memory_space<vmem>>) target(%dma_start3A_192 : memref<32x128xf32, #tpu.memory_space<vmem_shared>>) target_semaphore(%run_scoped3A_188 : memref<!tpu.dma_semaphore, #tpu.memory_space<semaphore_mem>>)
      %dma_wait3A_193 = arith.constant 0 : i32
      %dma_wait3A_194 = tpu.memref_slice %arg14[%add3A_107, %dma_wait3A_193] : memref<5632x128xf32, #tpu.memory_space<vmem_shared>> -> memref<32x128xf32, #tpu.memory_space<vmem_shared>>
      %dma_wait3A_195 = arith.constant 0 : i32
      %dma_wait3A_196 = tpu.memref_slice %arg14[%add3A_107, %dma_wait3A_195] : memref<5632x128xf32, #tpu.memory_space<vmem_shared>> -> memref<32x128xf32, #tpu.memory_space<vmem_shared>>
      tpu.wait_dma2 semaphore(%run_scoped3A_188 : memref<!tpu.dma_semaphore, #tpu.memory_space<semaphore_mem>>) src(%arg13 : memref<32x128xf32, #tpu.memory_space<vmem>>) dst(%dma_wait3A_196 : memref<32x128xf32, #tpu.memory_space<vmem_shared>>)
      tpu.yield
    }) : () -> ()
    %mul3A_108 = arith.constant 352 : i32
    %mul3A_109 = arith.muli %arg1, %mul3A_108 : i32
    %add3A_110 = arith.constant 32 : i32
    %add3A_111 = arith.addi %mul3A_109, %add3A_110 : i32
    "tpu.region"() ({
      %run_scoped3A_188 = tpu.sem_alloc : memref<!tpu.dma_semaphore, #tpu.memory_space<semaphore_mem>>
      %dma_start3A_189 = arith.constant 0 : i32
      %dma_start3A_190 = tpu.memref_slice %arg14[%add3A_111, %dma_start3A_189] : memref<5632x128xf32, #tpu.memory_space<vmem_shared>> -> memref<32x128xf32, #tpu.memory_space<vmem_shared>>
      %dma_start3A_191 = arith.constant 0 : i32
      %dma_start3A_192 = tpu.memref_slice %arg14[%add3A_111, %dma_start3A_191] : memref<5632x128xf32, #tpu.memory_space<vmem_shared>> -> memref<32x128xf32, #tpu.memory_space<vmem_shared>>
      tpu.enqueue_dma source(%arg13 : memref<32x128xf32, #tpu.memory_space<vmem>>) target(%dma_start3A_192 : memref<32x128xf32, #tpu.memory_space<vmem_shared>>) target_semaphore(%run_scoped3A_188 : memref<!tpu.dma_semaphore, #tpu.memory_space<semaphore_mem>>)
      %dma_wait3A_193 = arith.constant 0 : i32
      %dma_wait3A_194 = tpu.memref_slice %arg14[%add3A_111, %dma_wait3A_193] : memref<5632x128xf32, #tpu.memory_space<vmem_shared>> -> memref<32x128xf32, #tpu.memory_space<vmem_shared>>
      %dma_wait3A_195 = arith.constant 0 : i32
      %dma_wait3A_196 = tpu.memref_slice %arg14[%add3A_111, %dma_wait3A_195] : memref<5632x128xf32, #tpu.memory_space<vmem_shared>> -> memref<32x128xf32, #tpu.memory_space<vmem_shared>>
      tpu.wait_dma2 semaphore(%run_scoped3A_188 : memref<!tpu.dma_semaphore, #tpu.memory_space<semaphore_mem>>) src(%arg13 : memref<32x128xf32, #tpu.memory_space<vmem>>) dst(%dma_wait3A_196 : memref<32x128xf32, #tpu.memory_space<vmem_shared>>)
      tpu.yield
    }) : () -> ()
    %mul3A_112 = arith.constant 352 : i32
    %mul3A_113 = arith.muli %arg1, %mul3A_112 : i32
    %add3A_114 = arith.constant 64 : i32
    %add3A_115 = arith.addi %mul3A_113, %add3A_114 : i32
    "tpu.region"() ({
      %run_scoped3A_188 = tpu.sem_alloc : memref<!tpu.dma_semaphore, #tpu.memory_space<semaphore_mem>>
      %dma_start3A_189 = arith.constant 0 : i32
      %dma_start3A_190 = tpu.memref_slice %arg14[%add3A_115, %dma_start3A_189] : memref<5632x128xf32, #tpu.memory_space<vmem_shared>> -> memref<32x128xf32, #tpu.memory_space<vmem_shared>>
      %dma_start3A_191 = arith.constant 0 : i32
      %dma_start3A_192 = tpu.memref_slice %arg14[%add3A_115, %dma_start3A_191] : memref<5632x128xf32, #tpu.memory_space<vmem_shared>> -> memref<32x128xf32, #tpu.memory_space<vmem_shared>>
      tpu.enqueue_dma source(%arg13 : memref<32x128xf32, #tpu.memory_space<vmem>>) target(%dma_start3A_192 : memref<32x128xf32, #tpu.memory_space<vmem_shared>>) target_semaphore(%run_scoped3A_188 : memref<!tpu.dma_semaphore, #tpu.memory_space<semaphore_mem>>)
      %dma_wait3A_193 = arith.constant 0 : i32
      %dma_wait3A_194 = tpu.memref_slice %arg14[%add3A_115, %dma_wait3A_193] : memref<5632x128xf32, #tpu.memory_space<vmem_shared>> -> memref<32x128xf32, #tpu.memory_space<vmem_shared>>
      %dma_wait3A_195 = arith.constant 0 : i32
      %dma_wait3A_196 = tpu.memref_slice %arg14[%add3A_115, %dma_wait3A_195] : memref<5632x128xf32, #tpu.memory_space<vmem_shared>> -> memref<32x128xf32, #tpu.memory_space<vmem_shared>>
      tpu.wait_dma2 semaphore(%run_scoped3A_188 : memref<!tpu.dma_semaphore, #tpu.memory_space<semaphore_mem>>) src(%arg13 : memref<32x128xf32, #tpu.memory_space<vmem>>) dst(%dma_wait3A_196 : memref<32x128xf32, #tpu.memory_space<vmem_shared>>)
      tpu.yield
    }) : () -> ()
    %mul3A_116 = arith.constant 352 : i32
    %mul3A_117 = arith.muli %arg1, %mul3A_116 : i32
    %add3A_118 = arith.constant 96 : i32
    %add3A_119 = arith.addi %mul3A_117, %add3A_118 : i32
    "tpu.region"() ({
      %run_scoped3A_188 = tpu.sem_alloc : memref<!tpu.dma_semaphore, #tpu.memory_space<semaphore_mem>>
      %dma_start3A_189 = arith.constant 0 : i32
      %dma_start3A_190 = tpu.memref_slice %arg14[%add3A_119, %dma_start3A_189] : memref<5632x128xf32, #tpu.memory_space<vmem_shared>> -> memref<32x128xf32, #tpu.memory_space<vmem_shared>>
      %dma_start3A_191 = arith.constant 0 : i32
      %dma_start3A_192 = tpu.memref_slice %arg14[%add3A_119, %dma_start3A_191] : memref<5632x128xf32, #tpu.memory_space<vmem_shared>> -> memref<32x128xf32, #tpu.memory_space<vmem_shared>>
      tpu.enqueue_dma source(%arg13 : memref<32x128xf32, #tpu.memory_space<vmem>>) target(%dma_start3A_192 : memref<32x128xf32, #tpu.memory_space<vmem_shared>>) target_semaphore(%run_scoped3A_188 : memref<!tpu.dma_semaphore, #tpu.memory_space<semaphore_mem>>)
      %dma_wait3A_193 = arith.constant 0 : i32
      %dma_wait3A_194 = tpu.memref_slice %arg14[%add3A_119, %dma_wait3A_193] : memref<5632x128xf32, #tpu.memory_space<vmem_shared>> -> memref<32x128xf32, #tpu.memory_space<vmem_shared>>
      %dma_wait3A_195 = arith.constant 0 : i32
      %dma_wait3A_196 = tpu.memref_slice %arg14[%add3A_119, %dma_wait3A_195] : memref<5632x128xf32, #tpu.memory_space<vmem_shared>> -> memref<32x128xf32, #tpu.memory_space<vmem_shared>>
      tpu.wait_dma2 semaphore(%run_scoped3A_188 : memref<!tpu.dma_semaphore, #tpu.memory_space<semaphore_mem>>) src(%arg13 : memref<32x128xf32, #tpu.memory_space<vmem>>) dst(%dma_wait3A_196 : memref<32x128xf32, #tpu.memory_space<vmem_shared>>)
      tpu.yield
    }) : () -> ()
    %mul3A_120 = arith.constant 352 : i32
    %mul3A_121 = arith.muli %arg1, %mul3A_120 : i32
    %add3A_122 = arith.constant 128 : i32
    %add3A_123 = arith.addi %mul3A_121, %add3A_122 : i32
    "tpu.region"() ({
      %run_scoped3A_188 = tpu.sem_alloc : memref<!tpu.dma_semaphore, #tpu.memory_space<semaphore_mem>>
      %dma_start3A_189 = arith.constant 0 : i32
      %dma_start3A_190 = tpu.memref_slice %arg14[%add3A_123, %dma_start3A_189] : memref<5632x128xf32, #tpu.memory_space<vmem_shared>> -> memref<32x128xf32, #tpu.memory_space<vmem_shared>>
      %dma_start3A_191 = arith.constant 0 : i32
      %dma_start3A_192 = tpu.memref_slice %arg14[%add3A_123, %dma_start3A_191] : memref<5632x128xf32, #tpu.memory_space<vmem_shared>> -> memref<32x128xf32, #tpu.memory_space<vmem_shared>>
      tpu.enqueue_dma source(%arg13 : memref<32x128xf32, #tpu.memory_space<vmem>>) target(%dma_start3A_192 : memref<32x128xf32, #tpu.memory_space<vmem_shared>>) target_semaphore(%run_scoped3A_188 : memref<!tpu.dma_semaphore, #tpu.memory_space<semaphore_mem>>)
      %dma_wait3A_193 = arith.constant 0 : i32
      %dma_wait3A_194 = tpu.memref_slice %arg14[%add3A_123, %dma_wait3A_193] : memref<5632x128xf32, #tpu.memory_space<vmem_shared>> -> memref<32x128xf32, #tpu.memory_space<vmem_shared>>
      %dma_wait3A_195 = arith.constant 0 : i32
      %dma_wait3A_196 = tpu.memref_slice %arg14[%add3A_123, %dma_wait3A_195] : memref<5632x128xf32, #tpu.memory_space<vmem_shared>> -> memref<32x128xf32, #tpu.memory_space<vmem_shared>>
      tpu.wait_dma2 semaphore(%run_scoped3A_188 : memref<!tpu.dma_semaphore, #tpu.memory_space<semaphore_mem>>) src(%arg13 : memref<32x128xf32, #tpu.memory_space<vmem>>) dst(%dma_wait3A_196 : memref<32x128xf32, #tpu.memory_space<vmem_shared>>)
      tpu.yield
    }) : () -> ()
    %mul3A_124 = arith.constant 352 : i32
    %mul3A_125 = arith.muli %arg1, %mul3A_124 : i32
    %add3A_126 = arith.constant 160 : i32
    %add3A_127 = arith.addi %mul3A_125, %add3A_126 : i32
    "tpu.region"() ({
      %run_scoped3A_188 = tpu.sem_alloc : memref<!tpu.dma_semaphore, #tpu.memory_space<semaphore_mem>>
      %dma_start3A_189 = arith.constant 0 : i32
      %dma_start3A_190 = tpu.memref_slice %arg14[%add3A_127, %dma_start3A_189] : memref<5632x128xf32, #tpu.memory_space<vmem_shared>> -> memref<32x128xf32, #tpu.memory_space<vmem_shared>>
      %dma_start3A_191 = arith.constant 0 : i32
      %dma_start3A_192 = tpu.memref_slice %arg14[%add3A_127, %dma_start3A_191] : memref<5632x128xf32, #tpu.memory_space<vmem_shared>> -> memref<32x128xf32, #tpu.memory_space<vmem_shared>>
      tpu.enqueue_dma source(%arg13 : memref<32x128xf32, #tpu.memory_space<vmem>>) target(%dma_start3A_192 : memref<32x128xf32, #tpu.memory_space<vmem_shared>>) target_semaphore(%run_scoped3A_188 : memref<!tpu.dma_semaphore, #tpu.memory_space<semaphore_mem>>)
      %dma_wait3A_193 = arith.constant 0 : i32
      %dma_wait3A_194 = tpu.memref_slice %arg14[%add3A_127, %dma_wait3A_193] : memref<5632x128xf32, #tpu.memory_space<vmem_shared>> -> memref<32x128xf32, #tpu.memory_space<vmem_shared>>
      %dma_wait3A_195 = arith.constant 0 : i32
      %dma_wait3A_196 = tpu.memref_slice %arg14[%add3A_127, %dma_wait3A_195] : memref<5632x128xf32, #tpu.memory_space<vmem_shared>> -> memref<32x128xf32, #tpu.memory_space<vmem_shared>>
      tpu.wait_dma2 semaphore(%run_scoped3A_188 : memref<!tpu.dma_semaphore, #tpu.memory_space<semaphore_mem>>) src(%arg13 : memref<32x128xf32, #tpu.memory_space<vmem>>) dst(%dma_wait3A_196 : memref<32x128xf32, #tpu.memory_space<vmem_shared>>)
      tpu.yield
    }) : () -> ()
    %mul3A_128 = arith.constant 352 : i32
    %mul3A_129 = arith.muli %arg1, %mul3A_128 : i32
    %add3A_130 = arith.constant 192 : i32
    %add3A_131 = arith.addi %mul3A_129, %add3A_130 : i32
    "tpu.region"() ({
      %run_scoped3A_188 = tpu.sem_alloc : memref<!tpu.dma_semaphore, #tpu.memory_space<semaphore_mem>>
      %dma_start3A_189 = arith.constant 0 : i32
      %dma_start3A_190 = tpu.memref_slice %arg14[%add3A_131, %dma_start3A_189] : memref<5632x128xf32, #tpu.memory_space<vmem_shared>> -> memref<32x128xf32, #tpu.memory_space<vmem_shared>>
      %dma_start3A_191 = arith.constant 0 : i32
      %dma_start3A_192 = tpu.memref_slice %arg14[%add3A_131, %dma_start3A_191] : memref<5632x128xf32, #tpu.memory_space<vmem_shared>> -> memref<32x128xf32, #tpu.memory_space<vmem_shared>>
      tpu.enqueue_dma source(%arg13 : memref<32x128xf32, #tpu.memory_space<vmem>>) target(%dma_start3A_192 : memref<32x128xf32, #tpu.memory_space<vmem_shared>>) target_semaphore(%run_scoped3A_188 : memref<!tpu.dma_semaphore, #tpu.memory_space<semaphore_mem>>)
      %dma_wait3A_193 = arith.constant 0 : i32
      %dma_wait3A_194 = tpu.memref_slice %arg14[%add3A_131, %dma_wait3A_193] : memref<5632x128xf32, #tpu.memory_space<vmem_shared>> -> memref<32x128xf32, #tpu.memory_space<vmem_shared>>
      %dma_wait3A_195 = arith.constant 0 : i32
      %dma_wait3A_196 = tpu.memref_slice %arg14[%add3A_131, %dma_wait3A_195] : memref<5632x128xf32, #tpu.memory_space<vmem_shared>> -> memref<32x128xf32, #tpu.memory_space<vmem_shared>>
      tpu.wait_dma2 semaphore(%run_scoped3A_188 : memref<!tpu.dma_semaphore, #tpu.memory_space<semaphore_mem>>) src(%arg13 : memref<32x128xf32, #tpu.memory_space<vmem>>) dst(%dma_wait3A_196 : memref<32x128xf32, #tpu.memory_space<vmem_shared>>)
      tpu.yield
    }) : () -> ()
    %mul3A_132 = arith.constant 352 : i32
    %mul3A_133 = arith.muli %arg1, %mul3A_132 : i32
    %add3A_134 = arith.constant 224 : i32
    %add3A_135 = arith.addi %mul3A_133, %add3A_134 : i32
    "tpu.region"() ({
      %run_scoped3A_188 = tpu.sem_alloc : memref<!tpu.dma_semaphore, #tpu.memory_space<semaphore_mem>>
      %dma_start3A_189 = arith.constant 0 : i32
      %dma_start3A_190 = tpu.memref_slice %arg14[%add3A_135, %dma_start3A_189] : memref<5632x128xf32, #tpu.memory_space<vmem_shared>> -> memref<32x128xf32, #tpu.memory_space<vmem_shared>>
      %dma_start3A_191 = arith.constant 0 : i32
      %dma_start3A_192 = tpu.memref_slice %arg14[%add3A_135, %dma_start3A_191] : memref<5632x128xf32, #tpu.memory_space<vmem_shared>> -> memref<32x128xf32, #tpu.memory_space<vmem_shared>>
      tpu.enqueue_dma source(%arg13 : memref<32x128xf32, #tpu.memory_space<vmem>>) target(%dma_start3A_192 : memref<32x128xf32, #tpu.memory_space<vmem_shared>>) target_semaphore(%run_scoped3A_188 : memref<!tpu.dma_semaphore, #tpu.memory_space<semaphore_mem>>)
      %dma_wait3A_193 = arith.constant 0 : i32
      %dma_wait3A_194 = tpu.memref_slice %arg14[%add3A_135, %dma_wait3A_193] : memref<5632x128xf32, #tpu.memory_space<vmem_shared>> -> memref<32x128xf32, #tpu.memory_space<vmem_shared>>
      %dma_wait3A_195 = arith.constant 0 : i32
      %dma_wait3A_196 = tpu.memref_slice %arg14[%add3A_135, %dma_wait3A_195] : memref<5632x128xf32, #tpu.memory_space<vmem_shared>> -> memref<32x128xf32, #tpu.memory_space<vmem_shared>>
      tpu.wait_dma2 semaphore(%run_scoped3A_188 : memref<!tpu.dma_semaphore, #tpu.memory_space<semaphore_mem>>) src(%arg13 : memref<32x128xf32, #tpu.memory_space<vmem>>) dst(%dma_wait3A_196 : memref<32x128xf32, #tpu.memory_space<vmem_shared>>)
      tpu.yield
    }) : () -> ()
    %mul3A_136 = arith.constant 352 : i32
    %mul3A_137 = arith.muli %arg1, %mul3A_136 : i32
    %add3A_138 = arith.constant 256 : i32
    %add3A_139 = arith.addi %mul3A_137, %add3A_138 : i32
    "tpu.region"() ({
      %run_scoped3A_188 = tpu.sem_alloc : memref<!tpu.dma_semaphore, #tpu.memory_space<semaphore_mem>>
      %dma_start3A_189 = arith.constant 0 : i32
      %dma_start3A_190 = tpu.memref_slice %arg14[%add3A_139, %dma_start3A_189] : memref<5632x128xf32, #tpu.memory_space<vmem_shared>> -> memref<32x128xf32, #tpu.memory_space<vmem_shared>>
      %dma_start3A_191 = arith.constant 0 : i32
      %dma_start3A_192 = tpu.memref_slice %arg14[%add3A_139, %dma_start3A_191] : memref<5632x128xf32, #tpu.memory_space<vmem_shared>> -> memref<32x128xf32, #tpu.memory_space<vmem_shared>>
      tpu.enqueue_dma source(%arg13 : memref<32x128xf32, #tpu.memory_space<vmem>>) target(%dma_start3A_192 : memref<32x128xf32, #tpu.memory_space<vmem_shared>>) target_semaphore(%run_scoped3A_188 : memref<!tpu.dma_semaphore, #tpu.memory_space<semaphore_mem>>)
      %dma_wait3A_193 = arith.constant 0 : i32
      %dma_wait3A_194 = tpu.memref_slice %arg14[%add3A_139, %dma_wait3A_193] : memref<5632x128xf32, #tpu.memory_space<vmem_shared>> -> memref<32x128xf32, #tpu.memory_space<vmem_shared>>
      %dma_wait3A_195 = arith.constant 0 : i32
      %dma_wait3A_196 = tpu.memref_slice %arg14[%add3A_139, %dma_wait3A_195] : memref<5632x128xf32, #tpu.memory_space<vmem_shared>> -> memref<32x128xf32, #tpu.memory_space<vmem_shared>>
      tpu.wait_dma2 semaphore(%run_scoped3A_188 : memref<!tpu.dma_semaphore, #tpu.memory_space<semaphore_mem>>) src(%arg13 : memref<32x128xf32, #tpu.memory_space<vmem>>) dst(%dma_wait3A_196 : memref<32x128xf32, #tpu.memory_space<vmem_shared>>)
      tpu.yield
    }) : () -> ()
    %mul3A_140 = arith.constant 352 : i32
    %mul3A_141 = arith.muli %arg1, %mul3A_140 : i32
    %add3A_142 = arith.constant 288 : i32
    %add3A_143 = arith.addi %mul3A_141, %add3A_142 : i32
    "tpu.region"() ({
      %run_scoped3A_188 = tpu.sem_alloc : memref<!tpu.dma_semaphore, #tpu.memory_space<semaphore_mem>>
      %dma_start3A_189 = arith.constant 0 : i32
      %dma_start3A_190 = tpu.memref_slice %arg14[%add3A_143, %dma_start3A_189] : memref<5632x128xf32, #tpu.memory_space<vmem_shared>> -> memref<32x128xf32, #tpu.memory_space<vmem_shared>>
      %dma_start3A_191 = arith.constant 0 : i32
      %dma_start3A_192 = tpu.memref_slice %arg14[%add3A_143, %dma_start3A_191] : memref<5632x128xf32, #tpu.memory_space<vmem_shared>> -> memref<32x128xf32, #tpu.memory_space<vmem_shared>>
      tpu.enqueue_dma source(%arg13 : memref<32x128xf32, #tpu.memory_space<vmem>>) target(%dma_start3A_192 : memref<32x128xf32, #tpu.memory_space<vmem_shared>>) target_semaphore(%run_scoped3A_188 : memref<!tpu.dma_semaphore, #tpu.memory_space<semaphore_mem>>)
      %dma_wait3A_193 = arith.constant 0 : i32
      %dma_wait3A_194 = tpu.memref_slice %arg14[%add3A_143, %dma_wait3A_193] : memref<5632x128xf32, #tpu.memory_space<vmem_shared>> -> memref<32x128xf32, #tpu.memory_space<vmem_shared>>
      %dma_wait3A_195 = arith.constant 0 : i32
      %dma_wait3A_196 = tpu.memref_slice %arg14[%add3A_143, %dma_wait3A_195] : memref<5632x128xf32, #tpu.memory_space<vmem_shared>> -> memref<32x128xf32, #tpu.memory_space<vmem_shared>>
      tpu.wait_dma2 semaphore(%run_scoped3A_188 : memref<!tpu.dma_semaphore, #tpu.memory_space<semaphore_mem>>) src(%arg13 : memref<32x128xf32, #tpu.memory_space<vmem>>) dst(%dma_wait3A_196 : memref<32x128xf32, #tpu.memory_space<vmem_shared>>)
      tpu.yield
    }) : () -> ()
    %mul3A_144 = arith.constant 352 : i32
    %mul3A_145 = arith.muli %arg1, %mul3A_144 : i32
    %add3A_146 = arith.constant 320 : i32
    %add3A_147 = arith.addi %mul3A_145, %add3A_146 : i32
    "tpu.region"() ({
      %run_scoped3A_188 = tpu.sem_alloc : memref<!tpu.dma_semaphore, #tpu.memory_space<semaphore_mem>>
      %dma_start3A_189 = arith.constant 0 : i32
      %dma_start3A_190 = tpu.memref_slice %arg14[%add3A_147, %dma_start3A_189] : memref<5632x128xf32, #tpu.memory_space<vmem_shared>> -> memref<32x128xf32, #tpu.memory_space<vmem_shared>>
      %dma_start3A_191 = arith.constant 0 : i32
      %dma_start3A_192 = tpu.memref_slice %arg14[%add3A_147, %dma_start3A_191] : memref<5632x128xf32, #tpu.memory_space<vmem_shared>> -> memref<32x128xf32, #tpu.memory_space<vmem_shared>>
      tpu.enqueue_dma source(%arg13 : memref<32x128xf32, #tpu.memory_space<vmem>>) target(%dma_start3A_192 : memref<32x128xf32, #tpu.memory_space<vmem_shared>>) target_semaphore(%run_scoped3A_188 : memref<!tpu.dma_semaphore, #tpu.memory_space<semaphore_mem>>)
      %dma_wait3A_193 = arith.constant 0 : i32
      %dma_wait3A_194 = tpu.memref_slice %arg14[%add3A_147, %dma_wait3A_193] : memref<5632x128xf32, #tpu.memory_space<vmem_shared>> -> memref<32x128xf32, #tpu.memory_space<vmem_shared>>
      %dma_wait3A_195 = arith.constant 0 : i32
      %dma_wait3A_196 = tpu.memref_slice %arg14[%add3A_147, %dma_wait3A_195] : memref<5632x128xf32, #tpu.memory_space<vmem_shared>> -> memref<32x128xf32, #tpu.memory_space<vmem_shared>>
      tpu.wait_dma2 semaphore(%run_scoped3A_188 : memref<!tpu.dma_semaphore, #tpu.memory_space<semaphore_mem>>) src(%arg13 : memref<32x128xf32, #tpu.memory_space<vmem>>) dst(%dma_wait3A_196 : memref<32x128xf32, #tpu.memory_space<vmem_shared>>)
      tpu.yield
    }) : () -> ()
    %barrier3A_148 = arith.constant 0 : index
    tpu.barrier barrier_id(%barrier3A_148)
    %dma_start3A_149 = arith.constant 0 : i32
    %dma_start3A_150 = arith.constant 0 : i32
    %dma_start3A_151 = tpu.memref_slice %arg7[%dma_start3A_149, %dma_start3A_150] : memref<125x80xi32, #tpu.memory_space<vmem>> -> memref<1x80xi32, #tpu.memory_space<vmem>>
    %dma_start3A_152 = tpu.memref_squeeze %dma_start3A_151 : memref<1x80xi32, #tpu.memory_space<vmem>> -> memref<80xi32, #tpu.memory_space<vmem>>
    %dma_start3A_153 = arith.constant 0 : i32
    %dma_start3A_154 = arith.constant 0 : i32
    %dma_start3A_155 = tpu.memref_slice %arg2[%dma_start3A_153, %dma_start3A_154] : memref<10000x128xf32, #tpu.memory_space<hbm>> -> memref<10000x128xf32, #tpu.memory_space<hbm>>
    tpu.enqueue_indirect_dma source(%dma_start3A_155 : memref<10000x128xf32, #tpu.memory_space<hbm>>) target(%arg11 : memref<80x128xf32, #tpu.memory_space<vmem>>) offsets(%dma_start3A_152 : memref<80xi32, #tpu.memory_space<vmem>>) semaphore(%arg15 : memref<!tpu.dma_semaphore, #tpu.memory_space<semaphore_mem>>)
    %scan3A_156 = arith.constant 0 : i32
    %scan3A_157 = arith.constant 0 : i32
    %scan3A_158 = arith.constant 62 : i32
    %scan3A_159 = arith.addi %scan3A_157, %scan3A_158 : i32
    %scan3A_160 = arith.constant 1 : i32
    %scan3A_161 = scf.for %scan3A_188 = %scan3A_157 to %scan3A_159 step %scan3A_160 iter_args(%scan3A_189 = %scan3A_156) -> (i32)  : i32 {
      %mul3A_190 = arith.constant 2 : i32
      %mul3A_191 = arith.muli %mul3A_190, %scan3A_188 : i32
      %mul3A_192 = arith.constant 2 : i32
      %mul3A_193 = arith.muli %mul3A_192, %scan3A_188 : i32
      %add3A_194 = arith.constant 1 : i32
      %add3A_195 = arith.addi %mul3A_193, %add3A_194 : i32
      %gt3A = arith.constant 0 : i32
      %gt3A_196 = arith.cmpi sgt, %scan3A_188, %gt3A : i32
      %convert_element_type3A = arith.extui %gt3A_196 : i1 to i32
      %cond3A = arith.constant 0 : i32
      %cond3A_197 = arith.cmpi ne, %convert_element_type3A, %cond3A : i32
      scf.if %cond3A_197 {
        %dma_wait3A_249 = arith.constant 0 : i32
        %dma_wait3A_250 = tpu.memref_slice %arg9[%add3A_195, %dma_wait3A_249] : memref<125x80xi32, #tpu.memory_space<vmem>> -> memref<1x80xi32, #tpu.memory_space<vmem>>
        %dma_wait3A_251 = tpu.memref_squeeze %dma_wait3A_250 : memref<1x80xi32, #tpu.memory_space<vmem>> -> memref<80xi32, #tpu.memory_space<vmem>>
        %dma_wait3A_252 = arith.constant 0 : i32
        %dma_wait3A_253 = arith.constant 0 : i32
        %dma_wait3A_254 = tpu.memref_slice %arg14[%dma_wait3A_252, %dma_wait3A_253] : memref<5632x128xf32, #tpu.memory_space<vmem_shared>> -> memref<5632x128xf32, #tpu.memory_space<vmem_shared>>
        tpu.wait_indirect_dma semaphore(%arg18 : memref<!tpu.dma_semaphore, #tpu.memory_space<semaphore_mem>>) src(%arg12 : memref<80x128xf32, #tpu.memory_space<vmem>>) dst(%dma_wait3A_254 : memref<5632x128xf32, #tpu.memory_space<vmem_shared>>)
      } else {
      }
      %dma_start3A_198 = arith.constant 0 : i32
      %dma_start3A_199 = tpu.memref_slice %arg7[%add3A_195, %dma_start3A_198] : memref<125x80xi32, #tpu.memory_space<vmem>> -> memref<1x80xi32, #tpu.memory_space<vmem>>
      %dma_start3A_200 = tpu.memref_squeeze %dma_start3A_199 : memref<1x80xi32, #tpu.memory_space<vmem>> -> memref<80xi32, #tpu.memory_space<vmem>>
      %dma_start3A_201 = arith.constant 0 : i32
      %dma_start3A_202 = arith.constant 0 : i32
      %dma_start3A_203 = tpu.memref_slice %arg2[%dma_start3A_201, %dma_start3A_202] : memref<10000x128xf32, #tpu.memory_space<hbm>> -> memref<10000x128xf32, #tpu.memory_space<hbm>>
      tpu.enqueue_indirect_dma source(%dma_start3A_203 : memref<10000x128xf32, #tpu.memory_space<hbm>>) target(%arg12 : memref<80x128xf32, #tpu.memory_space<vmem>>) offsets(%dma_start3A_200 : memref<80xi32, #tpu.memory_space<vmem>>) semaphore(%arg16 : memref<!tpu.dma_semaphore, #tpu.memory_space<semaphore_mem>>)
      %dma_wait3A_204 = arith.constant 0 : i32
      %dma_wait3A_205 = tpu.memref_slice %arg7[%mul3A_191, %dma_wait3A_204] : memref<125x80xi32, #tpu.memory_space<vmem>> -> memref<1x80xi32, #tpu.memory_space<vmem>>
      %dma_wait3A_206 = tpu.memref_squeeze %dma_wait3A_205 : memref<1x80xi32, #tpu.memory_space<vmem>> -> memref<80xi32, #tpu.memory_space<vmem>>
      %dma_wait3A_207 = arith.constant 0 : i32
      %dma_wait3A_208 = arith.constant 0 : i32
      %dma_wait3A_209 = tpu.memref_slice %arg2[%dma_wait3A_207, %dma_wait3A_208] : memref<10000x128xf32, #tpu.memory_space<hbm>> -> memref<10000x128xf32, #tpu.memory_space<hbm>>
      tpu.wait_indirect_dma semaphore(%arg15 : memref<!tpu.dma_semaphore, #tpu.memory_space<semaphore_mem>>) src(%dma_wait3A_209 : memref<10000x128xf32, #tpu.memory_space<hbm>>) dst(%arg11 : memref<80x128xf32, #tpu.memory_space<vmem>>)
      %parallel_loop3A_210 = arith.constant 0 : i32
      %parallel_loop3A_211 = arith.constant 80 : i32
      %parallel_loop3A_212 = arith.constant 1 : i32
      scf.for %parallel_loop3A_249 = %parallel_loop3A_210 to %parallel_loop3A_211 step %parallel_loop3A_212  : i32 {
        %parallel_loop3A_250 = arith.constant 80 : i32
        %parallel_loop3A_251 = arith.muli %mul3A_191, %parallel_loop3A_250 : i32
        %parallel_loop3A_252 = arith.addi %parallel_loop3A_251, %parallel_loop3A_249 : i32
        %parallel_loop3A_253 = vector.broadcast %parallel_loop3A_252 : i32 to vector<16xi32>
        %parallel_loop3A_254 = tpu.vector_load_idx %arg10[%parallel_loop3A_253] : memref<10000xf32, #tpu.memory_space<vmem>>[vector<16xi32>], vector<16xf32>,
        %parallel_loop3A_255 = arith.index_cast %parallel_loop3A_249 : i32 to index
        %parallel_loop3A_256 = arith.constant 0 : index
        %parallel_loop3A_257 = tpu.vector_load %arg11[%parallel_loop3A_255, %parallel_loop3A_256] {strides = array<i32>} : memref<80x128xf32, #tpu.memory_space<vmem>>, vector<16xf32>,
        %parallel_loop3A_258 = arith.mulf %parallel_loop3A_257, %parallel_loop3A_254 : vector<16xf32>
        %parallel_loop3A_259 = arith.index_cast %parallel_loop3A_249 : i32 to index
        %parallel_loop3A_260 = arith.constant 0 : index
        %parallel_loop3A_261 = tpu.vector_load %arg11[%parallel_loop3A_259, %parallel_loop3A_260] {strides = array<i32>} : memref<80x128xf32, #tpu.memory_space<vmem>>, vector<16xf32>,
        tpu.vector_store %arg11[%parallel_loop3A_259, %parallel_loop3A_260], %parallel_loop3A_258 {strides = array<i32>} : memref<80x128xf32, #tpu.memory_space<vmem>>, vector<16xf32>,
        %parallel_loop3A_262 = arith.index_cast %parallel_loop3A_249 : i32 to index
        %parallel_loop3A_263 = arith.constant 16 : index
        %parallel_loop3A_264 = tpu.vector_load %arg11[%parallel_loop3A_262, %parallel_loop3A_263] {strides = array<i32>} : memref<80x128xf32, #tpu.memory_space<vmem>>, vector<16xf32>,
        %parallel_loop3A_265 = arith.mulf %parallel_loop3A_264, %parallel_loop3A_254 : vector<16xf32>
        %parallel_loop3A_266 = arith.index_cast %parallel_loop3A_249 : i32 to index
        %parallel_loop3A_267 = arith.constant 16 : index
        %parallel_loop3A_268 = tpu.vector_load %arg11[%parallel_loop3A_266, %parallel_loop3A_267] {strides = array<i32>} : memref<80x128xf32, #tpu.memory_space<vmem>>, vector<16xf32>,
        tpu.vector_store %arg11[%parallel_loop3A_266, %parallel_loop3A_267], %parallel_loop3A_265 {strides = array<i32>} : memref<80x128xf32, #tpu.memory_space<vmem>>, vector<16xf32>,
        %parallel_loop3A_269 = arith.index_cast %parallel_loop3A_249 : i32 to index
        %parallel_loop3A_270 = arith.constant 32 : index
        %parallel_loop3A_271 = tpu.vector_load %arg11[%parallel_loop3A_269, %parallel_loop3A_270] {strides = array<i32>} : memref<80x128xf32, #tpu.memory_space<vmem>>, vector<16xf32>,
        %parallel_loop3A_272 = arith.mulf %parallel_loop3A_271, %parallel_loop3A_254 : vector<16xf32>
        %parallel_loop3A_273 = arith.index_cast %parallel_loop3A_249 : i32 to index
        %parallel_loop3A_274 = arith.constant 32 : index
        %parallel_loop3A_275 = tpu.vector_load %arg11[%parallel_loop3A_273, %parallel_loop3A_274] {strides = array<i32>} : memref<80x128xf32, #tpu.memory_space<vmem>>, vector<16xf32>,
        tpu.vector_store %arg11[%parallel_loop3A_273, %parallel_loop3A_274], %parallel_loop3A_272 {strides = array<i32>} : memref<80x128xf32, #tpu.memory_space<vmem>>, vector<16xf32>,
        %parallel_loop3A_276 = arith.index_cast %parallel_loop3A_249 : i32 to index
        %parallel_loop3A_277 = arith.constant 48 : index
        %parallel_loop3A_278 = tpu.vector_load %arg11[%parallel_loop3A_276, %parallel_loop3A_277] {strides = array<i32>} : memref<80x128xf32, #tpu.memory_space<vmem>>, vector<16xf32>,
        %parallel_loop3A_279 = arith.mulf %parallel_loop3A_278, %parallel_loop3A_254 : vector<16xf32>
        %parallel_loop3A_280 = arith.index_cast %parallel_loop3A_249 : i32 to index
        %parallel_loop3A_281 = arith.constant 48 : index
        %parallel_loop3A_282 = tpu.vector_load %arg11[%parallel_loop3A_280, %parallel_loop3A_281] {strides = array<i32>} : memref<80x128xf32, #tpu.memory_space<vmem>>, vector<16xf32>,
        tpu.vector_store %arg11[%parallel_loop3A_280, %parallel_loop3A_281], %parallel_loop3A_279 {strides = array<i32>} : memref<80x128xf32, #tpu.memory_space<vmem>>, vector<16xf32>,
        %parallel_loop3A_283 = arith.index_cast %parallel_loop3A_249 : i32 to index
        %parallel_loop3A_284 = arith.constant 64 : index
        %parallel_loop3A_285 = tpu.vector_load %arg11[%parallel_loop3A_283, %parallel_loop3A_284] {strides = array<i32>} : memref<80x128xf32, #tpu.memory_space<vmem>>, vector<16xf32>,
        %parallel_loop3A_286 = arith.mulf %parallel_loop3A_285, %parallel_loop3A_254 : vector<16xf32>
        %parallel_loop3A_287 = arith.index_cast %parallel_loop3A_249 : i32 to index
        %parallel_loop3A_288 = arith.constant 64 : index
        %parallel_loop3A_289 = tpu.vector_load %arg11[%parallel_loop3A_287, %parallel_loop3A_288] {strides = array<i32>} : memref<80x128xf32, #tpu.memory_space<vmem>>, vector<16xf32>,
        tpu.vector_store %arg11[%parallel_loop3A_287, %parallel_loop3A_288], %parallel_loop3A_286 {strides = array<i32>} : memref<80x128xf32, #tpu.memory_space<vmem>>, vector<16xf32>,
        %parallel_loop3A_290 = arith.index_cast %parallel_loop3A_249 : i32 to index
        %parallel_loop3A_291 = arith.constant 80 : index
        %parallel_loop3A_292 = tpu.vector_load %arg11[%parallel_loop3A_290, %parallel_loop3A_291] {strides = array<i32>} : memref<80x128xf32, #tpu.memory_space<vmem>>, vector<16xf32>,
        %parallel_loop3A_293 = arith.mulf %parallel_loop3A_292, %parallel_loop3A_254 : vector<16xf32>
        %parallel_loop3A_294 = arith.index_cast %parallel_loop3A_249 : i32 to index
        %parallel_loop3A_295 = arith.constant 80 : index
        %parallel_loop3A_296 = tpu.vector_load %arg11[%parallel_loop3A_294, %parallel_loop3A_295] {strides = array<i32>} : memref<80x128xf32, #tpu.memory_space<vmem>>, vector<16xf32>,
        tpu.vector_store %arg11[%parallel_loop3A_294, %parallel_loop3A_295], %parallel_loop3A_293 {strides = array<i32>} : memref<80x128xf32, #tpu.memory_space<vmem>>, vector<16xf32>,
        %parallel_loop3A_297 = arith.index_cast %parallel_loop3A_249 : i32 to index
        %parallel_loop3A_298 = arith.constant 96 : index
        %parallel_loop3A_299 = tpu.vector_load %arg11[%parallel_loop3A_297, %parallel_loop3A_298] {strides = array<i32>} : memref<80x128xf32, #tpu.memory_space<vmem>>, vector<16xf32>,
        %parallel_loop3A_300 = arith.mulf %parallel_loop3A_299, %parallel_loop3A_254 : vector<16xf32>
        %parallel_loop3A_301 = arith.index_cast %parallel_loop3A_249 : i32 to index
        %parallel_loop3A_302 = arith.constant 96 : index
        %parallel_loop3A_303 = tpu.vector_load %arg11[%parallel_loop3A_301, %parallel_loop3A_302] {strides = array<i32>} : memref<80x128xf32, #tpu.memory_space<vmem>>, vector<16xf32>,
        tpu.vector_store %arg11[%parallel_loop3A_301, %parallel_loop3A_302], %parallel_loop3A_300 {strides = array<i32>} : memref<80x128xf32, #tpu.memory_space<vmem>>, vector<16xf32>,
        %parallel_loop3A_304 = arith.index_cast %parallel_loop3A_249 : i32 to index
        %parallel_loop3A_305 = arith.constant 112 : index
        %parallel_loop3A_306 = tpu.vector_load %arg11[%parallel_loop3A_304, %parallel_loop3A_305] {strides = array<i32>} : memref<80x128xf32, #tpu.memory_space<vmem>>, vector<16xf32>,
        %parallel_loop3A_307 = arith.mulf %parallel_loop3A_306, %parallel_loop3A_254 : vector<16xf32>
        %parallel_loop3A_308 = arith.index_cast %parallel_loop3A_249 : i32 to index
        %parallel_loop3A_309 = arith.constant 112 : index
        %parallel_loop3A_310 = tpu.vector_load %arg11[%parallel_loop3A_308, %parallel_loop3A_309] {strides = array<i32>} : memref<80x128xf32, #tpu.memory_space<vmem>>, vector<16xf32>,
        tpu.vector_store %arg11[%parallel_loop3A_308, %parallel_loop3A_309], %parallel_loop3A_307 {strides = array<i32>} : memref<80x128xf32, #tpu.memory_space<vmem>>, vector<16xf32>,
      } {sc.loop_unroll_factor = 4 : i64, sc.parallel_access}
      %dma_start3A_213 = arith.constant 0 : i32
      %dma_start3A_214 = tpu.memref_slice %arg9[%mul3A_191, %dma_start3A_213] : memref<125x80xi32, #tpu.memory_space<vmem>> -> memref<1x80xi32, #tpu.memory_space<vmem>>
      %dma_start3A_215 = tpu.memref_squeeze %dma_start3A_214 : memref<1x80xi32, #tpu.memory_space<vmem>> -> memref<80xi32, #tpu.memory_space<vmem>>
      %dma_start3A_216 = arith.constant 0 : i32
      %dma_start3A_217 = arith.constant 0 : i32
      %dma_start3A_218 = tpu.memref_slice %arg14[%dma_start3A_216, %dma_start3A_217] : memref<5632x128xf32, #tpu.memory_space<vmem_shared>> -> memref<5632x128xf32, #tpu.memory_space<vmem_shared>>
      tpu.enqueue_indirect_dma source(%arg11 : memref<80x128xf32, #tpu.memory_space<vmem>>) target(%dma_start3A_218 : memref<5632x128xf32, #tpu.memory_space<vmem_shared>>) offsets(%dma_start3A_215 : memref<80xi32, #tpu.memory_space<vmem>>) semaphore(%arg17 : memref<!tpu.dma_semaphore, #tpu.memory_space<semaphore_mem>>) {add = true}
      %dma_wait3A_219 = arith.constant 0 : i32
      %dma_wait3A_220 = tpu.memref_slice %arg7[%add3A_195, %dma_wait3A_219] : memref<125x80xi32, #tpu.memory_space<vmem>> -> memref<1x80xi32, #tpu.memory_space<vmem>>
      %dma_wait3A_221 = tpu.memref_squeeze %dma_wait3A_220 : memref<1x80xi32, #tpu.memory_space<vmem>> -> memref<80xi32, #tpu.memory_space<vmem>>
      %dma_wait3A_222 = arith.constant 0 : i32
      %dma_wait3A_223 = arith.constant 0 : i32
      %dma_wait3A_224 = tpu.memref_slice %arg2[%dma_wait3A_222, %dma_wait3A_223] : memref<10000x128xf32, #tpu.memory_space<hbm>> -> memref<10000x128xf32, #tpu.memory_space<hbm>>
      tpu.wait_indirect_dma semaphore(%arg16 : memref<!tpu.dma_semaphore, #tpu.memory_space<semaphore_mem>>) src(%dma_wait3A_224 : memref<10000x128xf32, #tpu.memory_space<hbm>>) dst(%arg12 : memref<80x128xf32, #tpu.memory_space<vmem>>)
      %parallel_loop3A_225 = arith.constant 0 : i32
      %parallel_loop3A_226 = arith.constant 80 : i32
      %parallel_loop3A_227 = arith.constant 1 : i32
      scf.for %parallel_loop3A_249 = %parallel_loop3A_225 to %parallel_loop3A_226 step %parallel_loop3A_227  : i32 {
        %parallel_loop3A_250 = arith.constant 80 : i32
        %parallel_loop3A_251 = arith.muli %add3A_195, %parallel_loop3A_250 : i32
        %parallel_loop3A_252 = arith.addi %parallel_loop3A_251, %parallel_loop3A_249 : i32
        %parallel_loop3A_253 = vector.broadcast %parallel_loop3A_252 : i32 to vector<16xi32>
        %parallel_loop3A_254 = tpu.vector_load_idx %arg10[%parallel_loop3A_253] : memref<10000xf32, #tpu.memory_space<vmem>>[vector<16xi32>], vector<16xf32>,
        %parallel_loop3A_255 = arith.index_cast %parallel_loop3A_249 : i32 to index
        %parallel_loop3A_256 = arith.constant 0 : index
        %parallel_loop3A_257 = tpu.vector_load %arg12[%parallel_loop3A_255, %parallel_loop3A_256] {strides = array<i32>} : memref<80x128xf32, #tpu.memory_space<vmem>>, vector<16xf32>,
        %parallel_loop3A_258 = arith.mulf %parallel_loop3A_257, %parallel_loop3A_254 : vector<16xf32>
        %parallel_loop3A_259 = arith.index_cast %parallel_loop3A_249 : i32 to index
        %parallel_loop3A_260 = arith.constant 0 : index
        %parallel_loop3A_261 = tpu.vector_load %arg12[%parallel_loop3A_259, %parallel_loop3A_260] {strides = array<i32>} : memref<80x128xf32, #tpu.memory_space<vmem>>, vector<16xf32>,
        tpu.vector_store %arg12[%parallel_loop3A_259, %parallel_loop3A_260], %parallel_loop3A_258 {strides = array<i32>} : memref<80x128xf32, #tpu.memory_space<vmem>>, vector<16xf32>,
        %parallel_loop3A_262 = arith.index_cast %parallel_loop3A_249 : i32 to index
        %parallel_loop3A_263 = arith.constant 16 : index
        %parallel_loop3A_264 = tpu.vector_load %arg12[%parallel_loop3A_262, %parallel_loop3A_263] {strides = array<i32>} : memref<80x128xf32, #tpu.memory_space<vmem>>, vector<16xf32>,
        %parallel_loop3A_265 = arith.mulf %parallel_loop3A_264, %parallel_loop3A_254 : vector<16xf32>
        %parallel_loop3A_266 = arith.index_cast %parallel_loop3A_249 : i32 to index
        %parallel_loop3A_267 = arith.constant 16 : index
        %parallel_loop3A_268 = tpu.vector_load %arg12[%parallel_loop3A_266, %parallel_loop3A_267] {strides = array<i32>} : memref<80x128xf32, #tpu.memory_space<vmem>>, vector<16xf32>,
        tpu.vector_store %arg12[%parallel_loop3A_266, %parallel_loop3A_267], %parallel_loop3A_265 {strides = array<i32>} : memref<80x128xf32, #tpu.memory_space<vmem>>, vector<16xf32>,
        %parallel_loop3A_269 = arith.index_cast %parallel_loop3A_249 : i32 to index
        %parallel_loop3A_270 = arith.constant 32 : index
        %parallel_loop3A_271 = tpu.vector_load %arg12[%parallel_loop3A_269, %parallel_loop3A_270] {strides = array<i32>} : memref<80x128xf32, #tpu.memory_space<vmem>>, vector<16xf32>,
        %parallel_loop3A_272 = arith.mulf %parallel_loop3A_271, %parallel_loop3A_254 : vector<16xf32>
        %parallel_loop3A_273 = arith.index_cast %parallel_loop3A_249 : i32 to index
        %parallel_loop3A_274 = arith.constant 32 : index
        %parallel_loop3A_275 = tpu.vector_load %arg12[%parallel_loop3A_273, %parallel_loop3A_274] {strides = array<i32>} : memref<80x128xf32, #tpu.memory_space<vmem>>, vector<16xf32>,
        tpu.vector_store %arg12[%parallel_loop3A_273, %parallel_loop3A_274], %parallel_loop3A_272 {strides = array<i32>} : memref<80x128xf32, #tpu.memory_space<vmem>>, vector<16xf32>,
        %parallel_loop3A_276 = arith.index_cast %parallel_loop3A_249 : i32 to index
        %parallel_loop3A_277 = arith.constant 48 : index
        %parallel_loop3A_278 = tpu.vector_load %arg12[%parallel_loop3A_276, %parallel_loop3A_277] {strides = array<i32>} : memref<80x128xf32, #tpu.memory_space<vmem>>, vector<16xf32>,
        %parallel_loop3A_279 = arith.mulf %parallel_loop3A_278, %parallel_loop3A_254 : vector<16xf32>
        %parallel_loop3A_280 = arith.index_cast %parallel_loop3A_249 : i32 to index
        %parallel_loop3A_281 = arith.constant 48 : index
        %parallel_loop3A_282 = tpu.vector_load %arg12[%parallel_loop3A_280, %parallel_loop3A_281] {strides = array<i32>} : memref<80x128xf32, #tpu.memory_space<vmem>>, vector<16xf32>,
        tpu.vector_store %arg12[%parallel_loop3A_280, %parallel_loop3A_281], %parallel_loop3A_279 {strides = array<i32>} : memref<80x128xf32, #tpu.memory_space<vmem>>, vector<16xf32>,
        %parallel_loop3A_283 = arith.index_cast %parallel_loop3A_249 : i32 to index
        %parallel_loop3A_284 = arith.constant 64 : index
        %parallel_loop3A_285 = tpu.vector_load %arg12[%parallel_loop3A_283, %parallel_loop3A_284] {strides = array<i32>} : memref<80x128xf32, #tpu.memory_space<vmem>>, vector<16xf32>,
        %parallel_loop3A_286 = arith.mulf %parallel_loop3A_285, %parallel_loop3A_254 : vector<16xf32>
        %parallel_loop3A_287 = arith.index_cast %parallel_loop3A_249 : i32 to index
        %parallel_loop3A_288 = arith.constant 64 : index
        %parallel_loop3A_289 = tpu.vector_load %arg12[%parallel_loop3A_287, %parallel_loop3A_288] {strides = array<i32>} : memref<80x128xf32, #tpu.memory_space<vmem>>, vector<16xf32>,
        tpu.vector_store %arg12[%parallel_loop3A_287, %parallel_loop3A_288], %parallel_loop3A_286 {strides = array<i32>} : memref<80x128xf32, #tpu.memory_space<vmem>>, vector<16xf32>,
        %parallel_loop3A_290 = arith.index_cast %parallel_loop3A_249 : i32 to index
        %parallel_loop3A_291 = arith.constant 80 : index
        %parallel_loop3A_292 = tpu.vector_load %arg12[%parallel_loop3A_290, %parallel_loop3A_291] {strides = array<i32>} : memref<80x128xf32, #tpu.memory_space<vmem>>, vector<16xf32>,
        %parallel_loop3A_293 = arith.mulf %parallel_loop3A_292, %parallel_loop3A_254 : vector<16xf32>
        %parallel_loop3A_294 = arith.index_cast %parallel_loop3A_249 : i32 to index
        %parallel_loop3A_295 = arith.constant 80 : index
        %parallel_loop3A_296 = tpu.vector_load %arg12[%parallel_loop3A_294, %parallel_loop3A_295] {strides = array<i32>} : memref<80x128xf32, #tpu.memory_space<vmem>>, vector<16xf32>,
        tpu.vector_store %arg12[%parallel_loop3A_294, %parallel_loop3A_295], %parallel_loop3A_293 {strides = array<i32>} : memref<80x128xf32, #tpu.memory_space<vmem>>, vector<16xf32>,
        %parallel_loop3A_297 = arith.index_cast %parallel_loop3A_249 : i32 to index
        %parallel_loop3A_298 = arith.constant 96 : index
        %parallel_loop3A_299 = tpu.vector_load %arg12[%parallel_loop3A_297, %parallel_loop3A_298] {strides = array<i32>} : memref<80x128xf32, #tpu.memory_space<vmem>>, vector<16xf32>,
        %parallel_loop3A_300 = arith.mulf %parallel_loop3A_299, %parallel_loop3A_254 : vector<16xf32>
        %parallel_loop3A_301 = arith.index_cast %parallel_loop3A_249 : i32 to index
        %parallel_loop3A_302 = arith.constant 96 : index
        %parallel_loop3A_303 = tpu.vector_load %arg12[%parallel_loop3A_301, %parallel_loop3A_302] {strides = array<i32>} : memref<80x128xf32, #tpu.memory_space<vmem>>, vector<16xf32>,
        tpu.vector_store %arg12[%parallel_loop3A_301, %parallel_loop3A_302], %parallel_loop3A_300 {strides = array<i32>} : memref<80x128xf32, #tpu.memory_space<vmem>>, vector<16xf32>,
        %parallel_loop3A_304 = arith.index_cast %parallel_loop3A_249 : i32 to index
        %parallel_loop3A_305 = arith.constant 112 : index
        %parallel_loop3A_306 = tpu.vector_load %arg12[%parallel_loop3A_304, %parallel_loop3A_305] {strides = array<i32>} : memref<80x128xf32, #tpu.memory_space<vmem>>, vector<16xf32>,
        %parallel_loop3A_307 = arith.mulf %parallel_loop3A_306, %parallel_loop3A_254 : vector<16xf32>
        %parallel_loop3A_308 = arith.index_cast %parallel_loop3A_249 : i32 to index
        %parallel_loop3A_309 = arith.constant 112 : index
        %parallel_loop3A_310 = tpu.vector_load %arg12[%parallel_loop3A_308, %parallel_loop3A_309] {strides = array<i32>} : memref<80x128xf32, #tpu.memory_space<vmem>>, vector<16xf32>,
        tpu.vector_store %arg12[%parallel_loop3A_308, %parallel_loop3A_309], %parallel_loop3A_307 {strides = array<i32>} : memref<80x128xf32, #tpu.memory_space<vmem>>, vector<16xf32>,
      } {sc.loop_unroll_factor = 4 : i64, sc.parallel_access}
      %dma_start3A_228 = arith.constant 0 : i32
      %dma_start3A_229 = tpu.memref_slice %arg9[%add3A_195, %dma_start3A_228] : memref<125x80xi32, #tpu.memory_space<vmem>> -> memref<1x80xi32, #tpu.memory_space<vmem>>
      %dma_start3A_230 = tpu.memref_squeeze %dma_start3A_229 : memref<1x80xi32, #tpu.memory_space<vmem>> -> memref<80xi32, #tpu.memory_space<vmem>>
      %dma_start3A_231 = arith.constant 0 : i32
      %dma_start3A_232 = arith.constant 0 : i32
      %dma_start3A_233 = tpu.memref_slice %arg14[%dma_start3A_231, %dma_start3A_232] : memref<5632x128xf32, #tpu.memory_space<vmem_shared>> -> memref<5632x128xf32, #tpu.memory_space<vmem_shared>>
      tpu.enqueue_indirect_dma source(%arg12 : memref<80x128xf32, #tpu.memory_space<vmem>>) target(%dma_start3A_233 : memref<5632x128xf32, #tpu.memory_space<vmem_shared>>) offsets(%dma_start3A_230 : memref<80xi32, #tpu.memory_space<vmem>>) semaphore(%arg18 : memref<!tpu.dma_semaphore, #tpu.memory_space<semaphore_mem>>) {add = true}
      %dma_wait3A_234 = arith.constant 0 : i32
      %dma_wait3A_235 = tpu.memref_slice %arg9[%mul3A_191, %dma_wait3A_234] : memref<125x80xi32, #tpu.memory_space<vmem>> -> memref<1x80xi32, #tpu.memory_space<vmem>>
      %dma_wait3A_236 = tpu.memref_squeeze %dma_wait3A_235 : memref<1x80xi32, #tpu.memory_space<vmem>> -> memref<80xi32, #tpu.memory_space<vmem>>
      %dma_wait3A_237 = arith.constant 0 : i32
      %dma_wait3A_238 = arith.constant 0 : i32
      %dma_wait3A_239 = tpu.memref_slice %arg14[%dma_wait3A_237, %dma_wait3A_238] : memref<5632x128xf32, #tpu.memory_space<vmem_shared>> -> memref<5632x128xf32, #tpu.memory_space<vmem_shared>>
      tpu.wait_indirect_dma semaphore(%arg17 : memref<!tpu.dma_semaphore, #tpu.memory_space<semaphore_mem>>) src(%arg11 : memref<80x128xf32, #tpu.memory_space<vmem>>) dst(%dma_wait3A_239 : memref<5632x128xf32, #tpu.memory_space<vmem_shared>>)
      %add3A_240 = arith.constant 2 : i32
      %add3A_241 = arith.addi %mul3A_191, %add3A_240 : i32
      %dma_start3A_242 = arith.constant 0 : i32
      %dma_start3A_243 = tpu.memref_slice %arg7[%add3A_241, %dma_start3A_242] : memref<125x80xi32, #tpu.memory_space<vmem>> -> memref<1x80xi32, #tpu.memory_space<vmem>>
      %dma_start3A_244 = tpu.memref_squeeze %dma_start3A_243 : memref<1x80xi32, #tpu.memory_space<vmem>> -> memref<80xi32, #tpu.memory_space<vmem>>
      %dma_start3A_245 = arith.constant 0 : i32
      %dma_start3A_246 = arith.constant 0 : i32
      %dma_start3A_247 = tpu.memref_slice %arg2[%dma_start3A_245, %dma_start3A_246] : memref<10000x128xf32, #tpu.memory_space<hbm>> -> memref<10000x128xf32, #tpu.memory_space<hbm>>
      tpu.enqueue_indirect_dma source(%dma_start3A_247 : memref<10000x128xf32, #tpu.memory_space<hbm>>) target(%arg11 : memref<80x128xf32, #tpu.memory_space<vmem>>) offsets(%dma_start3A_244 : memref<80xi32, #tpu.memory_space<vmem>>) semaphore(%arg15 : memref<!tpu.dma_semaphore, #tpu.memory_space<semaphore_mem>>)
      %scan3A_248 = arith.constant 0 : i32
      scf.yield %scan3A_248 : i32
    }
    %scan3A_162 = arith.constant 62 : i32
    %dma_wait3A_163 = arith.constant 123 : i32
    %dma_wait3A_164 = arith.constant 0 : i32
    %dma_wait3A_165 = tpu.memref_slice %arg9[%dma_wait3A_163, %dma_wait3A_164] : memref<125x80xi32, #tpu.memory_space<vmem>> -> memref<1x80xi32, #tpu.memory_space<vmem>>
    %dma_wait3A_166 = tpu.memref_squeeze %dma_wait3A_165 : memref<1x80xi32, #tpu.memory_space<vmem>> -> memref<80xi32, #tpu.memory_space<vmem>>
    %dma_wait3A_167 = arith.constant 0 : i32
    %dma_wait3A_168 = arith.constant 0 : i32
    %dma_wait3A_169 = tpu.memref_slice %arg14[%dma_wait3A_167, %dma_wait3A_168] : memref<5632x128xf32, #tpu.memory_space<vmem_shared>> -> memref<5632x128xf32, #tpu.memory_space<vmem_shared>>
    tpu.wait_indirect_dma semaphore(%arg18 : memref<!tpu.dma_semaphore, #tpu.memory_space<semaphore_mem>>) src(%arg12 : memref<80x128xf32, #tpu.memory_space<vmem>>) dst(%dma_wait3A_169 : memref<5632x128xf32, #tpu.memory_space<vmem_shared>>)
    %dma_wait3A_170 = arith.constant 124 : i32
    %dma_wait3A_171 = arith.constant 0 : i32
    %dma_wait3A_172 = tpu.memref_slice %arg7[%dma_wait3A_170, %dma_wait3A_171] : memref<125x80xi32, #tpu.memory_space<vmem>> -> memref<1x80xi32, #tpu.memory_space<vmem>>
    %dma_wait3A_173 = tpu.memref_squeeze %dma_wait3A_172 : memref<1x80xi32, #tpu.memory_space<vmem>> -> memref<80xi32, #tpu.memory_space<vmem>>
    %dma_wait3A_174 = arith.constant 0 : i32
    %dma_wait3A_175 = arith.constant 0 : i32
    %dma_wait3A_176 = tpu.memref_slice %arg2[%dma_wait3A_174, %dma_wait3A_175] : memref<10000x128xf32, #tpu.memory_space<hbm>> -> memref<10000x128xf32, #tpu.memory_space<hbm>>
    tpu.wait_indirect_dma semaphore(%arg15 : memref<!tpu.dma_semaphore, #tpu.memory_space<semaphore_mem>>) src(%dma_wait3A_176 : memref<10000x128xf32, #tpu.memory_space<hbm>>) dst(%arg11 : memref<80x128xf32, #tpu.memory_space<vmem>>)
    %parallel_loop3A_177 = arith.constant 0 : i32
    %parallel_loop3A_178 = arith.constant 80 : i32
    %parallel_loop3A_179 = arith.constant 1 : i32
    scf.for %parallel_loop3A_188 = %parallel_loop3A_177 to %parallel_loop3A_178 step %parallel_loop3A_179  : i32 {
      %parallel_loop3A_189 = arith.constant 9920 : i32
      %parallel_loop3A_190 = arith.addi %parallel_loop3A_189, %parallel_loop3A_188 : i32
      %parallel_loop3A_191 = vector.broadcast %parallel_loop3A_190 : i32 to vector<16xi32>
      %parallel_loop3A_192 = tpu.vector_load_idx %arg10[%parallel_loop3A_191] : memref<10000xf32, #tpu.memory_space<vmem>>[vector<16xi32>], vector<16xf32>,
      %parallel_loop3A_193 = arith.index_cast %parallel_loop3A_188 : i32 to index
      %parallel_loop3A_194 = arith.constant 0 : index
      %parallel_loop3A_195 = tpu.vector_load %arg11[%parallel_loop3A_193, %parallel_loop3A_194] {strides = array<i32>} : memref<80x128xf32, #tpu.memory_space<vmem>>, vector<16xf32>,
      %parallel_loop3A_196 = arith.mulf %parallel_loop3A_195, %parallel_loop3A_192 : vector<16xf32>
      %parallel_loop3A_197 = arith.index_cast %parallel_loop3A_188 : i32 to index
      %parallel_loop3A_198 = arith.constant 0 : index
      %parallel_loop3A_199 = tpu.vector_load %arg11[%parallel_loop3A_197, %parallel_loop3A_198] {strides = array<i32>} : memref<80x128xf32, #tpu.memory_space<vmem>>, vector<16xf32>,
      tpu.vector_store %arg11[%parallel_loop3A_197, %parallel_loop3A_198], %parallel_loop3A_196 {strides = array<i32>} : memref<80x128xf32, #tpu.memory_space<vmem>>, vector<16xf32>,
      %parallel_loop3A_200 = arith.index_cast %parallel_loop3A_188 : i32 to index
      %parallel_loop3A_201 = arith.constant 16 : index
      %parallel_loop3A_202 = tpu.vector_load %arg11[%parallel_loop3A_200, %parallel_loop3A_201] {strides = array<i32>} : memref<80x128xf32, #tpu.memory_space<vmem>>, vector<16xf32>,
      %parallel_loop3A_203 = arith.mulf %parallel_loop3A_202, %parallel_loop3A_192 : vector<16xf32>
      %parallel_loop3A_204 = arith.index_cast %parallel_loop3A_188 : i32 to index
      %parallel_loop3A_205 = arith.constant 16 : index
      %parallel_loop3A_206 = tpu.vector_load %arg11[%parallel_loop3A_204, %parallel_loop3A_205] {strides = array<i32>} : memref<80x128xf32, #tpu.memory_space<vmem>>, vector<16xf32>,
      tpu.vector_store %arg11[%parallel_loop3A_204, %parallel_loop3A_205], %parallel_loop3A_203 {strides = array<i32>} : memref<80x128xf32, #tpu.memory_space<vmem>>, vector<16xf32>,
      %parallel_loop3A_207 = arith.index_cast %parallel_loop3A_188 : i32 to index
      %parallel_loop3A_208 = arith.constant 32 : index
      %parallel_loop3A_209 = tpu.vector_load %arg11[%parallel_loop3A_207, %parallel_loop3A_208] {strides = array<i32>} : memref<80x128xf32, #tpu.memory_space<vmem>>, vector<16xf32>,
      %parallel_loop3A_210 = arith.mulf %parallel_loop3A_209, %parallel_loop3A_192 : vector<16xf32>
      %parallel_loop3A_211 = arith.index_cast %parallel_loop3A_188 : i32 to index
      %parallel_loop3A_212 = arith.constant 32 : index
      %parallel_loop3A_213 = tpu.vector_load %arg11[%parallel_loop3A_211, %parallel_loop3A_212] {strides = array<i32>} : memref<80x128xf32, #tpu.memory_space<vmem>>, vector<16xf32>,
      tpu.vector_store %arg11[%parallel_loop3A_211, %parallel_loop3A_212], %parallel_loop3A_210 {strides = array<i32>} : memref<80x128xf32, #tpu.memory_space<vmem>>, vector<16xf32>,
      %parallel_loop3A_214 = arith.index_cast %parallel_loop3A_188 : i32 to index
      %parallel_loop3A_215 = arith.constant 48 : index
      %parallel_loop3A_216 = tpu.vector_load %arg11[%parallel_loop3A_214, %parallel_loop3A_215] {strides = array<i32>} : memref<80x128xf32, #tpu.memory_space<vmem>>, vector<16xf32>,
      %parallel_loop3A_217 = arith.mulf %parallel_loop3A_216, %parallel_loop3A_192 : vector<16xf32>
      %parallel_loop3A_218 = arith.index_cast %parallel_loop3A_188 : i32 to index
      %parallel_loop3A_219 = arith.constant 48 : index
      %parallel_loop3A_220 = tpu.vector_load %arg11[%parallel_loop3A_218, %parallel_loop3A_219] {strides = array<i32>} : memref<80x128xf32, #tpu.memory_space<vmem>>, vector<16xf32>,
      tpu.vector_store %arg11[%parallel_loop3A_218, %parallel_loop3A_219], %parallel_loop3A_217 {strides = array<i32>} : memref<80x128xf32, #tpu.memory_space<vmem>>, vector<16xf32>,
      %parallel_loop3A_221 = arith.index_cast %parallel_loop3A_188 : i32 to index
      %parallel_loop3A_222 = arith.constant 64 : index
      %parallel_loop3A_223 = tpu.vector_load %arg11[%parallel_loop3A_221, %parallel_loop3A_222] {strides = array<i32>} : memref<80x128xf32, #tpu.memory_space<vmem>>, vector<16xf32>,
      %parallel_loop3A_224 = arith.mulf %parallel_loop3A_223, %parallel_loop3A_192 : vector<16xf32>
      %parallel_loop3A_225 = arith.index_cast %parallel_loop3A_188 : i32 to index
      %parallel_loop3A_226 = arith.constant 64 : index
      %parallel_loop3A_227 = tpu.vector_load %arg11[%parallel_loop3A_225, %parallel_loop3A_226] {strides = array<i32>} : memref<80x128xf32, #tpu.memory_space<vmem>>, vector<16xf32>,
      tpu.vector_store %arg11[%parallel_loop3A_225, %parallel_loop3A_226], %parallel_loop3A_224 {strides = array<i32>} : memref<80x128xf32, #tpu.memory_space<vmem>>, vector<16xf32>,
      %parallel_loop3A_228 = arith.index_cast %parallel_loop3A_188 : i32 to index
      %parallel_loop3A_229 = arith.constant 80 : index
      %parallel_loop3A_230 = tpu.vector_load %arg11[%parallel_loop3A_228, %parallel_loop3A_229] {strides = array<i32>} : memref<80x128xf32, #tpu.memory_space<vmem>>, vector<16xf32>,
      %parallel_loop3A_231 = arith.mulf %parallel_loop3A_230, %parallel_loop3A_192 : vector<16xf32>
      %parallel_loop3A_232 = arith.index_cast %parallel_loop3A_188 : i32 to index
      %parallel_loop3A_233 = arith.constant 80 : index
      %parallel_loop3A_234 = tpu.vector_load %arg11[%parallel_loop3A_232, %parallel_loop3A_233] {strides = array<i32>} : memref<80x128xf32, #tpu.memory_space<vmem>>, vector<16xf32>,
      tpu.vector_store %arg11[%parallel_loop3A_232, %parallel_loop3A_233], %parallel_loop3A_231 {strides = array<i32>} : memref<80x128xf32, #tpu.memory_space<vmem>>, vector<16xf32>,
      %parallel_loop3A_235 = arith.index_cast %parallel_loop3A_188 : i32 to index
      %parallel_loop3A_236 = arith.constant 96 : index
      %parallel_loop3A_237 = tpu.vector_load %arg11[%parallel_loop3A_235, %parallel_loop3A_236] {strides = array<i32>} : memref<80x128xf32, #tpu.memory_space<vmem>>, vector<16xf32>,
      %parallel_loop3A_238 = arith.mulf %parallel_loop3A_237, %parallel_loop3A_192 : vector<16xf32>
      %parallel_loop3A_239 = arith.index_cast %parallel_loop3A_188 : i32 to index
      %parallel_loop3A_240 = arith.constant 96 : index
      %parallel_loop3A_241 = tpu.vector_load %arg11[%parallel_loop3A_239, %parallel_loop3A_240] {strides = array<i32>} : memref<80x128xf32, #tpu.memory_space<vmem>>, vector<16xf32>,
      tpu.vector_store %arg11[%parallel_loop3A_239, %parallel_loop3A_240], %parallel_loop3A_238 {strides = array<i32>} : memref<80x128xf32, #tpu.memory_space<vmem>>, vector<16xf32>,
      %parallel_loop3A_242 = arith.index_cast %parallel_loop3A_188 : i32 to index
      %parallel_loop3A_243 = arith.constant 112 : index
      %parallel_loop3A_244 = tpu.vector_load %arg11[%parallel_loop3A_242, %parallel_loop3A_243] {strides = array<i32>} : memref<80x128xf32, #tpu.memory_space<vmem>>, vector<16xf32>,
      %parallel_loop3A_245 = arith.mulf %parallel_loop3A_244, %parallel_loop3A_192 : vector<16xf32>
      %parallel_loop3A_246 = arith.index_cast %parallel_loop3A_188 : i32 to index
      %parallel_loop3A_247 = arith.constant 112 : index
      %parallel_loop3A_248 = tpu.vector_load %arg11[%parallel_loop3A_246, %parallel_loop3A_247] {strides = array<i32>} : memref<80x128xf32, #tpu.memory_space<vmem>>, vector<16xf32>,
      tpu.vector_store %arg11[%parallel_loop3A_246, %parallel_loop3A_247], %parallel_loop3A_245 {strides = array<i32>} : memref<80x128xf32, #tpu.memory_space<vmem>>, vector<16xf32>,
    } {sc.loop_unroll_factor = 4 : i64, sc.parallel_access}
    %run_scoped3A_180 = arith.constant 124 : i32
    "tpu.region"() ({
      %run_scoped3A_188 = tpu.sem_alloc : memref<!tpu.dma_semaphore, #tpu.memory_space<semaphore_mem>>
      %dma_start3A_189 = arith.constant 0 : i32
      %dma_start3A_190 = tpu.memref_slice %arg9[%run_scoped3A_180, %dma_start3A_189] : memref<125x80xi32, #tpu.memory_space<vmem>> -> memref<1x80xi32, #tpu.memory_space<vmem>>
      %dma_start3A_191 = tpu.memref_squeeze %dma_start3A_190 : memref<1x80xi32, #tpu.memory_space<vmem>> -> memref<80xi32, #tpu.memory_space<vmem>>
      %dma_start3A_192 = arith.constant 0 : i32
      %dma_start3A_193 = arith.constant 0 : i32
      %dma_start3A_194 = tpu.memref_slice %arg14[%dma_start3A_192, %dma_start3A_193] : memref<5632x128xf32, #tpu.memory_space<vmem_shared>> -> memref<5632x128xf32, #tpu.memory_space<vmem_shared>>
      tpu.enqueue_indirect_dma source(%arg11 : memref<80x128xf32, #tpu.memory_space<vmem>>) target(%dma_start3A_194 : memref<5632x128xf32, #tpu.memory_space<vmem_shared>>) offsets(%dma_start3A_191 : memref<80xi32, #tpu.memory_space<vmem>>) semaphore(%run_scoped3A_188 : memref<!tpu.dma_semaphore, #tpu.memory_space<semaphore_mem>>) {add = true}
      %dma_wait3A_195 = arith.constant 0 : i32
      %dma_wait3A_196 = tpu.memref_slice %arg9[%run_scoped3A_180, %dma_wait3A_195] : memref<125x80xi32, #tpu.memory_space<vmem>> -> memref<1x80xi32, #tpu.memory_space<vmem>>
      %dma_wait3A_197 = tpu.memref_squeeze %dma_wait3A_196 : memref<1x80xi32, #tpu.memory_space<vmem>> -> memref<80xi32, #tpu.memory_space<vmem>>
      %dma_wait3A_198 = arith.constant 0 : i32
      %dma_wait3A_199 = arith.constant 0 : i32
      %dma_wait3A_200 = tpu.memref_slice %arg14[%dma_wait3A_198, %dma_wait3A_199] : memref<5632x128xf32, #tpu.memory_space<vmem_shared>> -> memref<5632x128xf32, #tpu.memory_space<vmem_shared>>
      tpu.wait_indirect_dma semaphore(%run_scoped3A_188 : memref<!tpu.dma_semaphore, #tpu.memory_space<semaphore_mem>>) src(%arg11 : memref<80x128xf32, #tpu.memory_space<vmem>>) dst(%dma_wait3A_200 : memref<5632x128xf32, #tpu.memory_space<vmem_shared>>)
      tpu.yield
    }) : () -> ()
    %barrier3A_181 = arith.constant 0 : index
    tpu.barrier barrier_id(%barrier3A_181)
    %mul3A_182 = arith.constant 320 : i32
    %mul3A_183 = arith.muli %arg1, %mul3A_182 : i32
    %mul3A_184 = arith.constant 320 : i32
    %mul3A_185 = arith.muli %arg1, %mul3A_184 : i32
    %run_scoped3A_186 = arith.constant 1 : i32
    "tpu.region"() ({
      %run_scoped3A_188 = tpu.sem_alloc : memref<!tpu.dma_semaphore, #tpu.memory_space<semaphore_mem>>
      %dma_start3A_189 = arith.constant 0 : i32
      %dma_start3A_190 = tpu.memref_slice %arg6[%arg0, %run_scoped3A_186, %mul3A_185, %dma_start3A_189] : memref<2x2x5120x128xf32, #tpu.memory_space<hbm>> -> memref<1x1x320x128xf32, #tpu.memory_space<hbm>>
      %dma_start3A_191 = tpu.memref_squeeze %dma_start3A_190 : memref<1x1x320x128xf32, #tpu.memory_space<hbm>> -> memref<320x128xf32, #tpu.memory_space<hbm>>
      %dma_start3A_192 = arith.constant 0 : i32
      %dma_start3A_193 = tpu.memref_slice %arg14[%mul3A_183, %dma_start3A_192] : memref<5632x128xf32, #tpu.memory_space<vmem_shared>> -> memref<320x128xf32, #tpu.memory_space<vmem_shared>>
      tpu.enqueue_dma source(%dma_start3A_193 : memref<320x128xf32, #tpu.memory_space<vmem_shared>>) target(%dma_start3A_191 : memref<320x128xf32, #tpu.memory_space<hbm>>) target_semaphore(%run_scoped3A_188 : memref<!tpu.dma_semaphore, #tpu.memory_space<semaphore_mem>>)
      %dma_wait3A_194 = arith.constant 0 : i32
      %dma_wait3A_195 = tpu.memref_slice %arg6[%arg0, %run_scoped3A_186, %mul3A_185, %dma_wait3A_194] : memref<2x2x5120x128xf32, #tpu.memory_space<hbm>> -> memref<1x1x320x128xf32, #tpu.memory_space<hbm>>
      %dma_wait3A_196 = tpu.memref_squeeze %dma_wait3A_195 : memref<1x1x320x128xf32, #tpu.memory_space<hbm>> -> memref<320x128xf32, #tpu.memory_space<hbm>>
      %dma_wait3A_197 = arith.constant 0 : i32
      %dma_wait3A_198 = tpu.memref_slice %arg14[%mul3A_183, %dma_wait3A_197] : memref<5632x128xf32, #tpu.memory_space<vmem_shared>> -> memref<320x128xf32, #tpu.memory_space<vmem_shared>>
      tpu.wait_dma2 semaphore(%run_scoped3A_188 : memref<!tpu.dma_semaphore, #tpu.memory_space<semaphore_mem>>) src(%dma_wait3A_198 : memref<320x128xf32, #tpu.memory_space<vmem_shared>>) dst(%dma_wait3A_196 : memref<320x128xf32, #tpu.memory_space<hbm>>)
      tpu.yield
    }) : () -> ()
    %barrier3A_187 = arith.constant 0 : index
    tpu.barrier barrier_id(%barrier3A_187)
    return
  }
}

module attributes {stable_mosaic.version = 14 : i64} {
  func.func @_matmul_body(%arg0: i32, %arg1: memref<1000x128xbf16, #tpu.memory_space<vmem>>, %arg2: memref<128x128xbf16, #tpu.memory_space<vmem>>, %arg3: memref<1x128xf32, #tpu.memory_space<vmem>>, %arg4: memref<1000x128xf32, #tpu.memory_space<vmem>>) attributes {dimension_semantics = [#tpu.dimension_semantics<arbitrary>], iteration_bounds = array<i64: 10>, scalar_prefetch = 0 : i64, scratch_operands = 0 : i64, tpu.core_type = #tpu.core_type<tc>, window_params = [{transform_indices = @transform_0, window_bounds = array<i64: 1000, 128>}, {pipeline_mode = #tpu.pipeline_mode<synchronous>, transform_indices = @transform_1, window_bounds = array<i64: 128, 128>}, {pipeline_mode = #tpu.pipeline_mode<synchronous>, transform_indices = @transform_2, window_bounds = array<i64: 1, 128>}, {transform_indices = @transform_3, window_bounds = array<i64: 1000, 128>}]} {
    %get3A = arith.constant 0 : index
    %get3A_0 = arith.constant 0 : index
    %get3A_1 = vector.load %arg1[%get3A, %get3A_0] : memref<1000x128xbf16, #tpu.memory_space<vmem>>, vector<1000x128xbf16>
    %get3A_2 = arith.constant 0 : index
    %get3A_3 = arith.constant 0 : index
    %get3A_4 = vector.load %arg2[%get3A_2, %get3A_3] : memref<128x128xbf16, #tpu.memory_space<vmem>>, vector<128x128xbf16>
    %dot_general3A = arith.constant dense<0.000000e+00> : vector<1000x128xf32>
    %dot_general3A_5 = tpu.matmul %get3A_1, %get3A_4, %dot_general3A {dimension_numbers = #tpu.dot_dimension_numbers<[1], [0], [0], [1], [0, 0, 1, 1], [], []>, transpose_lhs_hint = false} : vector<1000x128xbf16>, vector<128x128xbf16>, vector<1000x128xf32> -> vector<1000x128xf32>
    %get3A_6 = arith.constant 0 : index
    %get3A_7 = arith.constant 0 : index
    %get3A_8 = vector.load %arg3[%get3A_6, %get3A_7] : memref<1x128xf32, #tpu.memory_space<vmem>>, vector<1x128xf32>
    %add3A = vector.broadcast %get3A_8 : vector<1x128xf32> to vector<1000x128xf32>
    %add3A_9 = arith.addf %dot_general3A_5, %add3A : vector<1000x128xf32>
    %swap3A = arith.constant 0 : index
    %swap3A_10 = arith.constant 0 : index
    %swap3A_11 = vector.load %arg4[%swap3A, %swap3A_10] : memref<1000x128xf32, #tpu.memory_space<vmem>>, vector<1000x128xf32>
    tpu.vector_store %arg4[%swap3A, %swap3A_10], %add3A_9 {strides = array<i32>} : memref<1000x128xf32, #tpu.memory_space<vmem>>, vector<1000x128xf32>,
    return
  }
  func.func @transform_0(%arg0: i32) -> (i32, i32) {
    %c0_i32 = arith.constant 0 : i32
    %c0_i32_0 = arith.constant 0 : i32
    return %arg0, %c0_i32 : i32, i32
  }
  func.func @transform_1(%arg0: i32) -> (i32, i32) {
    %c0_i32 = arith.constant 0 : i32
    %c0_i32_0 = arith.constant 0 : i32
    %c0_i32_1 = arith.constant 0 : i32
    return %c0_i32, %c0_i32_0 : i32, i32
  }
  func.func @transform_2(%arg0: i32) -> (i32, i32) {
    %c0_i32 = arith.constant 0 : i32
    %c0_i32_0 = arith.constant 0 : i32
    %c0_i32_1 = arith.constant 0 : i32
    return %c0_i32, %c0_i32_0 : i32, i32
  }
  func.func @transform_3(%arg0: i32) -> (i32, i32) {
    %c0_i32 = arith.constant 0 : i32
    %c0_i32_0 = arith.constant 0 : i32
    return %arg0, %c0_i32 : i32, i32
  }
}

module attributes {stable_mosaic.version = 14 : i64} {
  func.func @_combine_body(%arg0: i32, %arg1: i32, %arg2: memref<2x1x1024x128xf32, #tpu.memory_space<vmem>>, %arg3: memref<1024x128xf32, #tpu.memory_space<vmem>>) attributes {dimension_semantics = [#tpu.dimension_semantics<arbitrary>, #tpu.dimension_semantics<arbitrary>], iteration_bounds = array<i64: 2, 5>, scalar_prefetch = 0 : i64, scratch_operands = 0 : i64, tpu.core_type = #tpu.core_type<tc>, window_params = [{transform_indices = @transform_0, window_bounds = array<i64: 2, 1, 1024, 128>}, {transform_indices = @transform_1, window_bounds = array<i64: 1024, 128>}]} {
    %get3A = arith.constant 0 : index
    %get3A_0 = arith.constant 0 : index
    %get3A_1 = arith.constant 0 : index
    %get3A_2 = arith.constant 0 : index
    %get3A_3 = vector.load %arg2[%get3A, %get3A_0, %get3A_1, %get3A_2] : memref<2x1x1024x128xf32, #tpu.memory_space<vmem>>, vector<1x1x1024x128xf32>
    %get3A_4 = vector.shape_cast %get3A_3 : vector<1x1x1024x128xf32> to vector<1024x128xf32>
    %get3A_5 = arith.constant 1 : index
    %get3A_6 = arith.constant 0 : index
    %get3A_7 = arith.constant 0 : index
    %get3A_8 = arith.constant 0 : index
    %get3A_9 = vector.load %arg2[%get3A_5, %get3A_6, %get3A_7, %get3A_8] : memref<2x1x1024x128xf32, #tpu.memory_space<vmem>>, vector<1x1x1024x128xf32>
    %get3A_10 = vector.shape_cast %get3A_9 : vector<1x1x1024x128xf32> to vector<1024x128xf32>
    %add3A = arith.addf %get3A_4, %get3A_10 : vector<1024x128xf32>
    %max3A = arith.constant 0.000000e+00 : f32
    %max3A_11 = vector.broadcast %max3A : f32 to vector<1024x128xf32>
    %max3A_12 = arith.maximumf %add3A, %max3A_11 : vector<1024x128xf32>
    %swap3A = arith.constant 0 : index
    %swap3A_13 = arith.constant 0 : index
    %swap3A_14 = vector.load %arg3[%swap3A, %swap3A_13] : memref<1024x128xf32, #tpu.memory_space<vmem>>, vector<1024x128xf32>
    tpu.vector_store %arg3[%swap3A, %swap3A_13], %max3A_12 {strides = array<i32>} : memref<1024x128xf32, #tpu.memory_space<vmem>>, vector<1024x128xf32>,
    return
  }
  func.func @transform_0(%arg0: i32, %arg1: i32) -> (i32, i32, i32, i32) {
    %c0_i32 = arith.constant 0 : i32
    %c0_i32_0 = arith.constant 0 : i32
    %c0_i32_1 = arith.constant 0 : i32
    return %c0_i32, %arg0, %arg1, %c0_i32_0 : i32, i32, i32, i32
  }
  func.func @transform_1(%arg0: i32, %arg1: i32) -> (i32, i32) {
    %mul3A = arith.constant 5 : i32
    %mul3A_0 = arith.muli %arg0, %mul3A : i32
    %add3A = arith.addi %mul3A_0, %arg1 : i32
    %c0_i32 = arith.constant 0 : i32
    %c0_i32_1 = arith.constant 0 : i32
    return %add3A, %c0_i32 : i32, i32
  }
}

</mosaic_0001>

<sc_bundles>
// kernel: kernel.5.cloned.1.call-start
scs
__scs_entry_jumppad:
0x0: {  	(pc) =	sbr.rel $0x88, $3  }
0x1: {  	(tag) =	ssettag $0x0;
	lr =	simm.s32 $0x1  }
0x2: {  	[smem:$0x3F9C] =	sst lr;
	_ =	strace $0xD0000000  }
0x3: {  	_ = 	snop  }
0x4: {  	_ = 	snop  }
0x5: {  	_ = 	snop  }
0x6: {  	_ = 	snop  }
0x7: {  	_ = 	snop  }
__scs_overlays_trampoline_lowered:
0x8: {  	[smem:$0x3FAB] =	sst s0  }
0x9: {  	[smem:$0x3FAC] =	sst s1  }
0xa: {  	[smem:$0x3FAD] =	sst s2  }
0xb: {  	[smem:$0x3FAE] =	sst s3  }
0xc: {  	[smem:$0x3FAF] =	sst s4  }
0xd: {  	[smem:$0x3FB0] =	sst s5  }
0xe: {  	[smem:$0x3FB1] =	sst s6  }
0xf: {  	[smem:$0x3FB2] =	sst s7  }
0x10: {  	[smem:$0x3FB3] =	sst s8  }
0x11: {  	[smem:$0x3FB4] =	sst s9;
	s0 =	simm.s32 @!p0 $0x0  }
0x12: {  	s1 =	sld [smem:$0x3F9A];
	s0 =	simm.s32 @p0 $0x1  }
0x13: {  	[smem:$0x3FB5] =	sst s0;
	s0 =	simm.s32 @!p1 $0x0  }
0x14: {  	s2 =	sld [smem:$0x3F99];
	s0 =	simm.s32 @p1 $0x1  }
0x15: {  	[smem:$0x3FB6] =	sst s0;
	s0 =	simm.s32 @!p2 $0x0  }
0x16: {  	s3 =	sld [smem:$0x3FDB];
	s0 =	simm.s32 @p2 $0x1  }
0x17: {  	s4 =	simm.s32 $0x1BF5;
	[smem:$0x3FB8] =	sst s0  }
0x18: {  	s0 =	sld [smem:$0x3F9B];
	_ =	swait.ge [sflag:s4], $0x0  }
0x19: {  	s7 =	sld [smem:$0x3F9C]  }
0x1a: {  	s8 =	sadd.s32 $0xFFFFE003, lr  }
0x1b: {  	s9 =	sadd.s32 $0xFFFFFEF7, lr;
	s5 =	simm.s32 $0xFFFFFFFF;
	p2 =	slt.u32 s8, $0xFFFFF086  }
0x1c: {  	p1 =	slt.u32 s9, $0xF7A;
	s5 =	simm.s32 @!p2 $0x0  }
0x1d: {  	s5 =	simm.s32 @p1 $0x1;
	p0 =	seq.s32 s7, s2  }
0x1e: {  	s7 =	smul.u32 @!p0 $0xF7A, s2;
	p2 =	seq.s32 @!p0 s5, $0x0  }
0x1f: {  	s9 =	smul.u32 $0xF7A, s1;
	s8 =	simm.s32 @!p0 $0x1BF5;
	p2 =	por !p2, p0  }
0x20: {  	[sflag:s8] =	ssyncset.s32 @!p0 $0xFFFFF086;
	s6 =	sadd.s32 @!p0 s3, s7;
	s7 =	simm.s32 @!p0 $0x108  }
0x21: {  	s3 =	sadd.s32 s3, s9;
	s6 =	sadd.s32 @!p0 $0x88, s6;
	s7 =	simm.s32 @p2 $0x1082  }
0x22: {  	[simem:s7], [sflag:s8] =	dma.local @!p0 [hbm:s6], $0xF7A  }
0x23: {  	s9 =	sor.u32 $0xD0000000, s2;
	s6 =	simm.s32 $0x108;
	_ =	swait.ge @!p0 [sflag:s8], $0x0  }
0x24: {  	s3 =	sadd.s32 $0x88, s3;
	s6 =	simm.s32 @!p1 $0x1082;
	[sflag:s4] =	ssyncset.s32 $0xFFFFF086  }
0x25: {  	[simem:s6], [sflag:s4] =	dma.local [hbm:s3], $0xF7A  }
0x26: {  	[smem:$0x3F9C] =	sst s1;
	(tag) =	ssettag s2;
	_ =	strace s9  }
0x27: {  	s1 =	sld [smem:$0x3FAC]  }
0x28: {  	s2 =	sld [smem:$0x3FAD]  }
0x29: {  	s4 =	sld [smem:$0x3FAF]  }
0x2a: {  	p0 =	seq.s32 s5, $0x0;
	s5 =	sld [smem:$0x3FB0]  }
0x2b: {  	s6 =	sld [smem:$0x3FB1]  }
0x2c: {  	s7 =	sld [smem:$0x3FB2]  }
0x2d: {  	s3 =	simm.s32 $0x108;
	s8 =	sld [smem:$0x3FB3]  }
0x2e: {  	s3 =	simm.s32 @!p0 $0x1082;
	s9 =	sld [smem:$0x3FB4]  }
0x2f: {  	lr =	sadd.s32 s0, s3;
	s0 =	sld [smem:$0x3FAB]  }
0x30: {  	s3 =	sld [smem:$0x3FAE]  }
0x31: {  	[smem:$0x3FB7] =	sst s10  }
0x32: {  	s10 =	sld [smem:$0x3FB5];
	_ =	sdelay $0x3  }
0x33: {  	p0 =	seq.s32 s10, $0x1;
	s10 =	sld [smem:$0x3FB7];
	_ =	sdelay $0x3  }
0x34: {  	[smem:$0x3FB7] =	sst s10  }
0x35: {  	s10 =	sld [smem:$0x3FB6];
	_ =	sdelay $0x3  }
0x36: {  	p1 =	seq.s32 s10, $0x1;
	s10 =	sld [smem:$0x3FB7];
	_ =	sdelay $0x3  }
0x37: {  	[smem:$0x3FB7] =	sst s10  }
0x38: {  	s10 =	sld [smem:$0x3FB8]  }
0x39: {  	_ = 	snop;
	(pc) =	sbr.ind lr, $3  }
0x3a: {  	_ = 	snop  }
0x3b: {  	_ = 	snop  }
0x3c: {  	p2 =	seq.s32 s10, $0x1;
	s10 =	sld [smem:$0x3FB7]  }
0x3d: {  	_ =	shalt  }
0x3e: {  	_ =	shalt  }
0x3f: {  	_ =	shalt  }
0x40: {  	_ =	shalt  }
0x41: {  	_ =	shalt  }
0x42: {  	_ =	shalt  }
0x43: {  	_ =	shalt  }
0x44: {  	_ =	shalt  }
0x45: {  	_ =	shalt  }
0x46: {  	_ =	shalt  }
0x47: {  	_ =	shalt  }
0x48: {  	_ =	shalt  }
0x49: {  	_ =	shalt  }
0x4a: {  	_ =	shalt  }
0x4b: {  	_ =	shalt  }
0x4c: {  	_ =	shalt  }
0x4d: {  	_ =	shalt  }
0x4e: {  	_ =	shalt  }
0x4f: {  	_ =	shalt  }
0x50: {  	_ =	shalt  }
0x51: {  	_ =	shalt  }
0x52: {  	_ =	shalt  }
0x53: {  	_ =	shalt  }
0x54: {  	_ =	shalt  }
0x55: {  	_ =	shalt  }
0x56: {  	_ =	shalt  }
0x57: {  	_ =	shalt  }
0x58: {  	_ =	shalt  }
0x59: {  	_ =	shalt  }
0x5a: {  	_ =	shalt  }
0x5b: {  	_ =	shalt  }
0x5c: {  	_ =	shalt  }
0x5d: {  	_ =	shalt  }
0x5e: {  	_ =	shalt  }
0x5f: {  	_ =	shalt  }
0x60: {  	_ =	shalt  }
0x61: {  	_ =	shalt  }
0x62: {  	_ =	shalt  }
0x63: {  	_ =	shalt  }
0x64: {  	_ =	shalt  }
0x65: {  	_ =	shalt  }
0x66: {  	_ =	shalt  }
0x67: {  	_ =	shalt  }
0x68: {  	_ =	shalt  }
0x69: {  	_ =	shalt  }
0x6a: {  	_ =	shalt  }
0x6b: {  	_ =	shalt  }
0x6c: {  	_ =	shalt  }
0x6d: {  	_ =	shalt  }
0x6e: {  	_ =	shalt  }
0x6f: {  	_ =	shalt  }
0x70: {  	_ =	shalt  }
0x71: {  	_ =	shalt  }
0x72: {  	_ =	shalt  }
0x73: {  	_ =	shalt  }
0x74: {  	_ =	shalt  }
0x75: {  	_ =	shalt  }
0x76: {  	_ =	shalt  }
0x77: {  	_ =	shalt  }
0x78: {  	_ =	shalt  }
0x79: {  	_ =	shalt  }
0x7a: {  	_ =	shalt  }
0x7b: {  	_ =	shalt  }
0x7c: {  	_ =	shalt  }
0x7d: {  	_ =	shalt  }
0x7e: {  	_ =	shalt  }
0x7f: {  	_ =	shalt  }
0x80: {  	_ =	shalt  }
0x81: {  	_ =	shalt  }
0x82: {  	_ =	shalt  }
0x83: {  	_ =	shalt  }
0x84: {  	_ =	shalt  }
0x85: {  	_ =	shalt  }
0x86: {  	_ =	shalt  }
0x87: {  	_ =	shalt  }
.Lfunc_end0:
.L_simem_size_0:
called_computation_lowered:
.L_overlay_start_0:
0x88: {  	s2 =	sld [smem:$0x3FD9]  }
0x89: {  	s3 =	sld [smem:$0x3FFE];
	_ =	sdelay $0x1  }
0x8a: {  	s1 =	srdreg.scid  }
0x8b: {  	s0 =	sand.u32 $0x1, s1  }
0x8c: {  	s17 =	sshll.u32 s0, $0xA;
	s2 =	sadd.s32 s3, s2  }
0x8d: {  	s2 =	sadd.s32 s2, s17  }
0x8e: {  	[smem:$0x3FC3] =	sst s2  }
0x8f: {  	_ = 	snop  }
0x90: {  	s2 =	sld [smem:$0x3FD0];
	(tm) =	ssettm $0x1  }
0x91: {  	s18 =	sld [smem:$0x3FFB];
	_ =	sdelay $0x3  }
0x92: {  	_ =	strace s18  }
0x93: {  	s3 =	sld [smem:$0x3FFC];
	_ =	sdelay $0x3  }
0x94: {  	_ =	strace s3  }
0x95: {  	s3 =	sld [smem:$0x3FFD];
	_ =	sdelay $0x3  }
0x96: {  	_ =	strace s3  }
0x97: {  	_ =	strace $0x8FFFFFFF  }
0x98: {  	s19 =	sld [smem:$0x3FDB];
	_ =	sdelay $0x1  }
0x99: {  	s4 =	simm.s32 $_scs_section_size  }
0x9a: {  	s5 =	simm.s32 $_size__tile_overlayer_lowered;
	s6 =	simm.s32 $_tile_overlayer_lowered  }
0x9b: {  	s22 =	simm.s32 $0x1BFF;
	s21 =	sshll.u32 s6, $0x1;
	s3 =	sadd.s32 s4, s19  }
0x9c: {  	s7 =	simm.s32 $0x0;
	s20 =	sshll.u32 s5, $0x1;
	s5 =	sadd.s32 s21, s3  }
0x9d: {  	[timem:s7], [sflag:s22] =	dma.local [hbm:s5], s20  }
0x9e: {  	_ =	swait.ge [sflag:s22], s20  }
0x9f: {  	s4 =	ssub.s32 $0x0, s20;
	[sflag:s22] =	ssyncset.done $0x0  }
0xa0: {  	[sflag:s22] =	ssyncadd.s32 s4;
	_ =	sdelay $0x1  }
0xa1: {  	s23 =	simm.s32 $0x1B8B  }
0xa2: {  	_ =	swait.ge [sflag:s23], $0x1  }
0xa3: {  	[sflag:s23] =	ssyncset.done $0x0  }
0xa4: {  	s25 =	simm.s32 $0x1B8E;
	s24 =	sld [smem:$0x3FFE];
	[sflag:s23] =	ssyncadd.s32 $0xFFFFFFFF  }
0xa5: {  	s26 =	simm.s32 $execute0_lowered;
	[smem:$0x3FD2] =	sst s25  }
0xa6: {  	s5 =	sshll.u32 s26, $0x1;
	_ =	strace $0x80000046;
	[dreg:$0x1] =	wrdreg $0xFFFFFFFF  }
0xa7: {  	s28 =	simm.s32 $_size_execute0_lowered;
	s3 =	sadd.s32 s3, s5;
	[dreg:$0x0] =	wrdreg $0x0  }
0xa8: {  	s5 =	sshll.u32 s28, $0x1;
	[dreg:$0x2] =	wrdreg s3  }
0xa9: {  	[dreg:$0x3] =	wrdreg s5  }
0xaa: {  	[dreg:$0x4] =	wrdreg $0xC0  }
0xab: {  	_ =	task [dreg:s7], $0x5FFFF  }
0xac: {  	[dreg:$0x1] =	wrdreg $0xFFFFFFFF  }
0xad: {  	[dreg:$0x0] =	wrdreg $0x60  }
0xae: {  	[dreg:$0x2] =	wrdreg s2  }
0xaf: {  	[dreg:$0x3] =	wrdreg s24  }
0xb0: {  	[dreg:$0x4] =	wrdreg $0x147800  }
0xb1: {  	[dreg:$0x5] =	wrdreg $0x9  }
0xb2: {  	_ =	task.clear_ibuf [dreg:s7], $0x6FFFF;
	_ =	strace $0x90000046  }
0xb3: {  	s29 =	simm.s32 $0x9;
	_ =	strace $0x80000048  }
0xb4: {  	_ =	swait.ge [sflag:s29], $0x1  }
0xb5: {  	[sflag:s29] =	ssyncadd.s32 $0xFFFFFFFF  }
0xb6: {  	_ =	strace $0x90000048  }
0xb7: {  	_ =	sfence  }
0xb8: {  	s30 =	sld [smem:$0x0];
	_ =	sdelay $0x2  }
0xb9: {  	s31 =	sshll.u32 s1, $0xD;
	s1 =	sshrl.u32 s1, $0x2  }
0xba: {  	s3 =	sand.u32 $0x4000, s31;
	s1 =	sadd.s32 s1, s30  }
0xbb: {  	s0 =	sor.u32 s3, s0;
	s1 =	sshll.u32 s1, $0x11  }
0xbc: {  	s0 =	sor.u32 s1, s0  }
0xbd: {  	s0 =	sadd.s32 $0x8F2B, s0  }
0xbe: {  	[sflag:s0] =	ssyncadd.remote.s32 $0x1  }
0xbf: {  	_ =	sfence.sel $0xFFFF  }
0xc0: {  	[dreg:$0x0] =	wrdreg $0xFFFFFFFF;
	(pc) =	sbr.abs _section_cstart, $3  }
0xc1: {  	[dreg:$0x1] =	wrdreg $0xFFFFFFFF  }
0xc2: {  	_ =	task.clear_ibuf [dreg:s7], $0x2FFFF;
	_ =	strace $0x9FFFFFFF  }
0xc3: {  	(tm) =	ssettm $0x7FFFFFFF  }
tec
execute0_lowered:
.L_overlay_start_1:
0x0: {  	(tag) =	ssettag $0x1  }
0x1: {  	s1 =	rddreg [dreg:$0x0]  }
0x2: {  	s0 =	srdreg.scid;
	s2 =	rddreg [dreg:$0x1]  }
0x3: {  	s10 =	stileid.u32;
	s3 =	rddreg [dreg:$0x2]  }
0x4: {  	s28 =	simm.s32 $0xC000;
	s29 =	simm.s32 $0x13780;
	s30 =	simm.s32 $0x50  }
0x5: {  	s31 =	simm.s32 $0xE780;
	s0 =	sand.u32 $0x1, s0;
	s16 =	smul.u32 $0xA000, s10  }
0x6: {  	s7 =	sshll.u32 s10, $0x7;
	s9 =	smul.u32 $0x2C000, s10;
	s19 =	sshll.u32 s10, $0x5  }
0x7: {  	s24 =	smul.u32 $0x28000, s10;
	s4 =	sshll.u32 s0, $0x4;
	s7 =	sand.u32 $0x380, s7  }
0x8: {  	s8 =	smul.u32 $0x140000, s0;
	s0 =	ssub.s32 $0x2, s0;
	s5 =	sor.u32 s10, s4  }
0x9: {  	s4 =	simm.s32 $0x0;
	s17 =	sshrl.u32 s0, $0x1;
	s20 =	sshrl.u32 s9, $0x2  }
0xa: {  	s6 =	sshrl.u32 s5, $0x3;
	[smem:$0x7FF] =	sst s4;
	s5 =	sshll.u32 s5, $0xB  }
0xb: {  	s0 =	ssub.s32 s0, s17;
	s6 =	smul.u32 $0x13C00, s6;
	s5 =	sadd.s32 s5, s2  }
0xc: {  	_ =	strace $0x80000047;
	s0 =	smax.u32 s0, $0x1;
	s18 =	sadd.s32 $0x1A200, s5  }
0xd: {  	s5 =	sadd.s32 $0xA200, s5;
	[dreg:$0xf] =	wrdreg s0;
	s0 =	simm.s32 $0x4  }
0xe: {  	s6 =	sor.u32 s7, s6;
	s7 =	sadd.s32 s16, s8;
	[dreg:$0x4] =	wrdreg s18  }
0xf: {  	[dreg:$0x5] =	wrdreg s5;
	s5 =	sor.u32 $0x1400, s19;
	s8 =	sadd.s32 s20, s3  }
0x10: {  	s6 =	sshrl.u32 s6, $0x3;
	s7 =	sshrl.u32 s7, $0x3;
	s12 =	sadd.s32 $0x1000, s8  }
0x11: {  	s13 =	sadd.s32 $0x2000, s8;
	s21 =	sadd.s32 $0x3000, s8;
	s22 =	sadd.s32 $0x4000, s8  }
0x12: {  	s23 =	sadd.s32 $0x5000, s8;
	s25 =	sadd.s32 $0x7000, s8;
	[dreg:$0x7] =	wrdreg s21  }
0x13: {  	s16 =	sadd.s32 $0x8000, s8;
	s17 =	sadd.s32 $0x9000, s8;
	[dreg:$0x8] =	wrdreg s22  }
0x14: {  	s18 =	sadd.s32 $0xA000, s8;
	s6 =	sadd.s32 s6, s2;
	[dreg:$0x9] =	wrdreg s23  }
0x15: {  	s2 =	sadd.s32 s7, s2;
	s7 =	sadd.s32 $0x6000, s8;
	[dreg:$0xb] =	wrdreg s25  }
0x16: {  	s23 =	simm.s32 $0x5;
	s6 =	sadd.s32 $0x400, s6;
	[dreg:$0xa] =	wrdreg s7  }
0x17: {  	s25 =	simm.s32 $0x2;
	s26 =	sadd.s32 $0x2A200, s2;
	[dreg:$0x6] =	wrdreg s6  }
0x18: {  	v0 =	vlaneseq.u32;
	s2 =	sadd.s32 $0x3E200, s2;
	s6 =	sshrl.u32 s24, $0x2;
	[dreg:$0xc] =	wrdreg s26  }
0x19: {  	v1 =	vor.u32 $0x10, v0;
	[dreg:$0xe] =	wrdreg s2;
	s2 =	simm.s32 $0x10F80;
	s6 =	sadd.s32 s6, s3  }
0x1a: {  	v2 =	vimm.f32 $0.0e+00;
	v0 =	vor.u32 s5, v0;
	v1 =	vor.u32 s5, v1;
	s24 =	simm.s32 $0x1;
	s26 =	simm.s32 $0x3;
	[dreg:$0xd] =	wrdreg s6  }
.LBB2_1:
0x1b: {  	s5 =	simm.s32 $0x0;
	s6 =	simm.s32 $0x200  }
.LBB2_2:
0x1c: {  	p0 =	sne.s32 s6, $0x3E00;
	[tilespmem:s5+$0x137F0] =	vst v2  }
0x1d: {  	[tilespmem:s5+$0x13780] =	vst v2  }
0x1e: {  	[tilespmem:s5+$0x13790] =	vst v2  }
.Ltmp0:
0x1f: {  	[tilespmem:s5+$0x137A0] =	vst v2;
	(pc) =	sbr.rel @p0 .LBB2_2-.Ltmp0, $4  }
0x20: {  	[tilespmem:s5+$0x137B0] =	vst v2  }
0x21: {  	[tilespmem:s5+$0x137C0] =	vst v2  }
0x22: {  	[tilespmem:s5+$0x137D0] =	vst v2  }
0x23: {  	[tilespmem:s5+$0x137E0] =	vst v2;
	s5 =	sshra.s32 s6, $0x2;
	s6 =	sadd.s32 $0x200, s6  }
0x24: {  	[tilespmem:s5+$0x137F0] =	vst v2  }
0x25: {  	[tilespmem:s5+$0x13780] =	vst v2  }
0x26: {  	[tilespmem:s5+$0x13790] =	vst v2  }
0x27: {  	[tilespmem:s5+$0x137A0] =	vst v2  }
0x28: {  	[tilespmem:s5+$0x137B0] =	vst v2  }
0x29: {  	[tilespmem:s5+$0x137C0] =	vst v2  }
0x2a: {  	[tilespmem:s5+$0x137D0] =	vst v2  }
0x2b: {  	[tilespmem:s5+$0x137E0] =	vst v2;
	s15 =	simm.s32 $0x0;
	s6 =	rddreg [dreg:$0x4]  }
0x2c: {  	[tilespmem:s15], [sflag:$0x5] =	stream.linear.gather [hbm4b:s6+s15], $0x3E80, $0x38;
	[tilespmem:$0x1F780] =	vst v63  }
0x2d: {  	_ =	swait.ge [sflag:s23], $0x3E80  }
0x2e: {  	[sflag:s23] =	ssyncset.done $0x0  }
0x2f: {  	s7 =	simm.s32 $0x4000;
	s19 =	rddreg [dreg:$0x5];
	[sflag:s23] =	ssyncadd.s32 $0xFFFFC180  }
0x30: {  	[tilespmem:s7], [sflag:$0x5] =	stream.linear.gather [hbm4b:s19+s15], $0x3E80, $0x38;
	[tilespmem:$0x1F780] =	vst v63  }
0x31: {  	_ =	swait.ge [sflag:s23], $0x3E80  }
0x32: {  	s21 =	simm.s32 $0x80;
	[sflag:s23] =	ssyncset.done $0x0  }
0x33: {  	s22 =	simm.s32 $0x400;
	s20 =	rddreg [dreg:$0x6];
	[sflag:s23] =	ssyncadd.s32 $0xFFFFC180  }
0x34: {  	[tilespmem:s28], [sflag:$0x5] =	stream.strided.gather [hbm4b:s20+s21], $0x2780, s22, s21, $0x38;
	[tilespmem:$0x1F780] =	vst v63  }
0x35: {  	_ =	swait.ge [sflag:s23], $0x2780  }
0x36: {  	[sflag:s23] =	ssyncset.done $0x0  }
0x37: {  	s6 =	simm.s32 $0x0;
	[sflag:s23] =	ssyncadd.s32 $0xFFFFD880  }
0x38: {  	v4 =	vld [tilespmem:s6+$0x4040]  }
0x39: {  	v5 =	vld [tilespmem:s6+$0x4000]  }
0x3a: {  	v6 =	vld [tilespmem:s6+$0x4010]  }
0x3b: {  	v7 =	vld [tilespmem:s6+$0x4020]  }
0x3c: {  	v8 =	vld [tilespmem:s6+$0x4030]  }
0x3d: {  	s5 =	simm.s32 $0x80;
	vm0 =	vgt.u32 v4, $0x13FF  }
0x3e: {  	v3 =	vld [tilespmem:s5+$0x4040];
	vm12 =	vgt.u32 v5, $0x13FF;
	v9 =	vsel vm0, v0, v4  }
0x3f: {  	vm13 =	vgt.u32 v6, $0x13FF;
	v4 =	vld [tilespmem:s5+$0x4000];
	[tilespmem:s6+$0x8040] =	vst v9;
	v9 =	vsel vm12, v0, v5  }
0x40: {  	vm14 =	vgt.u32 v7, $0x13FF;
	v5 =	vld [tilespmem:s5+$0x4010];
	[tilespmem:s6+$0x8000] =	vst v9;
	v9 =	vsel vm13, v1, v6  }
0x41: {  	vm15 =	vgt.u32 v8, $0x13FF;
	v6 =	vld [tilespmem:s5+$0x4020];
	[tilespmem:s6+$0x8010] =	vst v9;
	v9 =	vsel vm14, v0, v7  }
0x42: {  	s7 =	simm.s32 $0x400;
	v8 =	vsel vm15, v1, v8;
	v7 =	vld [tilespmem:s5+$0x4030];
	[tilespmem:s6+$0x8020] =	vst v9  }
.LBB2_4:
0x43: {  	s9 =	sshra.s32 s7, $0x2;
	p0 =	sne.s32 s7, $0xF800;
	s7 =	sadd.s32 $0x200, s7;
	vm0 =	vgt.u32 v3, $0x13FF;
	[tilespmem:s6+$0x8030] =	vst v8  }
.Ltmp1:
0x44: {  	s6 =	smov.u32 s5;
	vm1 =	vgt.u32 v4, $0x13FF;
	v8 =	vsel vm0, v0, v3;
	v3 =	vld [tilespmem:s9+$0x4040];
	s5 =	smov.u32 s9;
	(pc) =	sbr.rel @p0 .LBB2_4-.Ltmp1, $4  }
0x45: {  	v9 =	vsel vm1, v0, v4;
	v4 =	vld [tilespmem:s5+$0x4000];
	vm0 =	vgt.u32 v5, $0x13FF;
	[tilespmem:s6+$0x8040] =	vst v8  }
0x46: {  	[tilespmem:s6+$0x8000] =	vst v9;
	v8 =	vsel vm0, v1, v5;
	v5 =	vld [tilespmem:s5+$0x4010];
	vm0 =	vgt.u32 v6, $0x13FF  }
0x47: {  	[tilespmem:s6+$0x8010] =	vst v8;
	v8 =	vsel vm0, v0, v6;
	v6 =	vld [tilespmem:s5+$0x4020];
	vm0 =	vgt.u32 v7, $0x13FF  }
0x48: {  	[tilespmem:s6+$0x8020] =	vst v8;
	v8 =	vsel vm0, v1, v7;
	v7 =	vld [tilespmem:s5+$0x4030]  }
0x49: {  	vm0 =	vgt.u32 v3, $0x13FF  }
0x4a: {  	[tilespmem:s6+$0x8030] =	vst v8;
	vm1 =	vgt.u32 v4, $0x13FF;
	v3 =	vsel vm0, v0, v3  }
0x4b: {  	v4 =	vsel vm1, v0, v4;
	vm13 =	vgt.u32 v5, $0x13FF;
	[tilespmem:s5+$0x8040] =	vst v3  }
0x4c: {  	[tilespmem:s5+$0x8000] =	vst v4;
	v3 =	vsel vm13, v1, v5;
	vm14 =	vgt.u32 v6, $0x13FF  }
0x4d: {  	[tilespmem:s5+$0x8010] =	vst v3;
	v3 =	vsel vm14, v0, v6;
	vm15 =	vgt.u32 v7, $0x13FF  }
0x4e: {  	[tilespmem:s5+$0x8020] =	vst v3;
	v3 =	vsel vm15, v1, v7  }
0x4f: {  	[tilespmem:s5+$0x8030] =	vst v3  }
0x50: {  	[spmem:s8] =	stream.linear.scatter [tilespmem:s29], [sflag:$0x5], $0x1000, $0x38;
	[tilespmem:$0x1F780] =	vst v63  }
0x51: {  	_ =	swait.ge [sflag:s23], $0x1000  }
0x52: {  	[sflag:s23] =	ssyncset.done $0x0  }
0x53: {  	[sflag:s23] =	ssyncadd.s32 $0xFFFFF000  }
0x54: {  	[spmem:s12] =	stream.linear.scatter [tilespmem:s29], [sflag:$0x5], $0x1000, $0x38;
	[tilespmem:$0x1F780] =	vst v63  }
0x55: {  	_ =	swait.ge [sflag:s23], $0x1000  }
0x56: {  	[sflag:s23] =	ssyncset.done $0x0  }
0x57: {  	[sflag:s23] =	ssyncadd.s32 $0xFFFFF000  }
0x58: {  	[spmem:s13] =	stream.linear.scatter [tilespmem:s29], [sflag:$0x5], $0x1000, $0x38;
	[tilespmem:$0x1F780] =	vst v63  }
0x59: {  	_ =	swait.ge [sflag:s23], $0x1000  }
0x5a: {  	[sflag:s23] =	ssyncset.done $0x0  }
0x5b: {  	s15 =	rddreg [dreg:$0x7];
	[sflag:s23] =	ssyncadd.s32 $0xFFFFF000  }
0x5c: {  	[spmem:s15] =	stream.linear.scatter [tilespmem:s29], [sflag:$0x5], $0x1000, $0x38;
	[tilespmem:$0x1F780] =	vst v63  }
0x5d: {  	_ =	swait.ge [sflag:s23], $0x1000  }
0x5e: {  	[sflag:s23] =	ssyncset.done $0x0  }
0x5f: {  	s19 =	rddreg [dreg:$0x8];
	[sflag:s23] =	ssyncadd.s32 $0xFFFFF000  }
0x60: {  	[spmem:s19] =	stream.linear.scatter [tilespmem:s29], [sflag:$0x5], $0x1000, $0x38;
	[tilespmem:$0x1F780] =	vst v63  }
0x61: {  	_ =	swait.ge [sflag:s23], $0x1000  }
0x62: {  	[sflag:s23] =	ssyncset.done $0x0  }
0x63: {  	s20 =	rddreg [dreg:$0x9];
	[sflag:s23] =	ssyncadd.s32 $0xFFFFF000  }
0x64: {  	[spmem:s20] =	stream.linear.scatter [tilespmem:s29], [sflag:$0x5], $0x1000, $0x38;
	[tilespmem:$0x1F780] =	vst v63  }
0x65: {  	_ =	swait.ge [sflag:s23], $0x1000  }
0x66: {  	[sflag:s23] =	ssyncset.done $0x0  }
0x67: {  	s21 =	rddreg [dreg:$0xa];
	[sflag:s23] =	ssyncadd.s32 $0xFFFFF000  }
0x68: {  	[spmem:s21] =	stream.linear.scatter [tilespmem:s29], [sflag:$0x5], $0x1000, $0x38;
	[tilespmem:$0x1F780] =	vst v63  }
0x69: {  	_ =	swait.ge [sflag:s23], $0x1000  }
0x6a: {  	[sflag:s23] =	ssyncset.done $0x0  }
0x6b: {  	s22 =	rddreg [dreg:$0xb];
	[sflag:s23] =	ssyncadd.s32 $0xFFFFF000  }
0x6c: {  	[spmem:s22] =	stream.linear.scatter [tilespmem:s29], [sflag:$0x5], $0x1000, $0x38;
	[tilespmem:$0x1F780] =	vst v63  }
0x6d: {  	_ =	swait.ge [sflag:s23], $0x1000  }
0x6e: {  	[sflag:s23] =	ssyncset.done $0x0  }
0x6f: {  	[sflag:s23] =	ssyncadd.s32 $0xFFFFF000  }
0x70: {  	[spmem:s16] =	stream.linear.scatter [tilespmem:s29], [sflag:$0x5], $0x1000, $0x38;
	[tilespmem:$0x1F780] =	vst v63  }
0x71: {  	_ =	swait.ge [sflag:s23], $0x1000  }
0x72: {  	[sflag:s23] =	ssyncset.done $0x0  }
0x73: {  	[sflag:s23] =	ssyncadd.s32 $0xFFFFF000  }
0x74: {  	[spmem:s17] =	stream.linear.scatter [tilespmem:s29], [sflag:$0x5], $0x1000, $0x38;
	[tilespmem:$0x1F780] =	vst v63  }
0x75: {  	_ =	swait.ge [sflag:s23], $0x1000  }
0x76: {  	[sflag:s23] =	ssyncset.done $0x0  }
0x77: {  	[sflag:s23] =	ssyncadd.s32 $0xFFFFF000  }
0x78: {  	[spmem:s18] =	stream.linear.scatter [tilespmem:s29], [sflag:$0x5], $0x1000, $0x38;
	[tilespmem:$0x1F780] =	vst v63  }
0x79: {  	_ =	swait.ge [sflag:s23], $0x1000  }
0x7a: {  	[sflag:s23] =	ssyncset.done $0x0  }
0x7b: {  	[sflag:s23] =	ssyncadd.s32 $0xFFFFF000  }
0x7c: {  	s6 =	simm.s32 $0x0;
	s5 =	simm.s32 $0x0;
	[bflag:$0x0] =	sbarrier.arrive $0xFFFF  }
0x7d: {  	[tilespmem:s31], [sflag:$0x1] =	stream.indirect.gather [hbm4b:s1+s30], $0x80, s6, s30, $0xb8;
	[tilespmem:$0x1F780] =	vst v63  }
.LBB2_6:
0x7e: {  	p0 =	seq.s32 s5, $0x0  }
0x7f: {  	s10 =	simm.s32 @!p0 $0x4  }
0x80: {  	s9 =	sadd.s32 $0xFFFFFFFC, s6;
	_ =	swait.ge @!p0 [sflag:s10], $0x2800  }
0x81: {  	s19 =	sshllo.u32 s5, $0x1;
	s7 =	sadd.s32 $0x6, s9;
	[sflag:s10] =	ssyncset.done @!p0 $0x0  }
0x82: {  	s21 =	sadd.s32 $0x4, s9;
	v3 =	vmov s7;
	s7 =	sshll.u32 s19, $0x7;
	[sflag:s10] =	ssyncadd.s32 @!p0 $0xFFFFD800  }
0x83: {  	v4 =	vmov s21;
	[tilespmem:s2], [sflag:$0x2] =	stream.indirect.gather [hbm4b:s1+s30], $0x80, s7, s30, $0xb8;
	[tilespmem:$0x1F780] =	vst v63  }
0x84: {  	v4 =	vand.u32 $0xFFFFFFFC, v4;
	_ =	swait.ge [sflag:s24], $0x2800  }
0x85: {  	v3 =	vand.u32 $0xFFFFFFFE, v3;
	v4 =	vbroadcast v4, $0x0;
	[sflag:s24] =	ssyncset.done $0x0  }
0x86: {  	s19 =	simm.s32 $0xE880;
	v3 =	vbroadcast v3, $0x0;
	[sflag:s24] =	ssyncadd.s32 $0xFFFFD800  }
0x87: {  	v5 =	vld [tilespmem:s19+$0x70]  }
0x88: {  	v7 =	vld [tilespmem:s19+$0xFFFFFF00]  }
0x89: {  	s22 =	sadd.s32 $0x5, s9;
	v8 =	vld [tilespmem:s19+$0xFFFFFF10]  }
0x8a: {  	v6 =	vmov s22;
	v9 =	vld [tilespmem:s19+$0xFFFFFF20]  }
0x8b: {  	v6 =	vand.u32 $0xFFFFFFFD, v6;
	v4 =	vld.idx.msk [tilespmem:v4+s28+$0x0], $0xffff  }
0x8c: {  	v6 =	vbroadcast v6, $0x0;
	v3 =	vld.idx.msk [tilespmem:v3+s28+$0x0], $0xffff  }
0x8d: {  	v10 =	vld [tilespmem:s19+$0xFFFFFF30]  }
0x8e: {  	v11 =	vld [tilespmem:s19+$0xFFFFFF40]  }
0x8f: {  	v12 =	vld [tilespmem:s19+$0xFFFFFF50]  }
0x90: {  	v13 =	vld [tilespmem:s19+$0xFFFFFF60];
	v7 =	vmul.f32 v7, v4  }
0x91: {  	v61 =	vld [tilespmem:s19+$0xFFFFFFB0];
	v5 =	vmul.f32 v5, v3  }
0x92: {  	v6 =	vld.idx.msk [tilespmem:v6+s28+$0x0], $0xffff;
	[tilespmem:s19+$0xFFFFFF00] =	vst v7;
	v7 =	vmul.f32 v8, v4  }
0x93: {  	v8 =	vld [tilespmem:s19+$0xFFFFFF70];
	[tilespmem:s19+$0x70] =	vst v5;
	v5 =	vmul.f32 v9, v4  }
0x94: {  	s9 =	sadd.s32 $0x7, s9;
	v9 =	vld [tilespmem:s19+$0xFFFFFF80];
	[tilespmem:s19+$0xFFFFFF10] =	vst v7;
	v7 =	vmul.f32 v10, v4  }
0x95: {  	v14 =	vmov s9;
	v10 =	vld [tilespmem:s19+$0xFFFFFF90];
	[tilespmem:s19+$0xFFFFFF20] =	vst v5;
	v5 =	vmul.f32 v11, v4  }
0x96: {  	v11 =	vld [tilespmem:s19+$0xFFFFFFA0];
	[tilespmem:s19+$0xFFFFFF30] =	vst v7;
	v7 =	vmul.f32 v12, v4  }
0x97: {  	v62 =	vld [tilespmem:s19+$0xFFFFFFC0];
	[tilespmem:s19+$0xFFFFFF40] =	vst v5;
	v5 =	vmul.f32 v13, v4  }
0x98: {  	v15 =	vld [tilespmem:s19+$0xFFFFFFD0];
	v8 =	vmul.f32 v8, v4;
	[tilespmem:s19+$0xFFFFFF50] =	vst v7  }
0x99: {  	v16 =	vld [tilespmem:s19+$0xFFFFFFE0];
	v7 =	vmul.f32 v9, v6;
	[tilespmem:s19+$0xFFFFFF60] =	vst v5  }
0x9a: {  	v4 =	vld.idx.msk [tilespmem:v14+s28+$0x0], $0xffff;
	v5 =	vmul.f32 v10, v6;
	[tilespmem:s19+$0xFFFFFF70] =	vst v8  }
0x9b: {  	v10 =	vld [tilespmem:s19+$0xFFFFFFF0];
	[tilespmem:s19+$0xFFFFFF80] =	vst v7;
	v7 =	vmul.f32 v11, v6  }
0x9c: {  	v9 =	vld [tilespmem:s19+$0x0];
	v11 =	vmul.f32 v62, v6;
	[tilespmem:s19+$0xFFFFFF90] =	vst v5  }
0x9d: {  	v8 =	vld [tilespmem:s19+$0x10];
	v5 =	vmul.f32 v61, v6;
	[tilespmem:s19+$0xFFFFFFA0] =	vst v7  }
0x9e: {  	v63 =	vmul.f32 v15, v6;
	v7 =	vld [tilespmem:s19+$0x20];
	[tilespmem:s19+$0xFFFFFFC0] =	vst v11  }
0x9f: {  	v11 =	vmul.f32 v16, v6;
	[tilespmem:s19+$0xFFFFFFB0] =	vst v5;
	v5 =	vld [tilespmem:s19+$0x30]  }
0xa0: {  	s20 =	simm.s32 $0xE880;
	s9 =	simm.s32 $0x0;
	[tilespmem:s19+$0xFFFFFFD0] =	vst v63;
	v10 =	vmul.f32 v10, v6;
	v6 =	vld [tilespmem:s19+$0x40]  }
.LBB2_7:
0xa1: {  	s10 =	sadd.s32 s9, s6;
	s9 =	sadd.s32 $0x4, s9;
	[tilespmem:s19+$0xFFFFFFE0] =	vst v11;
	v9 =	vmul.f32 v9, v3;
	v11 =	vld [tilespmem:s19+$0x50]  }
0xa2: {  	s21 =	sadd.s32 $0x4, s10;
	s22 =	sadd.s32 $0x6, s10;
	p0 =	slt.u32 s9, $0x4C;
	[tilespmem:s19+$0xFFFFFFF0] =	vst v10;
	v8 =	vmul.f32 v8, v3;
	v10 =	vld [tilespmem:s19+$0x60]  }
0xa3: {  	v12 =	vmov s21;
	s21 =	sadd.s32 $0x5, s10;
	v13 =	vmov s22;
	s10 =	sadd.s32 $0x7, s10;
	[tilespmem:s19+$0x0] =	vst v9;
	v7 =	vmul.f32 v7, v3;
	v9 =	vld [tilespmem:s19+$0x80]  }
0xa4: {  	v12 =	vand.u32 $0xFFFFFFFC, v12;
	v14 =	vmov s21;
	v13 =	vand.u32 $0xFFFFFFFE, v13;
	[tilespmem:s19+$0x10] =	vst v8;
	v8 =	vld [tilespmem:s19+$0x90]  }
0xa5: {  	v12 =	vbroadcast v12, $0x0;
	v14 =	vand.u32 $0xFFFFFFFD, v14;
	v13 =	vbroadcast v13, $0x0;
	[tilespmem:s19+$0x20] =	vst v7;
	v7 =	vld [tilespmem:s19+$0xA0]  }
0xa6: {  	v15 =	vmov s10;
	v5 =	vmul.f32 v5, v3;
	v14 =	vbroadcast v14, $0x0;
	v16 =	vld [tilespmem:s19+$0xB0]  }
0xa7: {  	v6 =	vmul.f32 v6, v3;
	v11 =	vmul.f32 v11, v3;
	v17 =	vld [tilespmem:s19+$0xC0]  }
0xa8: {  	[tilespmem:s19+$0x30] =	vst v5;
	v5 =	vmul.f32 v10, v3;
	v9 =	vmul.f32 v9, v4;
	v10 =	vld [tilespmem:s19+$0xD0]  }
0xa9: {  	[tilespmem:s19+$0x40] =	vst v6;
	v6 =	vmul.f32 v8, v4;
	v8 =	vld [tilespmem:s19+$0xE0]  }
0xaa: {  	[tilespmem:s19+$0x50] =	vst v11;
	v7 =	vmul.f32 v7, v4;
	v11 =	vld [tilespmem:s19+$0xF0]  }
0xab: {  	s19 =	sadd.s32 $0x200, s19;
	v3 =	vld.idx.msk [tilespmem:v13+s28+$0x0], $0xffff;
	[tilespmem:s20+$0x60] =	vst v5;
	v5 =	vmul.f32 v16, v4  }
0xac: {  	v13 =	vld [tilespmem:s19+$0x70];
	[tilespmem:s20+$0x80] =	vst v9;
	v9 =	vmul.f32 v17, v4  }
0xad: {  	v12 =	vld.idx.msk [tilespmem:v12+s28+$0x0], $0xffff;
	[tilespmem:s20+$0x90] =	vst v6;
	v6 =	vmul.f32 v10, v4  }
0xae: {  	v10 =	vld.idx.msk [tilespmem:v14+s28+$0x0], $0xffff;
	[tilespmem:s20+$0xA0] =	vst v7;
	v7 =	vmul.f32 v8, v4  }
0xaf: {  	[tilespmem:s20+$0xB0] =	vst v5;
	v5 =	vmul.f32 v11, v4;
	v4 =	vld.idx.msk [tilespmem:v15+s28+$0x0], $0xffff  }
0xb0: {  	v8 =	vld [tilespmem:s19+$0xFFFFFF00];
	[tilespmem:s20+$0xC0] =	vst v9  }
0xb1: {  	v9 =	vld [tilespmem:s19+$0xFFFFFF10];
	v11 =	vmul.f32 v13, v3;
	[tilespmem:s20+$0xD0] =	vst v6  }
0xb2: {  	v6 =	vld [tilespmem:s19+$0xFFFFFF20];
	[tilespmem:s20+$0xE0] =	vst v7  }
0xb3: {  	v7 =	vld [tilespmem:s19+$0xFFFFFF30];
	[tilespmem:s19+$0x70] =	vst v11  }
0xb4: {  	v11 =	vld [tilespmem:s19+$0xFFFFFF40];
	[tilespmem:s20+$0xF0] =	vst v5;
	s20 =	smov.u32 s19  }
0xb5: {  	v5 =	vmul.f32 v8, v12;
	v8 =	vld [tilespmem:s19+$0xFFFFFF50]  }
0xb6: {  	v9 =	vmul.f32 v9, v12;
	v13 =	vld [tilespmem:s19+$0xFFFFFF60]  }
0xb7: {  	[tilespmem:s19+$0xFFFFFF00] =	vst v5;
	v5 =	vmul.f32 v6, v12;
	v6 =	vld [tilespmem:s19+$0xFFFFFF70]  }
0xb8: {  	[tilespmem:s19+$0xFFFFFF10] =	vst v9;
	v7 =	vmul.f32 v7, v12;
	v9 =	vld [tilespmem:s19+$0xFFFFFF80]  }
0xb9: {  	[tilespmem:s19+$0xFFFFFF20] =	vst v5;
	v5 =	vmul.f32 v11, v12;
	v11 =	vld [tilespmem:s19+$0xFFFFFF90]  }
0xba: {  	[tilespmem:s19+$0xFFFFFF30] =	vst v7;
	v7 =	vmul.f32 v8, v12;
	v8 =	vld [tilespmem:s19+$0xFFFFFFA0]  }
0xbb: {  	[tilespmem:s19+$0xFFFFFF40] =	vst v5;
	v5 =	vmul.f32 v13, v12;
	v13 =	vld [tilespmem:s19+$0xFFFFFFB0]  }
0xbc: {  	[tilespmem:s19+$0xFFFFFF50] =	vst v7;
	v6 =	vmul.f32 v6, v12;
	v7 =	vld [tilespmem:s19+$0xFFFFFFC0]  }
0xbd: {  	[tilespmem:s19+$0xFFFFFF60] =	vst v5;
	v5 =	vmul.f32 v9, v10;
	v12 =	vld [tilespmem:s19+$0xFFFFFFD0]  }
0xbe: {  	[tilespmem:s19+$0xFFFFFF70] =	vst v6;
	v6 =	vmul.f32 v11, v10;
	v11 =	vld [tilespmem:s19+$0xFFFFFFE0]  }
0xbf: {  	[tilespmem:s19+$0xFFFFFF80] =	vst v5;
	v5 =	vmul.f32 v8, v10;
	v14 =	vld [tilespmem:s19+$0xFFFFFFF0]  }
.Ltmp2:
0xc0: {  	[tilespmem:s19+$0xFFFFFF90] =	vst v6;
	v6 =	vmul.f32 v13, v10;
	v9 =	vld [tilespmem:s19+$0x0];
	(pc) =	sbr.rel @p0 .LBB2_7-.Ltmp2, $4  }
0xc1: {  	[tilespmem:s19+$0xFFFFFFA0] =	vst v5;
	v5 =	vmul.f32 v7, v10;
	v8 =	vld [tilespmem:s19+$0x10]  }
0xc2: {  	[tilespmem:s19+$0xFFFFFFB0] =	vst v6;
	v6 =	vmul.f32 v12, v10;
	v7 =	vld [tilespmem:s19+$0x20]  }
0xc3: {  	[tilespmem:s19+$0xFFFFFFC0] =	vst v5;
	v11 =	vmul.f32 v11, v10;
	v5 =	vld [tilespmem:s19+$0x30]  }
0xc4: {  	[tilespmem:s19+$0xFFFFFFD0] =	vst v6;
	v10 =	vmul.f32 v14, v10;
	v6 =	vld [tilespmem:s19+$0x40]  }
0xc5: {  	v12 =	vld [tilespmem:s19+$0x50];
	[tilespmem:s19+$0xFFFFFFE0] =	vst v11;
	v9 =	vmul.f32 v9, v3  }
0xc6: {  	v11 =	vld [tilespmem:s19+$0x60];
	[tilespmem:s19+$0xFFFFFFF0] =	vst v10;
	v8 =	vmul.f32 v8, v3  }
0xc7: {  	v10 =	vld [tilespmem:s19+$0x80];
	[tilespmem:s19+$0x0] =	vst v9;
	v7 =	vmul.f32 v7, v3  }
0xc8: {  	v9 =	vld [tilespmem:s19+$0x90];
	[tilespmem:s19+$0x10] =	vst v8;
	v5 =	vmul.f32 v5, v3  }
0xc9: {  	v8 =	vld [tilespmem:s19+$0xA0];
	[tilespmem:s19+$0x20] =	vst v7;
	v6 =	vmul.f32 v6, v3  }
0xca: {  	v7 =	vld [tilespmem:s19+$0xB0];
	v12 =	vmul.f32 v12, v3;
	[tilespmem:s19+$0x30] =	vst v5  }
0xcb: {  	v13 =	vld [tilespmem:s19+$0xC0];
	v3 =	vmul.f32 v11, v3;
	[tilespmem:s19+$0x40] =	vst v6  }
0xcc: {  	v5 =	vld [tilespmem:s19+$0xD0];
	v6 =	vmul.f32 v10, v4;
	[tilespmem:s19+$0x50] =	vst v12  }
0xcd: {  	v10 =	vld [tilespmem:s19+$0xE0];
	v9 =	vmul.f32 v9, v4;
	[tilespmem:s20+$0x60] =	vst v3  }
0xce: {  	v11 =	vld [tilespmem:s19+$0xF0];
	v3 =	vmul.f32 v8, v4;
	[tilespmem:s20+$0x80] =	vst v6  }
0xcf: {  	v6 =	vmul.f32 v7, v4;
	[tilespmem:s20+$0x90] =	vst v9  }
0xd0: {  	v7 =	vmul.f32 v13, v4;
	[tilespmem:s20+$0xA0] =	vst v3  }
0xd1: {  	v3 =	vmul.f32 v5, v4;
	[tilespmem:s20+$0xB0] =	vst v6  }
0xd2: {  	v5 =	vmul.f32 v10, v4;
	[tilespmem:s20+$0xC0] =	vst v7  }
0xd3: {  	s9 =	sadd.s32 $0xFFFFFFFC, s6;
	s19 =	sshll.u32 s5, $0xA;
	v4 =	vmul.f32 v11, v4;
	[tilespmem:s20+$0xD0] =	vst v3  }
0xd4: {  	s10 =	sadd.s32 $0x56, s9;
	s19 =	sshrl.u32 s19, $0x2;
	[tilespmem:s20+$0xE0] =	vst v5  }
0xd5: {  	s21 =	sadd.s32 $0x54, s9;
	v6 =	vmov s10;
	s10 =	sadd.s32 $0x8000, s19;
	[tilespmem:s20+$0xF0] =	vst v4  }
0xd6: {  	[spmem:s3] =	stream.indirect.scatter.add.f32 [tilespmem:s31], [sflag:$0x3], $0x80, s10, s30, $0xb8;
	[tilespmem:$0x1F780] =	vst v63  }
0xd7: {  	v3 =	vand.u32 $0xFFFFFFFE, v6;
	v5 =	vmov s21;
	_ =	swait.ge [sflag:s25], $0x2800  }
0xd8: {  	v3 =	vbroadcast v3, $0x0;
	v4 =	vand.u32 $0xFFFFFFFC, v5;
	[sflag:s25] =	ssyncset.done $0x0  }
0xd9: {  	s20 =	simm.s32 $0x11080;
	v4 =	vbroadcast v4, $0x0;
	[sflag:s25] =	ssyncadd.s32 $0xFFFFD800  }
0xda: {  	v5 =	vld [tilespmem:s20+$0x70]  }
0xdb: {  	v7 =	vld [tilespmem:s20+$0xFFFFFF00]  }
0xdc: {  	s22 =	sadd.s32 $0x55, s9;
	v8 =	vld [tilespmem:s20+$0xFFFFFF10]  }
0xdd: {  	v6 =	vmov s22;
	v9 =	vld [tilespmem:s20+$0xFFFFFF20]  }
0xde: {  	v6 =	vand.u32 $0xFFFFFFFD, v6;
	v3 =	vld.idx.msk [tilespmem:v3+s28+$0x0], $0xffff  }
0xdf: {  	v6 =	vbroadcast v6, $0x0;
	v4 =	vld.idx.msk [tilespmem:v4+s28+$0x0], $0xffff  }
0xe0: {  	v10 =	vld [tilespmem:s20+$0xFFFFFF30]  }
0xe1: {  	v11 =	vld [tilespmem:s20+$0xFFFFFF40]  }
0xe2: {  	v59 =	vld [tilespmem:s20+$0xFFFFFF50]  }
0xe3: {  	v60 =	vld [tilespmem:s20+$0xFFFFFF60];
	v5 =	vmul.f32 v5, v3  }
0xe4: {  	v61 =	vld [tilespmem:s20+$0xFFFFFFB0];
	v7 =	vmul.f32 v7, v4  }
0xe5: {  	v6 =	vld.idx.msk [tilespmem:v6+s28+$0x0], $0xffff;
	[tilespmem:s20+$0x70] =	vst v5;
	v5 =	vmul.f32 v9, v4  }
0xe6: {  	[tilespmem:s20+$0xFFFFFF00] =	vst v7;
	v7 =	vmul.f32 v8, v4;
	v8 =	vld [tilespmem:s20+$0xFFFFFF70]  }
0xe7: {  	s9 =	sadd.s32 $0x57, s9;
	v9 =	vld [tilespmem:s20+$0xFFFFFF80];
	[tilespmem:s20+$0xFFFFFF20] =	vst v5;
	v5 =	vmul.f32 v11, v4  }
0xe8: {  	v14 =	vmov s9;
	[tilespmem:s20+$0xFFFFFF10] =	vst v7;
	v7 =	vmul.f32 v10, v4;
	v10 =	vld [tilespmem:s20+$0xFFFFFF90]  }
0xe9: {  	v11 =	vld [tilespmem:s20+$0xFFFFFFA0];
	[tilespmem:s20+$0xFFFFFF40] =	vst v5;
	v5 =	vmul.f32 v60, v4  }
0xea: {  	v62 =	vld [tilespmem:s20+$0xFFFFFFC0];
	[tilespmem:s20+$0xFFFFFF30] =	vst v7;
	v7 =	vmul.f32 v59, v4  }
0xeb: {  	v15 =	vld [tilespmem:s20+$0xFFFFFFD0];
	[tilespmem:s20+$0xFFFFFF60] =	vst v5;
	v8 =	vmul.f32 v8, v4  }
0xec: {  	v16 =	vld [tilespmem:s20+$0xFFFFFFE0];
	[tilespmem:s20+$0xFFFFFF50] =	vst v7;
	v7 =	vmul.f32 v9, v6  }
0xed: {  	v4 =	vld.idx.msk [tilespmem:v14+s28+$0x0], $0xffff;
	v5 =	vmul.f32 v10, v6;
	[tilespmem:s20+$0xFFFFFF70] =	vst v8  }
0xee: {  	v10 =	vld [tilespmem:s20+$0xFFFFFFF0];
	[tilespmem:s20+$0xFFFFFF80] =	vst v7;
	v7 =	vmul.f32 v11, v6  }
0xef: {  	v9 =	vld [tilespmem:s20+$0x0];
	v11 =	vmul.f32 v62, v6;
	[tilespmem:s20+$0xFFFFFF90] =	vst v5  }
0xf0: {  	v8 =	vld [tilespmem:s20+$0x10];
	v5 =	vmul.f32 v61, v6;
	[tilespmem:s20+$0xFFFFFFA0] =	vst v7  }
0xf1: {  	v63 =	vmul.f32 v15, v6;
	v7 =	vld [tilespmem:s20+$0x20];
	[tilespmem:s20+$0xFFFFFFC0] =	vst v11  }
0xf2: {  	v11 =	vmul.f32 v16, v6;
	[tilespmem:s20+$0xFFFFFFB0] =	vst v5;
	v5 =	vld [tilespmem:s20+$0x30]  }
0xf3: {  	s9 =	simm.s32 $0x0;
	s21 =	simm.s32 $0x11080;
	[tilespmem:s20+$0xFFFFFFD0] =	vst v63;
	v10 =	vmul.f32 v10, v6;
	v6 =	vld [tilespmem:s20+$0x40]  }
.LBB2_9:
0xf4: {  	s10 =	sadd.s32 s9, s6;
	s9 =	sadd.s32 $0x4, s9;
	[tilespmem:s20+$0xFFFFFFE0] =	vst v11;
	v9 =	vmul.f32 v9, v3;
	v11 =	vld [tilespmem:s20+$0x50]  }
0xf5: {  	s22 =	sadd.s32 $0x54, s10;
	s11 =	sadd.s32 $0x56, s10;
	p0 =	slt.u32 s9, $0x4C;
	[tilespmem:s20+$0xFFFFFFF0] =	vst v10;
	v8 =	vmul.f32 v8, v3;
	v10 =	vld [tilespmem:s20+$0x60]  }
0xf6: {  	v12 =	vmov s22;
	s22 =	sadd.s32 $0x55, s10;
	v13 =	vmov s11;
	s10 =	sadd.s32 $0x57, s10;
	[tilespmem:s20+$0x0] =	vst v9;
	v7 =	vmul.f32 v7, v3;
	v9 =	vld [tilespmem:s20+$0x80]  }
0xf7: {  	v12 =	vand.u32 $0xFFFFFFFC, v12;
	v14 =	vmov s22;
	v13 =	vand.u32 $0xFFFFFFFE, v13;
	[tilespmem:s20+$0x10] =	vst v8;
	v8 =	vld [tilespmem:s20+$0x90]  }
0xf8: {  	v12 =	vbroadcast v12, $0x0;
	v14 =	vand.u32 $0xFFFFFFFD, v14;
	v13 =	vbroadcast v13, $0x0;
	[tilespmem:s20+$0x20] =	vst v7;
	v7 =	vld [tilespmem:s20+$0xA0]  }
0xf9: {  	v15 =	vmov s10;
	v5 =	vmul.f32 v5, v3;
	v14 =	vbroadcast v14, $0x0;
	v16 =	vld [tilespmem:s20+$0xB0]  }
0xfa: {  	v6 =	vmul.f32 v6, v3;
	v11 =	vmul.f32 v11, v3;
	v17 =	vld [tilespmem:s20+$0xC0]  }
0xfb: {  	[tilespmem:s20+$0x30] =	vst v5;
	v5 =	vmul.f32 v10, v3;
	v9 =	vmul.f32 v9, v4;
	v10 =	vld [tilespmem:s20+$0xD0]  }
0xfc: {  	[tilespmem:s20+$0x40] =	vst v6;
	v6 =	vmul.f32 v8, v4;
	v8 =	vld [tilespmem:s20+$0xE0]  }
0xfd: {  	[tilespmem:s20+$0x50] =	vst v11;
	v7 =	vmul.f32 v7, v4;
	v11 =	vld [tilespmem:s20+$0xF0]  }
0xfe: {  	s20 =	sadd.s32 $0x200, s20;
	v3 =	vld.idx.msk [tilespmem:v13+s28+$0x0], $0xffff;
	[tilespmem:s21+$0x60] =	vst v5;
	v5 =	vmul.f32 v16, v4  }
0xff: {  	v13 =	vld [tilespmem:s20+$0x70];
	[tilespmem:s21+$0x80] =	vst v9;
	v9 =	vmul.f32 v17, v4  }
0x100: {  	v12 =	vld.idx.msk [tilespmem:v12+s28+$0x0], $0xffff;
	[tilespmem:s21+$0x90] =	vst v6;
	v6 =	vmul.f32 v10, v4  }
0x101: {  	v10 =	vld.idx.msk [tilespmem:v14+s28+$0x0], $0xffff;
	[tilespmem:s21+$0xA0] =	vst v7;
	v7 =	vmul.f32 v8, v4  }
0x102: {  	[tilespmem:s21+$0xB0] =	vst v5;
	v5 =	vmul.f32 v11, v4;
	v4 =	vld.idx.msk [tilespmem:v15+s28+$0x0], $0xffff  }
0x103: {  	v8 =	vld [tilespmem:s20+$0xFFFFFF00];
	[tilespmem:s21+$0xC0] =	vst v9  }
0x104: {  	v9 =	vld [tilespmem:s20+$0xFFFFFF10];
	v11 =	vmul.f32 v13, v3;
	[tilespmem:s21+$0xD0] =	vst v6  }
0x105: {  	v6 =	vld [tilespmem:s20+$0xFFFFFF20];
	[tilespmem:s21+$0xE0] =	vst v7  }
0x106: {  	v7 =	vld [tilespmem:s20+$0xFFFFFF30];
	[tilespmem:s20+$0x70] =	vst v11  }
0x107: {  	v11 =	vld [tilespmem:s20+$0xFFFFFF40];
	[tilespmem:s21+$0xF0] =	vst v5;
	s21 =	smov.u32 s20  }
0x108: {  	v5 =	vmul.f32 v8, v12;
	v8 =	vld [tilespmem:s20+$0xFFFFFF50]  }
0x109: {  	v9 =	vmul.f32 v9, v12;
	v13 =	vld [tilespmem:s20+$0xFFFFFF60]  }
0x10a: {  	[tilespmem:s20+$0xFFFFFF00] =	vst v5;
	v5 =	vmul.f32 v6, v12;
	v6 =	vld [tilespmem:s20+$0xFFFFFF70]  }
0x10b: {  	[tilespmem:s20+$0xFFFFFF10] =	vst v9;
	v7 =	vmul.f32 v7, v12;
	v9 =	vld [tilespmem:s20+$0xFFFFFF80]  }
0x10c: {  	[tilespmem:s20+$0xFFFFFF20] =	vst v5;
	v5 =	vmul.f32 v11, v12;
	v11 =	vld [tilespmem:s20+$0xFFFFFF90]  }
0x10d: {  	[tilespmem:s20+$0xFFFFFF30] =	vst v7;
	v7 =	vmul.f32 v8, v12;
	v8 =	vld [tilespmem:s20+$0xFFFFFFA0]  }
0x10e: {  	[tilespmem:s20+$0xFFFFFF40] =	vst v5;
	v5 =	vmul.f32 v13, v12;
	v13 =	vld [tilespmem:s20+$0xFFFFFFB0]  }
0x10f: {  	[tilespmem:s20+$0xFFFFFF50] =	vst v7;
	v6 =	vmul.f32 v6, v12;
	v7 =	vld [tilespmem:s20+$0xFFFFFFC0]  }
0x110: {  	[tilespmem:s20+$0xFFFFFF60] =	vst v5;
	v5 =	vmul.f32 v9, v10;
	v12 =	vld [tilespmem:s20+$0xFFFFFFD0]  }
0x111: {  	[tilespmem:s20+$0xFFFFFF70] =	vst v6;
	v6 =	vmul.f32 v11, v10;
	v11 =	vld [tilespmem:s20+$0xFFFFFFE0]  }
0x112: {  	[tilespmem:s20+$0xFFFFFF80] =	vst v5;
	v5 =	vmul.f32 v8, v10;
	v14 =	vld [tilespmem:s20+$0xFFFFFFF0]  }
.Ltmp3:
0x113: {  	[tilespmem:s20+$0xFFFFFF90] =	vst v6;
	v6 =	vmul.f32 v13, v10;
	v9 =	vld [tilespmem:s20+$0x0];
	(pc) =	sbr.rel @p0 .LBB2_9-.Ltmp3, $4  }
0x114: {  	[tilespmem:s20+$0xFFFFFFA0] =	vst v5;
	v5 =	vmul.f32 v7, v10;
	v8 =	vld [tilespmem:s20+$0x10]  }
0x115: {  	[tilespmem:s20+$0xFFFFFFB0] =	vst v6;
	v6 =	vmul.f32 v12, v10;
	v7 =	vld [tilespmem:s20+$0x20]  }
0x116: {  	[tilespmem:s20+$0xFFFFFFC0] =	vst v5;
	v11 =	vmul.f32 v11, v10;
	v5 =	vld [tilespmem:s20+$0x30]  }
0x117: {  	[tilespmem:s20+$0xFFFFFFD0] =	vst v6;
	v10 =	vmul.f32 v14, v10;
	v6 =	vld [tilespmem:s20+$0x40]  }
0x118: {  	v12 =	vld [tilespmem:s20+$0x50]  }
0x119: {  	[tilespmem:s20+$0xFFFFFFE0] =	vst v11;
	v9 =	vmul.f32 v9, v3;
	v51 =	vld [tilespmem:s20+$0x60]  }
0x11a: {  	v52 =	vld [tilespmem:s20+$0x80];
	[tilespmem:s20+$0xFFFFFFF0] =	vst v10;
	v8 =	vmul.f32 v8, v3  }
0x11b: {  	v53 =	vld [tilespmem:s20+$0x90];
	[tilespmem:s20+$0x0] =	vst v9;
	v7 =	vmul.f32 v7, v3  }
0x11c: {  	v55 =	vld [tilespmem:s20+$0xB0];
	[tilespmem:s20+$0x10] =	vst v8;
	v5 =	vmul.f32 v5, v3  }
0x11d: {  	v13 =	vld [tilespmem:s20+$0xC0];
	[tilespmem:s20+$0x20] =	vst v7;
	v6 =	vmul.f32 v6, v3  }
0x11e: {  	v54 =	vld [tilespmem:s20+$0xA0];
	v12 =	vmul.f32 v12, v3;
	[tilespmem:s20+$0x30] =	vst v5  }
0x11f: {  	v58 =	vld [tilespmem:s20+$0xE0];
	v57 =	vmul.f32 v52, v4;
	[tilespmem:s20+$0x40] =	vst v6  }
0x120: {  	v56 =	vld [tilespmem:s20+$0xD0];
	v9 =	vmul.f32 v53, v4;
	[tilespmem:s20+$0x50] =	vst v12  }
0x121: {  	v59 =	vld [tilespmem:s20+$0xF0];
	v60 =	vmul.f32 v55, v4;
	[tilespmem:s21+$0x80] =	vst v57  }
0x122: {  	v61 =	vmul.f32 v13, v4;
	[tilespmem:s21+$0x90] =	vst v9  }
0x123: {  	v3 =	vmul.f32 v51, v3;
	[tilespmem:s21+$0xB0] =	vst v60  }
0x124: {  	v62 =	vmul.f32 v58, v4;
	[tilespmem:s21+$0xC0] =	vst v61  }
0x125: {  	[tilespmem:s21+$0x60] =	vst v3;
	v3 =	vmul.f32 v54, v4  }
0x126: {  	v63 =	vmul.f32 v59, v4;
	[tilespmem:s21+$0xE0] =	vst v62  }
0x127: {  	[tilespmem:s21+$0xA0] =	vst v3;
	v3 =	vmul.f32 v56, v4  }
0x128: {  	s5 =	sadd.s32 $0x1, s5;
	[tilespmem:s21+$0xF0] =	vst v63  }
0x129: {  	s7 =	sadd.s32 $0x8000, s7;
	p0 =	sne.s32 s5, $0x3E;
	[tilespmem:s21+$0xD0] =	vst v3  }
0x12a: {  	[spmem:s3] =	stream.indirect.scatter.add.f32 [tilespmem:s2], [sflag:$0x4], $0x80, s7, s30, $0xb8;
	[tilespmem:$0x1F780] =	vst v63  }
.Ltmp4:
0x12b: {  	_ = 	snop;
	(pc) =	sbr.rel @p0 .LBB2_6-.Ltmp4, $4  }
0x12c: {  	_ =	swait.ge [sflag:s26], $0x2800  }
0x12d: {  	[sflag:s26] =	ssyncset.done $0x0  }
0x12e: {  	s22 =	sadd.s32 $0x100, s19;
	s6 =	sadd.s32 $0xA0, s6;
	[sflag:s26] =	ssyncadd.s32 $0xFFFFD800  }
0x12f: {  	[tilespmem:s31], [sflag:$0x1] =	stream.indirect.gather [hbm4b:s1+s30], $0x80, s22, s30, $0xb8;
	[tilespmem:$0x1F780] =	vst v63  }
0x130: {  	s5 =	simm.s32 $0x26C0  }
0x131: {  	s21 =	simm.s32 $0x26C2;
	v3 =	vmov s5  }
0x132: {  	_ =	swait.ge [sflag:s0], $0x2800;
	v4 =	vmov s21;
	v3 =	vand.u32 $0xFFFFFFFC, v3  }
0x133: {  	[sflag:s0] =	ssyncset.done $0x0;
	v4 =	vand.u32 $0xFFFFFFFE, v4;
	v3 =	vbroadcast v3, $0x0  }
0x134: {  	[sflag:s0] =	ssyncadd.s32 $0xFFFFD800;
	v4 =	vbroadcast v4, $0x0  }
0x135: {  	_ =	swait.ge [sflag:s24], $0x2800  }
0x136: {  	[sflag:s24] =	ssyncset.done $0x0  }
0x137: {  	s5 =	simm.s32 $0xE880;
	[sflag:s24] =	ssyncadd.s32 $0xFFFFD800  }
0x138: {  	v6 =	vld [tilespmem:s5+$0x70]  }
0x139: {  	s6 =	simm.s32 $0x26C1;
	v5 =	vld.idx.msk [tilespmem:v3+s28+$0x0], $0xffff  }
0x13a: {  	v3 =	vld.idx.msk [tilespmem:v4+s28+$0x0], $0xffff;
	v4 =	vmov s6  }
0x13b: {  	v7 =	vld [tilespmem:s5+$0xFFFFFF00];
	v4 =	vand.u32 $0xFFFFFFFD, v4  }
0x13c: {  	v8 =	vld [tilespmem:s5+$0xFFFFFF10];
	v4 =	vbroadcast v4, $0x0  }
0x13d: {  	v9 =	vld [tilespmem:s5+$0xFFFFFF20]  }
0x13e: {  	v10 =	vld [tilespmem:s5+$0xFFFFFF30]  }
0x13f: {  	v11 =	vld [tilespmem:s5+$0xFFFFFF40]  }
0x140: {  	v12 =	vld [tilespmem:s5+$0xFFFFFF50]  }
0x141: {  	v13 =	vld [tilespmem:s5+$0xFFFFFF60];
	v7 =	vmul.f32 v7, v5  }
0x142: {  	v14 =	vld.idx.msk [tilespmem:v4+s28+$0x0], $0xffff;
	v4 =	vmul.f32 v6, v3  }
0x143: {  	v61 =	vld [tilespmem:s5+$0xFFFFFFB0];
	[tilespmem:s5+$0xFFFFFF00] =	vst v7;
	v6 =	vmul.f32 v8, v5  }
0x144: {  	v8 =	vld [tilespmem:s5+$0xFFFFFF80];
	[tilespmem:s5+$0x70] =	vst v4;
	v4 =	vmul.f32 v9, v5  }
0x145: {  	s22 =	simm.s32 $0x26C3;
	v7 =	vld [tilespmem:s5+$0xFFFFFF70];
	[tilespmem:s5+$0xFFFFFF10] =	vst v6;
	v6 =	vmul.f32 v10, v5  }
0x146: {  	v9 =	vld [tilespmem:s5+$0xFFFFFF90];
	v10 =	vmov s22;
	[tilespmem:s5+$0xFFFFFF20] =	vst v4;
	v4 =	vmul.f32 v11, v5  }
0x147: {  	v11 =	vld [tilespmem:s5+$0xFFFFFFA0];
	[tilespmem:s5+$0xFFFFFF30] =	vst v6;
	v6 =	vmul.f32 v12, v5  }
0x148: {  	v62 =	vld [tilespmem:s5+$0xFFFFFFC0];
	[tilespmem:s5+$0xFFFFFF40] =	vst v4;
	v4 =	vmul.f32 v13, v5  }
0x149: {  	[tilespmem:s5+$0xFFFFFF50] =	vst v6;
	v6 =	vmul.f32 v8, v14;
	v8 =	vld [tilespmem:s5+$0xFFFFFFD0]  }
0x14a: {  	v5 =	vmul.f32 v7, v5;
	v7 =	vld [tilespmem:s5+$0xFFFFFFE0];
	[tilespmem:s5+$0xFFFFFF60] =	vst v4  }
0x14b: {  	v9 =	vmul.f32 v9, v14;
	v4 =	vld.idx.msk [tilespmem:v10+s28+$0x0], $0xffff;
	[tilespmem:s5+$0xFFFFFF80] =	vst v6  }
0x14c: {  	[tilespmem:s5+$0xFFFFFF70] =	vst v5;
	v10 =	vld [tilespmem:s5+$0xFFFFFFF0];
	v5 =	vmul.f32 v11, v14  }
0x14d: {  	v63 =	vld [tilespmem:s5+$0x0];
	v6 =	vmul.f32 v61, v14;
	[tilespmem:s5+$0xFFFFFF90] =	vst v9  }
0x14e: {  	v9 =	vld [tilespmem:s5+$0x10];
	[tilespmem:s5+$0xFFFFFFA0] =	vst v5;
	v5 =	vmul.f32 v62, v14  }
0x14f: {  	[tilespmem:s5+$0xFFFFFFB0] =	vst v6;
	v6 =	vmul.f32 v8, v14;
	v8 =	vld [tilespmem:s5+$0x20]  }
0x150: {  	[tilespmem:s5+$0xFFFFFFC0] =	vst v5;
	v5 =	vmul.f32 v7, v14;
	v7 =	vld [tilespmem:s5+$0x30]  }
0x151: {  	[tilespmem:s5+$0xFFFFFFD0] =	vst v6;
	v6 =	vld [tilespmem:s5+$0x40];
	v11 =	vmul.f32 v10, v14  }
0x152: {  	s7 =	simm.s32 $0x0;
	s6 =	simm.s32 $0xE880;
	v10 =	vmul.f32 v63, v3;
	[tilespmem:s5+$0xFFFFFFE0] =	vst v5;
	v5 =	vld [tilespmem:s5+$0x50]  }
.LBB2_12:
0x153: {  	s9 =	sadd.s32 $0x26C7, s7;
	[tilespmem:s5+$0xFFFFFFF0] =	vst v11;
	v9 =	vmul.f32 v9, v3;
	v11 =	vld [tilespmem:s5+$0x60]  }
0x154: {  	s10 =	sadd.s32 $0x26C4, s7;
	s11 =	sadd.s32 $0x26C5, s7;
	v12 =	vmov s9;
	[tilespmem:s5+$0x0] =	vst v10;
	v8 =	vmul.f32 v8, v3;
	v10 =	vld [tilespmem:s5+$0x80]  }
0x155: {  	v13 =	vmov s10;
	v14 =	vmov s11;
	[tilespmem:s5+$0x10] =	vst v9;
	v7 =	vmul.f32 v7, v3;
	v9 =	vld [tilespmem:s5+$0x90]  }
0x156: {  	s9 =	sadd.s32 $0x26C6, s7;
	s7 =	sadd.s32 $0x4, s7;
	v13 =	vand.u32 $0xFFFFFFFC, v13;
	v14 =	vand.u32 $0xFFFFFFFD, v14;
	[tilespmem:s5+$0x20] =	vst v8;
	v6 =	vmul.f32 v6, v3;
	v8 =	vld [tilespmem:s5+$0xA0]  }
0x157: {  	v15 =	vmov s9;
	p0 =	slt.u32 s7, $0x4C;
	v13 =	vbroadcast v13, $0x0;
	[tilespmem:s5+$0x30] =	vst v7;
	v5 =	vmul.f32 v5, v3;
	v7 =	vld [tilespmem:s5+$0xB0]  }
0x158: {  	v14 =	vbroadcast v14, $0x0;
	v15 =	vand.u32 $0xFFFFFFFE, v15;
	[tilespmem:s5+$0x40] =	vst v6;
	v3 =	vmul.f32 v11, v3;
	v6 =	vld [tilespmem:s5+$0xC0]  }
0x159: {  	v11 =	vbroadcast v15, $0x0;
	[tilespmem:s5+$0x50] =	vst v5;
	v5 =	vmul.f32 v10, v4;
	v10 =	vld [tilespmem:s5+$0xD0]  }
0x15a: {  	[tilespmem:s5+$0x60] =	vst v3;
	v3 =	vmul.f32 v9, v4;
	v9 =	vld [tilespmem:s5+$0xE0]  }
0x15b: {  	[tilespmem:s5+$0x80] =	vst v5;
	v5 =	vmul.f32 v8, v4;
	v8 =	vld [tilespmem:s5+$0xF0]  }
0x15c: {  	v12 =	vld.idx.msk [tilespmem:v12+s28+$0x0], $0xffff;
	[tilespmem:s5+$0x90] =	vst v3;
	v3 =	vmul.f32 v7, v4  }
0x15d: {  	v7 =	vld.idx.msk [tilespmem:v13+s28+$0x0], $0xffff;
	[tilespmem:s5+$0xA0] =	vst v5;
	v5 =	vmul.f32 v6, v4  }
0x15e: {  	v6 =	vld.idx.msk [tilespmem:v14+s28+$0x0], $0xffff;
	[tilespmem:s5+$0xB0] =	vst v3;
	v10 =	vmul.f32 v10, v4  }
0x15f: {  	s5 =	sadd.s32 $0x200, s5;
	v3 =	vld.idx.msk [tilespmem:v11+s28+$0x0], $0xffff;
	[tilespmem:s6+$0xC0] =	vst v5;
	v5 =	vmul.f32 v9, v4  }
0x160: {  	v9 =	vld [tilespmem:s5+$0x70];
	[tilespmem:s6+$0xD0] =	vst v10;
	v10 =	vmul.f32 v8, v4  }
0x161: {  	v8 =	vld [tilespmem:s5+$0xFFFFFF00];
	[tilespmem:s6+$0xE0] =	vst v5  }
0x162: {  	v4 =	vmov v12;
	v5 =	vld [tilespmem:s5+$0xFFFFFF10];
	[tilespmem:s6+$0xF0] =	vst v10;
	s6 =	smov.u32 s5  }
0x163: {  	v10 =	vld [tilespmem:s5+$0xFFFFFF20]  }
0x164: {  	v11 =	vld [tilespmem:s5+$0xFFFFFF30]  }
0x165: {  	v12 =	vld [tilespmem:s5+$0xFFFFFF40];
	v9 =	vmul.f32 v9, v3  }
0x166: {  	v8 =	vmul.f32 v8, v7;
	v13 =	vld [tilespmem:s5+$0xFFFFFF50]  }
0x167: {  	v5 =	vmul.f32 v5, v7;
	v14 =	vld [tilespmem:s5+$0xFFFFFF60];
	[tilespmem:s5+$0x70] =	vst v9  }
0x168: {  	[tilespmem:s5+$0xFFFFFF00] =	vst v8;
	v8 =	vmul.f32 v10, v7;
	v9 =	vld [tilespmem:s5+$0xFFFFFF70]  }
0x169: {  	[tilespmem:s5+$0xFFFFFF10] =	vst v5;
	v5 =	vmul.f32 v11, v7;
	v10 =	vld [tilespmem:s5+$0xFFFFFF80]  }
0x16a: {  	[tilespmem:s5+$0xFFFFFF20] =	vst v8;
	v8 =	vmul.f32 v12, v7;
	v11 =	vld [tilespmem:s5+$0xFFFFFF90]  }
0x16b: {  	[tilespmem:s5+$0xFFFFFF30] =	vst v5;
	v5 =	vmul.f32 v13, v7;
	v12 =	vld [tilespmem:s5+$0xFFFFFFA0]  }
0x16c: {  	[tilespmem:s5+$0xFFFFFF40] =	vst v8;
	v8 =	vmul.f32 v14, v7;
	v13 =	vld [tilespmem:s5+$0xFFFFFFB0]  }
0x16d: {  	[tilespmem:s5+$0xFFFFFF50] =	vst v5;
	v5 =	vmul.f32 v9, v7;
	v7 =	vld [tilespmem:s5+$0xFFFFFFC0]  }
0x16e: {  	[tilespmem:s5+$0xFFFFFF60] =	vst v8;
	v8 =	vmul.f32 v10, v6;
	v10 =	vld [tilespmem:s5+$0xFFFFFFD0]  }
0x16f: {  	[tilespmem:s5+$0xFFFFFF70] =	vst v5;
	v5 =	vmul.f32 v11, v6;
	v11 =	vld [tilespmem:s5+$0xFFFFFFE0]  }
0x170: {  	[tilespmem:s5+$0xFFFFFF80] =	vst v8;
	v8 =	vmul.f32 v12, v6;
	v12 =	vld [tilespmem:s5+$0xFFFFFFF0]  }
0x171: {  	[tilespmem:s5+$0xFFFFFF90] =	vst v5;
	v5 =	vmul.f32 v13, v6;
	v13 =	vld [tilespmem:s5+$0x0]  }
.Ltmp5:
0x172: {  	[tilespmem:s5+$0xFFFFFFA0] =	vst v8;
	v7 =	vmul.f32 v7, v6;
	v9 =	vld [tilespmem:s5+$0x10];
	(pc) =	sbr.rel @p0 .LBB2_12-.Ltmp5, $4  }
0x173: {  	[tilespmem:s5+$0xFFFFFFB0] =	vst v5;
	v5 =	vmul.f32 v10, v6;
	v8 =	vld [tilespmem:s5+$0x20]  }
0x174: {  	[tilespmem:s5+$0xFFFFFFC0] =	vst v7;
	v10 =	vmul.f32 v11, v6;
	v7 =	vld [tilespmem:s5+$0x30]  }
0x175: {  	[tilespmem:s5+$0xFFFFFFD0] =	vst v5;
	v11 =	vmul.f32 v12, v6;
	v6 =	vld [tilespmem:s5+$0x40]  }
0x176: {  	[tilespmem:s5+$0xFFFFFFE0] =	vst v10;
	v10 =	vmul.f32 v13, v3;
	v5 =	vld [tilespmem:s5+$0x50]  }
0x177: {  	[tilespmem:s5+$0xFFFFFFF0] =	vst v11;
	v9 =	vmul.f32 v9, v3;
	v11 =	vld [tilespmem:s5+$0x80]  }
0x178: {  	v12 =	vld [tilespmem:s5+$0x60];
	[tilespmem:s5+$0x0] =	vst v10;
	v8 =	vmul.f32 v8, v3  }
0x179: {  	v10 =	vld [tilespmem:s5+$0x90];
	[tilespmem:s5+$0x10] =	vst v9;
	v7 =	vmul.f32 v7, v3  }
0x17a: {  	v9 =	vld [tilespmem:s5+$0xA0];
	[tilespmem:s5+$0x20] =	vst v8;
	v6 =	vmul.f32 v6, v3  }
0x17b: {  	v8 =	vld [tilespmem:s5+$0xB0];
	[tilespmem:s5+$0x30] =	vst v7;
	v5 =	vmul.f32 v5, v3  }
0x17c: {  	v7 =	vld [tilespmem:s5+$0xC0];
	[tilespmem:s5+$0x40] =	vst v6;
	v6 =	vmul.f32 v11, v4  }
0x17d: {  	v11 =	vld [tilespmem:s5+$0xD0];
	v3 =	vmul.f32 v12, v3;
	[tilespmem:s5+$0x50] =	vst v5  }
0x17e: {  	v5 =	vld [tilespmem:s5+$0xE0];
	v10 =	vmul.f32 v10, v4;
	[tilespmem:s5+$0x80] =	vst v6  }
0x17f: {  	[tilespmem:s5+$0x60] =	vst v3;
	v3 =	vmul.f32 v9, v4;
	v6 =	vld [tilespmem:s5+$0xF0]  }
0x180: {  	[tilespmem:s5+$0x90] =	vst v10;
	v8 =	vmul.f32 v8, v4  }
0x181: {  	[tilespmem:s5+$0xA0] =	vst v3;
	v3 =	vmul.f32 v7, v4  }
0x182: {  	[tilespmem:s5+$0xB0] =	vst v8;
	v7 =	vmul.f32 v11, v4  }
0x183: {  	[tilespmem:s6+$0xC0] =	vst v3;
	v3 =	vmul.f32 v5, v4  }
0x184: {  	[tilespmem:s6+$0xD0] =	vst v7;
	v4 =	vmul.f32 v6, v4  }
0x185: {  	[tilespmem:s6+$0xE0] =	vst v3  }
0x186: {  	s19 =	simm.s32 $0xBE00;
	[tilespmem:s6+$0xF0] =	vst v4  }
0x187: {  	[spmem:s3] =	stream.indirect.scatter.add.f32 [tilespmem:s31], [sflag:$0x5], $0x80, s19, s30, $0xb8;
	[tilespmem:$0x1F780] =	vst v63  }
0x188: {  	_ =	swait.ge [sflag:s23], $0x2800  }
0x189: {  	[sflag:s23] =	ssyncset.done $0x0  }
0x18a: {  	[sflag:s23] =	ssyncadd.s32 $0xFFFFD800  }
0x18b: {  	s20 =	stileid.u32;
	[bflag:$0x0] =	sbarrier.arrive $0xFFFF  }
0x18c: {  	s5 =	sshll.u32 s20, $0x6;
	s21 =	rddreg [dreg:$0xd]  }
0x18d: {  	s6 =	sor.u32 $0x1C05, s5;
	s22 =	rddreg [dreg:$0xc];
	s7 =	sshrl.u32 s21, $0x3  }
0x18e: {  	[hbm:s22], [sflag:s6] =	dma.local [spmem:s7], $0x1400  }
0x18f: {  	_ =	swait.ge [sflag:s23], $0x1400  }
0x190: {  	[sflag:s23] =	ssyncset.done $0x0  }
0x191: {  	[sflag:s23] =	ssyncadd.s32 $0xFFFFEC00  }
0x192: {  	s9 =	simm.s32 $0x0;
	[bflag:$0x0] =	sbarrier.arrive $0xFFFF  }
0x193: {  	v3 =	vld [tilespmem:s9+$0x4040]  }
0x194: {  	v4 =	vld [tilespmem:s9+$0x4000]  }
0x195: {  	v7 =	vld [tilespmem:s9+$0x4020]  }
0x196: {  	v8 =	vld [tilespmem:s9+$0x4030]  }
0x197: {  	v6 =	vld [tilespmem:s9+$0x4010]  }
0x198: {  	s5 =	simm.s32 $0x80;
	v5 =	vadd.s32 $0xFFFFD800, v3  }
0x199: {  	v10 =	vld [tilespmem:s5+$0x4040];
	v3 =	vadd.s32 $0xFFFFEC00, v3;
	vm0 =	vlt.u32 v5, $0xFFFFEC00  }
0x19a: {  	v9 =	vadd.s32 $0xFFFFD800, v4;
	v11 =	vadd.s32 $0xFFFFEC00, v4;
	v5 =	vsel vm0, v0, v3  }
0x19b: {  	v4 =	vadd.s32 $0xFFFFD800, v7;
	v7 =	vadd.s32 $0xFFFFEC00, v7;
	v63 =	vadd.s32 $0xFFFFEC00, v8;
	v3 =	vld [tilespmem:s5+$0x4000];
	[tilespmem:s9+$0x8040] =	vst v5  }
0x19c: {  	vm1 =	vlt.u32 v9, $0xFFFFEC00;
	v9 =	vadd.s32 $0xFFFFD800, v6;
	vm2 =	vlt.u32 v4, $0xFFFFEC00;
	v5 =	vld [tilespmem:s5+$0x4010]  }
0x19d: {  	vm0 =	vlt.u32 v9, $0xFFFFEC00;
	v9 =	vadd.s32 $0xFFFFEC00, v6;
	v6 =	vadd.s32 $0xFFFFD800, v8;
	v4 =	vld [tilespmem:s5+$0x4020]  }
0x19e: {  	v14 =	vadd.s32 $0xFFFFD800, v10;
	v11 =	vsel vm1, v0, v11;
	vm3 =	vlt.u32 v6, $0xFFFFEC00;
	v6 =	vld [tilespmem:s5+$0x4030]  }
0x19f: {  	v10 =	vadd.s32 $0xFFFFEC00, v10;
	v8 =	vsel vm2, v0, v7;
	v13 =	vsel vm0, v1, v9;
	[tilespmem:s9+$0x8000] =	vst v11  }
0x1a0: {  	s10 =	simm.s32 $0x100;
	s19 =	simm.s32 $0x600;
	vm0 =	vlt.u32 v14, $0xFFFFEC00;
	v7 =	vsel vm3, v1, v63;
	[tilespmem:s9+$0x8010] =	vst v13;
	v9 =	vadd.s32 $0xFFFFD800, v3  }
.LBB2_14:
0x1a1: {  	p0 =	sne.s32 s19, $0xF800;
	v11 =	vld [tilespmem:s10+$0x4040];
	vm1 =	vlt.u32 v9, $0xFFFFEC00;
	v9 =	vadd.s32 $0xFFFFD800, v5;
	v10 =	vsel vm0, v0, v10;
	[tilespmem:s9+$0x8020] =	vst v8  }
0x1a2: {  	v8 =	vadd.s32 $0xFFFFEC00, v3;
	v3 =	vld [tilespmem:s10+$0x4000];
	vm0 =	vlt.u32 v9, $0xFFFFEC00;
	v9 =	vadd.s32 $0xFFFFD800, v4;
	[tilespmem:s5+$0x8040] =	vst v10  }
.Ltmp6:
0x1a3: {  	v10 =	vadd.s32 $0xFFFFEC00, v5;
	v5 =	vld [tilespmem:s10+$0x4010];
	vm2 =	vlt.u32 v9, $0xFFFFEC00;
	v9 =	vadd.s32 $0xFFFFD800, v6;
	[tilespmem:s9+$0x8030] =	vst v7;
	s9 =	smov.u32 s5;
	s5 =	smov.u32 s10;
	(pc) =	sbr.rel @p0 .LBB2_14-.Ltmp6, $4  }
0x1a4: {  	v7 =	vadd.s32 $0xFFFFEC00, v4;
	v12 =	vadd.s32 $0xFFFFEC00, v6;
	v4 =	vld [tilespmem:s5+$0x4020];
	vm3 =	vlt.u32 v9, $0xFFFFEC00  }
0x1a5: {  	v13 =	vsel vm0, v1, v10;
	v9 =	vsel vm1, v0, v8;
	v8 =	vsel vm2, v0, v7;
	v6 =	vld [tilespmem:s5+$0x4030]  }
0x1a6: {  	v7 =	vsel vm3, v1, v12;
	v14 =	vadd.s32 $0xFFFFD800, v11;
	[tilespmem:s9+$0x8000] =	vst v9  }
0x1a7: {  	s10 =	sshra.s32 s19, $0x2;
	s19 =	sadd.s32 $0x200, s19;
	v10 =	vadd.s32 $0xFFFFEC00, v11;
	v9 =	vadd.s32 $0xFFFFD800, v3;
	vm0 =	vlt.u32 v14, $0xFFFFEC00;
	[tilespmem:s9+$0x8010] =	vst v13  }
0x1a8: {  	v11 =	vld [tilespmem:s10+$0x4040];
	[tilespmem:s9+$0x8020] =	vst v8;
	v44 =	vsel vm0, v0, v10;
	vm10 =	vlt.u32 v9, $0xFFFFEC00  }
0x1a9: {  	v46 =	vadd.s32 $0xFFFFD800, v5;
	v3 =	vadd.s32 $0xFFFFEC00, v3;
	v48 =	vadd.s32 $0xFFFFEC00, v5;
	v45 =	vld [tilespmem:s10+$0x4000];
	[tilespmem:s5+$0x8040] =	vst v44  }
0x1aa: {  	v47 =	vadd.s32 $0xFFFFD800, v4;
	vm1 =	vlt.u32 v46, $0xFFFFEC00;
	v51 =	vadd.s32 $0xFFFFEC00, v4;
	v12 =	vld [tilespmem:s10+$0x4010];
	[tilespmem:s9+$0x8030] =	vst v7  }
0x1ab: {  	v3 =	vsel vm10, v0, v3;
	vm2 =	vlt.u32 v47, $0xFFFFEC00;
	v49 =	vadd.s32 $0xFFFFD800, v6;
	v50 =	vld [tilespmem:s10+$0x4020]  }
0x1ac: {  	v52 =	vadd.s32 $0xFFFFEC00, v6;
	v5 =	vsel vm1, v1, v48;
	vm3 =	vlt.u32 v49, $0xFFFFEC00;
	v53 =	vld [tilespmem:s10+$0x4030]  }
0x1ad: {  	v4 =	vsel vm2, v0, v51;
	[tilespmem:s5+$0x8000] =	vst v3;
	v3 =	vsel vm3, v1, v52;
	v54 =	vadd.s32 $0xFFFFD800, v11  }
0x1ae: {  	[tilespmem:s5+$0x8010] =	vst v5;
	v11 =	vadd.s32 $0xFFFFEC00, v11;
	v55 =	vadd.s32 $0xFFFFD800, v45;
	vm11 =	vlt.u32 v54, $0xFFFFEC00  }
0x1af: {  	[tilespmem:s5+$0x8020] =	vst v4;
	v58 =	vadd.s32 $0xFFFFEC00, v45;
	v56 =	vadd.s32 $0xFFFFD800, v12;
	v57 =	vsel vm11, v0, v11  }
0x1b0: {  	vm12 =	vlt.u32 v55, $0xFFFFEC00;
	v60 =	vadd.s32 $0xFFFFEC00, v12;
	vm13 =	vlt.u32 v56, $0xFFFFEC00;
	[tilespmem:s10+$0x8040] =	vst v57  }
0x1b1: {  	v59 =	vadd.s32 $0xFFFFD800, v50;
	v61 =	vadd.s32 $0xFFFFD800, v53;
	[tilespmem:s5+$0x8030] =	vst v3;
	v3 =	vsel vm12, v0, v58  }
0x1b2: {  	v62 =	vadd.s32 $0xFFFFEC00, v50;
	vm14 =	vlt.u32 v59, $0xFFFFEC00;
	v6 =	vsel vm13, v1, v60;
	[tilespmem:s10+$0x8000] =	vst v3  }
0x1b3: {  	vm15 =	vlt.u32 v61, $0xFFFFEC00;
	v3 =	vadd.s32 $0xFFFFEC00, v53;
	v63 =	vsel vm14, v0, v62;
	[tilespmem:s10+$0x8010] =	vst v6  }
0x1b4: {  	v3 =	vsel vm15, v1, v3;
	[tilespmem:s10+$0x8020] =	vst v63  }
0x1b5: {  	[tilespmem:s10+$0x8030] =	vst v3  }
0x1b6: {  	[spmem:s8] =	stream.linear.scatter [tilespmem:s29], [sflag:$0x5], $0x1000, $0x38;
	[tilespmem:$0x1F780] =	vst v63  }
0x1b7: {  	_ =	swait.ge [sflag:s23], $0x1000  }
0x1b8: {  	[sflag:s23] =	ssyncset.done $0x0  }
0x1b9: {  	[sflag:s23] =	ssyncadd.s32 $0xFFFFF000  }
0x1ba: {  	[spmem:s12] =	stream.linear.scatter [tilespmem:s29], [sflag:$0x5], $0x1000, $0x38;
	[tilespmem:$0x1F780] =	vst v63  }
0x1bb: {  	_ =	swait.ge [sflag:s23], $0x1000  }
0x1bc: {  	[sflag:s23] =	ssyncset.done $0x0  }
0x1bd: {  	[sflag:s23] =	ssyncadd.s32 $0xFFFFF000  }
0x1be: {  	[spmem:s13] =	stream.linear.scatter [tilespmem:s29], [sflag:$0x5], $0x1000, $0x38;
	[tilespmem:$0x1F780] =	vst v63  }
0x1bf: {  	_ =	swait.ge [sflag:s23], $0x1000  }
0x1c0: {  	[sflag:s23] =	ssyncset.done $0x0  }
0x1c1: {  	s15 =	smov.u32 s13;
	s13 =	rddreg [dreg:$0x7];
	[sflag:s23] =	ssyncadd.s32 $0xFFFFF000  }
0x1c2: {  	[spmem:s13] =	stream.linear.scatter [tilespmem:s29], [sflag:$0x5], $0x1000, $0x38;
	[tilespmem:$0x1F780] =	vst v63  }
0x1c3: {  	_ =	swait.ge [sflag:s23], $0x1000  }
0x1c4: {  	[sflag:s23] =	ssyncset.done $0x0  }
0x1c5: {  	s19 =	rddreg [dreg:$0x8];
	[sflag:s23] =	ssyncadd.s32 $0xFFFFF000  }
0x1c6: {  	[spmem:s19] =	stream.linear.scatter [tilespmem:s29], [sflag:$0x5], $0x1000, $0x38;
	[tilespmem:$0x1F780] =	vst v63  }
0x1c7: {  	_ =	swait.ge [sflag:s23], $0x1000  }
0x1c8: {  	[sflag:s23] =	ssyncset.done $0x0  }
0x1c9: {  	s20 =	rddreg [dreg:$0x9];
	[sflag:s23] =	ssyncadd.s32 $0xFFFFF000  }
0x1ca: {  	[spmem:s20] =	stream.linear.scatter [tilespmem:s29], [sflag:$0x5], $0x1000, $0x38;
	[tilespmem:$0x1F780] =	vst v63  }
0x1cb: {  	_ =	swait.ge [sflag:s23], $0x1000  }
0x1cc: {  	[sflag:s23] =	ssyncset.done $0x0  }
0x1cd: {  	s21 =	rddreg [dreg:$0xa];
	[sflag:s23] =	ssyncadd.s32 $0xFFFFF000  }
0x1ce: {  	[spmem:s21] =	stream.linear.scatter [tilespmem:s29], [sflag:$0x5], $0x1000, $0x38;
	[tilespmem:$0x1F780] =	vst v63  }
0x1cf: {  	_ =	swait.ge [sflag:s23], $0x1000  }
0x1d0: {  	[sflag:s23] =	ssyncset.done $0x0  }
0x1d1: {  	s22 =	rddreg [dreg:$0xb];
	[sflag:s23] =	ssyncadd.s32 $0xFFFFF000  }
0x1d2: {  	[spmem:s22] =	stream.linear.scatter [tilespmem:s29], [sflag:$0x5], $0x1000, $0x38;
	[tilespmem:$0x1F780] =	vst v63  }
0x1d3: {  	_ =	swait.ge [sflag:s23], $0x1000  }
0x1d4: {  	[sflag:s23] =	ssyncset.done $0x0  }
0x1d5: {  	[sflag:s23] =	ssyncadd.s32 $0xFFFFF000  }
0x1d6: {  	[spmem:s16] =	stream.linear.scatter [tilespmem:s29], [sflag:$0x5], $0x1000, $0x38;
	[tilespmem:$0x1F780] =	vst v63  }
0x1d7: {  	_ =	swait.ge [sflag:s23], $0x1000  }
0x1d8: {  	[sflag:s23] =	ssyncset.done $0x0  }
0x1d9: {  	[sflag:s23] =	ssyncadd.s32 $0xFFFFF000  }
0x1da: {  	[spmem:s17] =	stream.linear.scatter [tilespmem:s29], [sflag:$0x5], $0x1000, $0x38;
	[tilespmem:$0x1F780] =	vst v63  }
0x1db: {  	_ =	swait.ge [sflag:s23], $0x1000  }
0x1dc: {  	[sflag:s23] =	ssyncset.done $0x0  }
0x1dd: {  	[sflag:s23] =	ssyncadd.s32 $0xFFFFF000  }
0x1de: {  	[spmem:s18] =	stream.linear.scatter [tilespmem:s29], [sflag:$0x5], $0x1000, $0x38;
	[tilespmem:$0x1F780] =	vst v63  }
0x1df: {  	_ =	swait.ge [sflag:s23], $0x1000  }
0x1e0: {  	[sflag:s23] =	ssyncset.done $0x0  }
0x1e1: {  	s14 =	smov.u32 s12;
	[sflag:s23] =	ssyncadd.s32 $0xFFFFF000  }
0x1e2: {  	s5 =	simm.s32 $0x0;
	s19 =	simm.s32 $0x0;
	[bflag:$0x0] =	sbarrier.arrive $0xFFFF  }
0x1e3: {  	[tilespmem:s31], [sflag:$0x1] =	stream.indirect.gather [hbm4b:s1+s30], $0x80, s5, s30, $0xb8;
	[tilespmem:$0x1F780] =	vst v63  }
.LBB2_16:
0x1e4: {  	p0 =	seq.s32 s19, $0x0  }
0x1e5: {  	s11 =	simm.s32 @!p0 $0x4  }
0x1e6: {  	s9 =	sadd.s32 $0xFFFFFFFC, s5;
	_ =	swait.ge @!p0 [sflag:s11], $0x2800  }
0x1e7: {  	s20 =	sshllo.u32 s19, $0x1;
	s10 =	sadd.s32 $0x6, s9;
	[sflag:s11] =	ssyncset.done @!p0 $0x0  }
0x1e8: {  	s21 =	sadd.s32 $0x4, s9;
	s20 =	sshll.u32 s20, $0x7;
	[sflag:s11] =	ssyncadd.s32 @!p0 $0xFFFFD800  }
0x1e9: {  	v4 =	vmov s21;
	[tilespmem:s2], [sflag:$0x2] =	stream.indirect.gather [hbm4b:s1+s30], $0x80, s20, s30, $0xb8;
	[tilespmem:$0x1F780] =	vst v63  }
0x1ea: {  	v3 =	vmov s10;
	v4 =	vand.u32 $0xFFFFFFFC, v4;
	_ =	swait.ge [sflag:s24], $0x2800  }
0x1eb: {  	v3 =	vand.u32 $0xFFFFFFFE, v3;
	v4 =	vbroadcast v4, $0x0;
	[sflag:s24] =	ssyncset.done $0x0  }
0x1ec: {  	s21 =	simm.s32 $0xE880;
	v3 =	vbroadcast v3, $0x0;
	[sflag:s24] =	ssyncadd.s32 $0xFFFFD800  }
0x1ed: {  	v5 =	vld [tilespmem:s21+$0x70]  }
0x1ee: {  	v7 =	vld [tilespmem:s21+$0xFFFFFF00]  }
0x1ef: {  	s22 =	sadd.s32 $0x5, s9;
	v8 =	vld [tilespmem:s21+$0xFFFFFF10]  }
0x1f0: {  	v6 =	vmov s22;
	v9 =	vld [tilespmem:s21+$0xFFFFFF20]  }
0x1f1: {  	v6 =	vand.u32 $0xFFFFFFFD, v6;
	v4 =	vld.idx.msk [tilespmem:v4+s28+$0x0], $0xffff  }
0x1f2: {  	v6 =	vbroadcast v6, $0x0;
	v3 =	vld.idx.msk [tilespmem:v3+s28+$0x0], $0xffff  }
0x1f3: {  	v10 =	vld [tilespmem:s21+$0xFFFFFF30]  }
0x1f4: {  	v11 =	vld [tilespmem:s21+$0xFFFFFF40]  }
0x1f5: {  	v12 =	vld [tilespmem:s21+$0xFFFFFF50]  }
0x1f6: {  	v13 =	vld [tilespmem:s21+$0xFFFFFF60];
	v7 =	vmul.f32 v7, v4  }
0x1f7: {  	v61 =	vld [tilespmem:s21+$0xFFFFFFB0];
	v5 =	vmul.f32 v5, v3  }
0x1f8: {  	v6 =	vld.idx.msk [tilespmem:v6+s28+$0x0], $0xffff;
	[tilespmem:s21+$0xFFFFFF00] =	vst v7;
	v7 =	vmul.f32 v8, v4  }
0x1f9: {  	v8 =	vld [tilespmem:s21+$0xFFFFFF70];
	[tilespmem:s21+$0x70] =	vst v5;
	v5 =	vmul.f32 v9, v4  }
0x1fa: {  	s9 =	sadd.s32 $0x7, s9;
	v9 =	vld [tilespmem:s21+$0xFFFFFF80];
	[tilespmem:s21+$0xFFFFFF10] =	vst v7;
	v7 =	vmul.f32 v10, v4  }
0x1fb: {  	v14 =	vmov s9;
	v10 =	vld [tilespmem:s21+$0xFFFFFF90];
	[tilespmem:s21+$0xFFFFFF20] =	vst v5;
	v5 =	vmul.f32 v11, v4  }
0x1fc: {  	v11 =	vld [tilespmem:s21+$0xFFFFFFA0];
	[tilespmem:s21+$0xFFFFFF30] =	vst v7;
	v7 =	vmul.f32 v12, v4  }
0x1fd: {  	v62 =	vld [tilespmem:s21+$0xFFFFFFC0];
	[tilespmem:s21+$0xFFFFFF40] =	vst v5;
	v5 =	vmul.f32 v13, v4  }
0x1fe: {  	v15 =	vld [tilespmem:s21+$0xFFFFFFD0];
	v8 =	vmul.f32 v8, v4;
	[tilespmem:s21+$0xFFFFFF50] =	vst v7  }
0x1ff: {  	v16 =	vld [tilespmem:s21+$0xFFFFFFE0];
	v7 =	vmul.f32 v9, v6;
	[tilespmem:s21+$0xFFFFFF60] =	vst v5  }
0x200: {  	v4 =	vld.idx.msk [tilespmem:v14+s28+$0x0], $0xffff;
	v5 =	vmul.f32 v10, v6;
	[tilespmem:s21+$0xFFFFFF70] =	vst v8  }
0x201: {  	v10 =	vld [tilespmem:s21+$0xFFFFFFF0];
	[tilespmem:s21+$0xFFFFFF80] =	vst v7;
	v7 =	vmul.f32 v11, v6  }
0x202: {  	v9 =	vld [tilespmem:s21+$0x0];
	v11 =	vmul.f32 v62, v6;
	[tilespmem:s21+$0xFFFFFF90] =	vst v5  }
0x203: {  	v8 =	vld [tilespmem:s21+$0x10];
	v5 =	vmul.f32 v61, v6;
	[tilespmem:s21+$0xFFFFFFA0] =	vst v7  }
0x204: {  	v63 =	vmul.f32 v15, v6;
	v7 =	vld [tilespmem:s21+$0x20];
	[tilespmem:s21+$0xFFFFFFC0] =	vst v11  }
0x205: {  	v11 =	vmul.f32 v16, v6;
	[tilespmem:s21+$0xFFFFFFB0] =	vst v5;
	v5 =	vld [tilespmem:s21+$0x30]  }
0x206: {  	s9 =	simm.s32 $0x0;
	s22 =	simm.s32 $0xE880;
	[tilespmem:s21+$0xFFFFFFD0] =	vst v63;
	v10 =	vmul.f32 v10, v6;
	v6 =	vld [tilespmem:s21+$0x40]  }
.LBB2_17:
0x207: {  	s10 =	sadd.s32 s9, s5;
	s9 =	sadd.s32 $0x4, s9;
	[tilespmem:s21+$0xFFFFFFE0] =	vst v11;
	v9 =	vmul.f32 v9, v3;
	v11 =	vld [tilespmem:s21+$0x50]  }
0x208: {  	s11 =	sadd.s32 $0x4, s10;
	s12 =	sadd.s32 $0x6, s10;
	p0 =	slt.u32 s9, $0x4C;
	[tilespmem:s21+$0xFFFFFFF0] =	vst v10;
	v8 =	vmul.f32 v8, v3;
	v10 =	vld [tilespmem:s21+$0x60]  }
0x209: {  	v12 =	vmov s11;
	s11 =	sadd.s32 $0x5, s10;
	v13 =	vmov s12;
	s10 =	sadd.s32 $0x7, s10;
	[tilespmem:s21+$0x0] =	vst v9;
	v7 =	vmul.f32 v7, v3;
	v9 =	vld [tilespmem:s21+$0x80]  }
0x20a: {  	v12 =	vand.u32 $0xFFFFFFFC, v12;
	v14 =	vmov s11;
	v13 =	vand.u32 $0xFFFFFFFE, v13;
	[tilespmem:s21+$0x10] =	vst v8;
	v8 =	vld [tilespmem:s21+$0x90]  }
0x20b: {  	v12 =	vbroadcast v12, $0x0;
	v14 =	vand.u32 $0xFFFFFFFD, v14;
	v13 =	vbroadcast v13, $0x0;
	[tilespmem:s21+$0x20] =	vst v7;
	v7 =	vld [tilespmem:s21+$0xA0]  }
0x20c: {  	v15 =	vmov s10;
	v5 =	vmul.f32 v5, v3;
	v14 =	vbroadcast v14, $0x0;
	v16 =	vld [tilespmem:s21+$0xB0]  }
0x20d: {  	v6 =	vmul.f32 v6, v3;
	v11 =	vmul.f32 v11, v3;
	v17 =	vld [tilespmem:s21+$0xC0]  }
0x20e: {  	[tilespmem:s21+$0x30] =	vst v5;
	v5 =	vmul.f32 v10, v3;
	v9 =	vmul.f32 v9, v4;
	v10 =	vld [tilespmem:s21+$0xD0]  }
0x20f: {  	[tilespmem:s21+$0x40] =	vst v6;
	v6 =	vmul.f32 v8, v4;
	v8 =	vld [tilespmem:s21+$0xE0]  }
0x210: {  	[tilespmem:s21+$0x50] =	vst v11;
	v7 =	vmul.f32 v7, v4;
	v11 =	vld [tilespmem:s21+$0xF0]  }
0x211: {  	s21 =	sadd.s32 $0x200, s21;
	v3 =	vld.idx.msk [tilespmem:v13+s28+$0x0], $0xffff;
	[tilespmem:s22+$0x60] =	vst v5;
	v5 =	vmul.f32 v16, v4  }
0x212: {  	v13 =	vld [tilespmem:s21+$0x70];
	[tilespmem:s22+$0x80] =	vst v9;
	v9 =	vmul.f32 v17, v4  }
0x213: {  	v12 =	vld.idx.msk [tilespmem:v12+s28+$0x0], $0xffff;
	[tilespmem:s22+$0x90] =	vst v6;
	v6 =	vmul.f32 v10, v4  }
0x214: {  	v10 =	vld.idx.msk [tilespmem:v14+s28+$0x0], $0xffff;
	[tilespmem:s22+$0xA0] =	vst v7;
	v7 =	vmul.f32 v8, v4  }
0x215: {  	[tilespmem:s22+$0xB0] =	vst v5;
	v5 =	vmul.f32 v11, v4;
	v4 =	vld.idx.msk [tilespmem:v15+s28+$0x0], $0xffff  }
0x216: {  	v8 =	vld [tilespmem:s21+$0xFFFFFF00];
	[tilespmem:s22+$0xC0] =	vst v9  }
0x217: {  	v9 =	vld [tilespmem:s21+$0xFFFFFF10];
	v11 =	vmul.f32 v13, v3;
	[tilespmem:s22+$0xD0] =	vst v6  }
0x218: {  	v6 =	vld [tilespmem:s21+$0xFFFFFF20];
	[tilespmem:s22+$0xE0] =	vst v7  }
0x219: {  	v7 =	vld [tilespmem:s21+$0xFFFFFF30];
	[tilespmem:s21+$0x70] =	vst v11  }
0x21a: {  	v11 =	vld [tilespmem:s21+$0xFFFFFF40];
	[tilespmem:s22+$0xF0] =	vst v5;
	s22 =	smov.u32 s21  }
0x21b: {  	v5 =	vmul.f32 v8, v12;
	v8 =	vld [tilespmem:s21+$0xFFFFFF50]  }
0x21c: {  	v9 =	vmul.f32 v9, v12;
	v13 =	vld [tilespmem:s21+$0xFFFFFF60]  }
0x21d: {  	[tilespmem:s21+$0xFFFFFF00] =	vst v5;
	v5 =	vmul.f32 v6, v12;
	v6 =	vld [tilespmem:s21+$0xFFFFFF70]  }
0x21e: {  	[tilespmem:s21+$0xFFFFFF10] =	vst v9;
	v7 =	vmul.f32 v7, v12;
	v9 =	vld [tilespmem:s21+$0xFFFFFF80]  }
0x21f: {  	[tilespmem:s21+$0xFFFFFF20] =	vst v5;
	v5 =	vmul.f32 v11, v12;
	v11 =	vld [tilespmem:s21+$0xFFFFFF90]  }
0x220: {  	[tilespmem:s21+$0xFFFFFF30] =	vst v7;
	v7 =	vmul.f32 v8, v12;
	v8 =	vld [tilespmem:s21+$0xFFFFFFA0]  }
0x221: {  	[tilespmem:s21+$0xFFFFFF40] =	vst v5;
	v5 =	vmul.f32 v13, v12;
	v13 =	vld [tilespmem:s21+$0xFFFFFFB0]  }
0x222: {  	[tilespmem:s21+$0xFFFFFF50] =	vst v7;
	v6 =	vmul.f32 v6, v12;
	v7 =	vld [tilespmem:s21+$0xFFFFFFC0]  }
0x223: {  	[tilespmem:s21+$0xFFFFFF60] =	vst v5;
	v5 =	vmul.f32 v9, v10;
	v12 =	vld [tilespmem:s21+$0xFFFFFFD0]  }
0x224: {  	[tilespmem:s21+$0xFFFFFF70] =	vst v6;
	v6 =	vmul.f32 v11, v10;
	v11 =	vld [tilespmem:s21+$0xFFFFFFE0]  }
0x225: {  	[tilespmem:s21+$0xFFFFFF80] =	vst v5;
	v5 =	vmul.f32 v8, v10;
	v14 =	vld [tilespmem:s21+$0xFFFFFFF0]  }
.Ltmp7:
0x226: {  	[tilespmem:s21+$0xFFFFFF90] =	vst v6;
	v6 =	vmul.f32 v13, v10;
	v9 =	vld [tilespmem:s21+$0x0];
	(pc) =	sbr.rel @p0 .LBB2_17-.Ltmp7, $4  }
0x227: {  	[tilespmem:s21+$0xFFFFFFA0] =	vst v5;
	v5 =	vmul.f32 v7, v10;
	v8 =	vld [tilespmem:s21+$0x10]  }
0x228: {  	[tilespmem:s21+$0xFFFFFFB0] =	vst v6;
	v6 =	vmul.f32 v12, v10;
	v7 =	vld [tilespmem:s21+$0x20]  }
0x229: {  	[tilespmem:s21+$0xFFFFFFC0] =	vst v5;
	v11 =	vmul.f32 v11, v10;
	v5 =	vld [tilespmem:s21+$0x30]  }
0x22a: {  	[tilespmem:s21+$0xFFFFFFD0] =	vst v6;
	v10 =	vmul.f32 v14, v10;
	v6 =	vld [tilespmem:s21+$0x40]  }
0x22b: {  	v12 =	vld [tilespmem:s21+$0x50];
	[tilespmem:s21+$0xFFFFFFE0] =	vst v11;
	v9 =	vmul.f32 v9, v3  }
0x22c: {  	v11 =	vld [tilespmem:s21+$0x60];
	[tilespmem:s21+$0xFFFFFFF0] =	vst v10;
	v8 =	vmul.f32 v8, v3  }
0x22d: {  	v10 =	vld [tilespmem:s21+$0x80];
	[tilespmem:s21+$0x0] =	vst v9;
	v7 =	vmul.f32 v7, v3  }
0x22e: {  	v9 =	vld [tilespmem:s21+$0x90];
	[tilespmem:s21+$0x10] =	vst v8;
	v5 =	vmul.f32 v5, v3  }
0x22f: {  	v8 =	vld [tilespmem:s21+$0xA0];
	[tilespmem:s21+$0x20] =	vst v7;
	v6 =	vmul.f32 v6, v3  }
0x230: {  	v7 =	vld [tilespmem:s21+$0xB0];
	v12 =	vmul.f32 v12, v3;
	[tilespmem:s21+$0x30] =	vst v5  }
0x231: {  	v13 =	vld [tilespmem:s21+$0xC0];
	v3 =	vmul.f32 v11, v3;
	[tilespmem:s21+$0x40] =	vst v6  }
0x232: {  	v5 =	vld [tilespmem:s21+$0xD0];
	v6 =	vmul.f32 v10, v4;
	[tilespmem:s21+$0x50] =	vst v12  }
0x233: {  	v10 =	vld [tilespmem:s21+$0xE0];
	v9 =	vmul.f32 v9, v4;
	[tilespmem:s22+$0x60] =	vst v3  }
0x234: {  	v11 =	vld [tilespmem:s21+$0xF0];
	v3 =	vmul.f32 v8, v4;
	[tilespmem:s22+$0x80] =	vst v6  }
0x235: {  	v6 =	vmul.f32 v7, v4;
	[tilespmem:s22+$0x90] =	vst v9  }
0x236: {  	v7 =	vmul.f32 v13, v4;
	[tilespmem:s22+$0xA0] =	vst v3  }
0x237: {  	v3 =	vmul.f32 v5, v4;
	[tilespmem:s22+$0xB0] =	vst v6  }
0x238: {  	v5 =	vmul.f32 v10, v4;
	[tilespmem:s22+$0xC0] =	vst v7  }
0x239: {  	s9 =	sadd.s32 $0xFFFFFFFC, s5;
	s12 =	sshll.u32 s19, $0xA;
	v4 =	vmul.f32 v11, v4;
	[tilespmem:s22+$0xD0] =	vst v3  }
0x23a: {  	s10 =	sadd.s32 $0x56, s9;
	s21 =	sshrl.u32 s12, $0x2;
	[tilespmem:s22+$0xE0] =	vst v5  }
0x23b: {  	s11 =	sadd.s32 $0x54, s9;
	v6 =	vmov s10;
	s10 =	sadd.s32 $0x8000, s21;
	[tilespmem:s22+$0xF0] =	vst v4  }
0x23c: {  	[spmem:s3] =	stream.indirect.scatter.add.f32 [tilespmem:s31], [sflag:$0x3], $0x80, s10, s30, $0xb8;
	[tilespmem:$0x1F780] =	vst v63  }
0x23d: {  	v3 =	vand.u32 $0xFFFFFFFE, v6;
	v5 =	vmov s11;
	_ =	swait.ge [sflag:s25], $0x2800  }
0x23e: {  	v3 =	vbroadcast v3, $0x0;
	v4 =	vand.u32 $0xFFFFFFFC, v5;
	[sflag:s25] =	ssyncset.done $0x0  }
0x23f: {  	s22 =	simm.s32 $0x11080;
	v4 =	vbroadcast v4, $0x0;
	[sflag:s25] =	ssyncadd.s32 $0xFFFFD800  }
0x240: {  	v5 =	vld [tilespmem:s22+$0x70]  }
0x241: {  	v7 =	vld [tilespmem:s22+$0xFFFFFF00]  }
0x242: {  	s13 =	sadd.s32 $0x55, s9;
	v8 =	vld [tilespmem:s22+$0xFFFFFF10]  }
0x243: {  	v6 =	vmov s13;
	v9 =	vld [tilespmem:s22+$0xFFFFFF20]  }
0x244: {  	v6 =	vand.u32 $0xFFFFFFFD, v6;
	v3 =	vld.idx.msk [tilespmem:v3+s28+$0x0], $0xffff  }
0x245: {  	v6 =	vbroadcast v6, $0x0;
	v4 =	vld.idx.msk [tilespmem:v4+s28+$0x0], $0xffff  }
0x246: {  	v10 =	vld [tilespmem:s22+$0xFFFFFF30]  }
0x247: {  	v11 =	vld [tilespmem:s22+$0xFFFFFF40]  }
0x248: {  	v59 =	vld [tilespmem:s22+$0xFFFFFF50]  }
0x249: {  	v60 =	vld [tilespmem:s22+$0xFFFFFF60];
	v5 =	vmul.f32 v5, v3  }
0x24a: {  	v61 =	vld [tilespmem:s22+$0xFFFFFFB0];
	v7 =	vmul.f32 v7, v4  }
0x24b: {  	v6 =	vld.idx.msk [tilespmem:v6+s28+$0x0], $0xffff;
	[tilespmem:s22+$0x70] =	vst v5;
	v5 =	vmul.f32 v9, v4  }
0x24c: {  	[tilespmem:s22+$0xFFFFFF00] =	vst v7;
	v7 =	vmul.f32 v8, v4;
	v8 =	vld [tilespmem:s22+$0xFFFFFF70]  }
0x24d: {  	s9 =	sadd.s32 $0x57, s9;
	v9 =	vld [tilespmem:s22+$0xFFFFFF80];
	[tilespmem:s22+$0xFFFFFF20] =	vst v5;
	v5 =	vmul.f32 v11, v4  }
0x24e: {  	v14 =	vmov s9;
	[tilespmem:s22+$0xFFFFFF10] =	vst v7;
	v7 =	vmul.f32 v10, v4;
	v10 =	vld [tilespmem:s22+$0xFFFFFF90]  }
0x24f: {  	v11 =	vld [tilespmem:s22+$0xFFFFFFA0];
	[tilespmem:s22+$0xFFFFFF40] =	vst v5;
	v5 =	vmul.f32 v60, v4  }
0x250: {  	v62 =	vld [tilespmem:s22+$0xFFFFFFC0];
	[tilespmem:s22+$0xFFFFFF30] =	vst v7;
	v7 =	vmul.f32 v59, v4  }
0x251: {  	v15 =	vld [tilespmem:s22+$0xFFFFFFD0];
	[tilespmem:s22+$0xFFFFFF60] =	vst v5;
	v8 =	vmul.f32 v8, v4  }
0x252: {  	v16 =	vld [tilespmem:s22+$0xFFFFFFE0];
	[tilespmem:s22+$0xFFFFFF50] =	vst v7;
	v7 =	vmul.f32 v9, v6  }
0x253: {  	v4 =	vld.idx.msk [tilespmem:v14+s28+$0x0], $0xffff;
	v5 =	vmul.f32 v10, v6;
	[tilespmem:s22+$0xFFFFFF70] =	vst v8  }
0x254: {  	v10 =	vld [tilespmem:s22+$0xFFFFFFF0];
	[tilespmem:s22+$0xFFFFFF80] =	vst v7;
	v7 =	vmul.f32 v11, v6  }
0x255: {  	v9 =	vld [tilespmem:s22+$0x0];
	v11 =	vmul.f32 v62, v6;
	[tilespmem:s22+$0xFFFFFF90] =	vst v5  }
0x256: {  	v8 =	vld [tilespmem:s22+$0x10];
	v5 =	vmul.f32 v61, v6;
	[tilespmem:s22+$0xFFFFFFA0] =	vst v7  }
0x257: {  	v63 =	vmul.f32 v15, v6;
	v7 =	vld [tilespmem:s22+$0x20];
	[tilespmem:s22+$0xFFFFFFC0] =	vst v11  }
0x258: {  	v11 =	vmul.f32 v16, v6;
	[tilespmem:s22+$0xFFFFFFB0] =	vst v5;
	v5 =	vld [tilespmem:s22+$0x30]  }
0x259: {  	s9 =	simm.s32 $0x11080;
	s10 =	simm.s32 $0x0;
	[tilespmem:s22+$0xFFFFFFD0] =	vst v63;
	v10 =	vmul.f32 v10, v6;
	v6 =	vld [tilespmem:s22+$0x40]  }
.LBB2_19:
0x25a: {  	s11 =	sadd.s32 s10, s5;
	s10 =	sadd.s32 $0x4, s10;
	[tilespmem:s22+$0xFFFFFFE0] =	vst v11;
	v9 =	vmul.f32 v9, v3;
	v11 =	vld [tilespmem:s22+$0x50]  }
0x25b: {  	s12 =	sadd.s32 $0x54, s11;
	s13 =	sadd.s32 $0x56, s11;
	p0 =	slt.u32 s10, $0x4C;
	[tilespmem:s22+$0xFFFFFFF0] =	vst v10;
	v8 =	vmul.f32 v8, v3;
	v10 =	vld [tilespmem:s22+$0x60]  }
0x25c: {  	v12 =	vmov s12;
	s12 =	sadd.s32 $0x55, s11;
	v13 =	vmov s13;
	s11 =	sadd.s32 $0x57, s11;
	[tilespmem:s22+$0x0] =	vst v9;
	v7 =	vmul.f32 v7, v3;
	v9 =	vld [tilespmem:s22+$0x80]  }
0x25d: {  	v12 =	vand.u32 $0xFFFFFFFC, v12;
	v14 =	vmov s12;
	v13 =	vand.u32 $0xFFFFFFFE, v13;
	[tilespmem:s22+$0x10] =	vst v8;
	v8 =	vld [tilespmem:s22+$0x90]  }
0x25e: {  	v12 =	vbroadcast v12, $0x0;
	v14 =	vand.u32 $0xFFFFFFFD, v14;
	v13 =	vbroadcast v13, $0x0;
	[tilespmem:s22+$0x20] =	vst v7;
	v7 =	vld [tilespmem:s22+$0xA0]  }
0x25f: {  	v15 =	vmov s11;
	v5 =	vmul.f32 v5, v3;
	v14 =	vbroadcast v14, $0x0;
	v16 =	vld [tilespmem:s22+$0xB0]  }
0x260: {  	v6 =	vmul.f32 v6, v3;
	v11 =	vmul.f32 v11, v3;
	v17 =	vld [tilespmem:s22+$0xC0]  }
0x261: {  	[tilespmem:s22+$0x30] =	vst v5;
	v5 =	vmul.f32 v10, v3;
	v9 =	vmul.f32 v9, v4;
	v10 =	vld [tilespmem:s22+$0xD0]  }
0x262: {  	[tilespmem:s22+$0x40] =	vst v6;
	v6 =	vmul.f32 v8, v4;
	v8 =	vld [tilespmem:s22+$0xE0]  }
0x263: {  	[tilespmem:s22+$0x50] =	vst v11;
	v7 =	vmul.f32 v7, v4;
	v11 =	vld [tilespmem:s22+$0xF0]  }
0x264: {  	s22 =	sadd.s32 $0x200, s22;
	v3 =	vld.idx.msk [tilespmem:v13+s28+$0x0], $0xffff;
	[tilespmem:s9+$0x60] =	vst v5;
	v5 =	vmul.f32 v16, v4  }
0x265: {  	v13 =	vld [tilespmem:s22+$0x70];
	[tilespmem:s9+$0x80] =	vst v9;
	v9 =	vmul.f32 v17, v4  }
0x266: {  	v12 =	vld.idx.msk [tilespmem:v12+s28+$0x0], $0xffff;
	[tilespmem:s9+$0x90] =	vst v6;
	v6 =	vmul.f32 v10, v4  }
0x267: {  	v10 =	vld.idx.msk [tilespmem:v14+s28+$0x0], $0xffff;
	[tilespmem:s9+$0xA0] =	vst v7;
	v7 =	vmul.f32 v8, v4  }
0x268: {  	[tilespmem:s9+$0xB0] =	vst v5;
	v5 =	vmul.f32 v11, v4;
	v4 =	vld.idx.msk [tilespmem:v15+s28+$0x0], $0xffff  }
0x269: {  	v8 =	vld [tilespmem:s22+$0xFFFFFF00];
	[tilespmem:s9+$0xC0] =	vst v9  }
0x26a: {  	v9 =	vld [tilespmem:s22+$0xFFFFFF10];
	v11 =	vmul.f32 v13, v3;
	[tilespmem:s9+$0xD0] =	vst v6  }
0x26b: {  	v6 =	vld [tilespmem:s22+$0xFFFFFF20];
	[tilespmem:s9+$0xE0] =	vst v7  }
0x26c: {  	v7 =	vld [tilespmem:s22+$0xFFFFFF30];
	[tilespmem:s22+$0x70] =	vst v11  }
0x26d: {  	v11 =	vld [tilespmem:s22+$0xFFFFFF40];
	[tilespmem:s9+$0xF0] =	vst v5;
	s9 =	smov.u32 s22  }
0x26e: {  	v5 =	vmul.f32 v8, v12;
	v8 =	vld [tilespmem:s22+$0xFFFFFF50]  }
0x26f: {  	v9 =	vmul.f32 v9, v12;
	v13 =	vld [tilespmem:s22+$0xFFFFFF60]  }
0x270: {  	[tilespmem:s22+$0xFFFFFF00] =	vst v5;
	v5 =	vmul.f32 v6, v12;
	v6 =	vld [tilespmem:s22+$0xFFFFFF70]  }
0x271: {  	[tilespmem:s22+$0xFFFFFF10] =	vst v9;
	v7 =	vmul.f32 v7, v12;
	v9 =	vld [tilespmem:s22+$0xFFFFFF80]  }
0x272: {  	[tilespmem:s22+$0xFFFFFF20] =	vst v5;
	v5 =	vmul.f32 v11, v12;
	v11 =	vld [tilespmem:s22+$0xFFFFFF90]  }
0x273: {  	[tilespmem:s22+$0xFFFFFF30] =	vst v7;
	v7 =	vmul.f32 v8, v12;
	v8 =	vld [tilespmem:s22+$0xFFFFFFA0]  }
0x274: {  	[tilespmem:s22+$0xFFFFFF40] =	vst v5;
	v5 =	vmul.f32 v13, v12;
	v13 =	vld [tilespmem:s22+$0xFFFFFFB0]  }
0x275: {  	[tilespmem:s22+$0xFFFFFF50] =	vst v7;
	v6 =	vmul.f32 v6, v12;
	v7 =	vld [tilespmem:s22+$0xFFFFFFC0]  }
0x276: {  	[tilespmem:s22+$0xFFFFFF60] =	vst v5;
	v5 =	vmul.f32 v9, v10;
	v12 =	vld [tilespmem:s22+$0xFFFFFFD0]  }
0x277: {  	[tilespmem:s22+$0xFFFFFF70] =	vst v6;
	v6 =	vmul.f32 v11, v10;
	v11 =	vld [tilespmem:s22+$0xFFFFFFE0]  }
0x278: {  	[tilespmem:s22+$0xFFFFFF80] =	vst v5;
	v5 =	vmul.f32 v8, v10;
	v14 =	vld [tilespmem:s22+$0xFFFFFFF0]  }
.Ltmp8:
0x279: {  	[tilespmem:s22+$0xFFFFFF90] =	vst v6;
	v6 =	vmul.f32 v13, v10;
	v9 =	vld [tilespmem:s22+$0x0];
	(pc) =	sbr.rel @p0 .LBB2_19-.Ltmp8, $4  }
0x27a: {  	[tilespmem:s22+$0xFFFFFFA0] =	vst v5;
	v5 =	vmul.f32 v7, v10;
	v8 =	vld [tilespmem:s22+$0x10]  }
0x27b: {  	[tilespmem:s22+$0xFFFFFFB0] =	vst v6;
	v6 =	vmul.f32 v12, v10;
	v7 =	vld [tilespmem:s22+$0x20]  }
0x27c: {  	[tilespmem:s22+$0xFFFFFFC0] =	vst v5;
	v11 =	vmul.f32 v11, v10;
	v5 =	vld [tilespmem:s22+$0x30]  }
0x27d: {  	[tilespmem:s22+$0xFFFFFFD0] =	vst v6;
	v10 =	vmul.f32 v14, v10;
	v6 =	vld [tilespmem:s22+$0x40]  }
0x27e: {  	v12 =	vld [tilespmem:s22+$0x50]  }
0x27f: {  	[tilespmem:s22+$0xFFFFFFE0] =	vst v11;
	v9 =	vmul.f32 v9, v3;
	v51 =	vld [tilespmem:s22+$0x60]  }
0x280: {  	v52 =	vld [tilespmem:s22+$0x80];
	[tilespmem:s22+$0xFFFFFFF0] =	vst v10;
	v8 =	vmul.f32 v8, v3  }
0x281: {  	v53 =	vld [tilespmem:s22+$0x90];
	[tilespmem:s22+$0x0] =	vst v9;
	v7 =	vmul.f32 v7, v3  }
0x282: {  	v55 =	vld [tilespmem:s22+$0xB0];
	[tilespmem:s22+$0x10] =	vst v8;
	v5 =	vmul.f32 v5, v3  }
0x283: {  	v13 =	vld [tilespmem:s22+$0xC0];
	[tilespmem:s22+$0x20] =	vst v7;
	v6 =	vmul.f32 v6, v3  }
0x284: {  	v54 =	vld [tilespmem:s22+$0xA0];
	v12 =	vmul.f32 v12, v3;
	[tilespmem:s22+$0x30] =	vst v5  }
0x285: {  	v58 =	vld [tilespmem:s22+$0xE0];
	v57 =	vmul.f32 v52, v4;
	[tilespmem:s22+$0x40] =	vst v6  }
0x286: {  	v56 =	vld [tilespmem:s22+$0xD0];
	v9 =	vmul.f32 v53, v4;
	[tilespmem:s22+$0x50] =	vst v12  }
0x287: {  	v59 =	vld [tilespmem:s22+$0xF0];
	v60 =	vmul.f32 v55, v4;
	[tilespmem:s9+$0x80] =	vst v57  }
0x288: {  	v61 =	vmul.f32 v13, v4;
	[tilespmem:s9+$0x90] =	vst v9  }
0x289: {  	v3 =	vmul.f32 v51, v3;
	[tilespmem:s9+$0xB0] =	vst v60  }
0x28a: {  	v62 =	vmul.f32 v58, v4;
	[tilespmem:s9+$0xC0] =	vst v61  }
0x28b: {  	[tilespmem:s9+$0x60] =	vst v3;
	v3 =	vmul.f32 v54, v4  }
0x28c: {  	v63 =	vmul.f32 v59, v4;
	[tilespmem:s9+$0xE0] =	vst v62  }
0x28d: {  	[tilespmem:s9+$0xA0] =	vst v3;
	v3 =	vmul.f32 v56, v4  }
0x28e: {  	s19 =	sadd.s32 $0x1, s19;
	[tilespmem:s9+$0xF0] =	vst v63  }
0x28f: {  	s20 =	sadd.s32 $0x8000, s20;
	p0 =	sne.s32 s19, $0x3E;
	[tilespmem:s9+$0xD0] =	vst v3  }
0x290: {  	[spmem:s3] =	stream.indirect.scatter.add.f32 [tilespmem:s2], [sflag:$0x4], $0x80, s20, s30, $0xb8;
	[tilespmem:$0x1F780] =	vst v63  }
.Ltmp9:
0x291: {  	_ = 	snop;
	(pc) =	sbr.rel @p0 .LBB2_16-.Ltmp9, $4  }
0x292: {  	_ =	swait.ge [sflag:s26], $0x2800  }
0x293: {  	[sflag:s26] =	ssyncset.done $0x0  }
0x294: {  	s5 =	sadd.s32 $0xA0, s5;
	s22 =	sadd.s32 $0x100, s21;
	[sflag:s26] =	ssyncadd.s32 $0xFFFFD800  }
0x295: {  	[tilespmem:s31], [sflag:$0x1] =	stream.indirect.gather [hbm4b:s1+s30], $0x80, s22, s30, $0xb8;
	[tilespmem:$0x1F780] =	vst v63  }
0x296: {  	s5 =	simm.s32 $0x26C0  }
0x297: {  	s21 =	simm.s32 $0x26C2;
	v3 =	vmov s5  }
0x298: {  	_ =	swait.ge [sflag:s0], $0x2800;
	v4 =	vmov s21;
	v3 =	vand.u32 $0xFFFFFFFC, v3  }
0x299: {  	[sflag:s0] =	ssyncset.done $0x0;
	v4 =	vand.u32 $0xFFFFFFFE, v4;
	v3 =	vbroadcast v3, $0x0  }
0x29a: {  	[sflag:s0] =	ssyncadd.s32 $0xFFFFD800;
	v4 =	vbroadcast v4, $0x0  }
0x29b: {  	_ =	swait.ge [sflag:s24], $0x2800  }
0x29c: {  	[sflag:s24] =	ssyncset.done $0x0  }
0x29d: {  	s5 =	simm.s32 $0xE880;
	[sflag:s24] =	ssyncadd.s32 $0xFFFFD800  }
0x29e: {  	v6 =	vld [tilespmem:s5+$0x70]  }
0x29f: {  	s9 =	simm.s32 $0x26C1;
	v5 =	vld.idx.msk [tilespmem:v3+s28+$0x0], $0xffff  }
0x2a0: {  	v3 =	vld.idx.msk [tilespmem:v4+s28+$0x0], $0xffff;
	v4 =	vmov s9  }
0x2a1: {  	v7 =	vld [tilespmem:s5+$0xFFFFFF00];
	v4 =	vand.u32 $0xFFFFFFFD, v4  }
0x2a2: {  	v8 =	vld [tilespmem:s5+$0xFFFFFF10];
	v4 =	vbroadcast v4, $0x0  }
0x2a3: {  	v9 =	vld [tilespmem:s5+$0xFFFFFF20]  }
0x2a4: {  	v10 =	vld [tilespmem:s5+$0xFFFFFF30]  }
0x2a5: {  	v11 =	vld [tilespmem:s5+$0xFFFFFF40]  }
0x2a6: {  	v12 =	vld [tilespmem:s5+$0xFFFFFF50]  }
0x2a7: {  	v13 =	vld [tilespmem:s5+$0xFFFFFF60];
	v7 =	vmul.f32 v7, v5  }
0x2a8: {  	v14 =	vld.idx.msk [tilespmem:v4+s28+$0x0], $0xffff;
	v4 =	vmul.f32 v6, v3  }
0x2a9: {  	v61 =	vld [tilespmem:s5+$0xFFFFFFB0];
	[tilespmem:s5+$0xFFFFFF00] =	vst v7;
	v6 =	vmul.f32 v8, v5  }
0x2aa: {  	v8 =	vld [tilespmem:s5+$0xFFFFFF80];
	[tilespmem:s5+$0x70] =	vst v4;
	v4 =	vmul.f32 v9, v5  }
0x2ab: {  	s22 =	simm.s32 $0x26C3;
	v7 =	vld [tilespmem:s5+$0xFFFFFF70];
	[tilespmem:s5+$0xFFFFFF10] =	vst v6;
	v6 =	vmul.f32 v10, v5  }
0x2ac: {  	v9 =	vld [tilespmem:s5+$0xFFFFFF90];
	v10 =	vmov s22;
	[tilespmem:s5+$0xFFFFFF20] =	vst v4;
	v4 =	vmul.f32 v11, v5  }
0x2ad: {  	v11 =	vld [tilespmem:s5+$0xFFFFFFA0];
	[tilespmem:s5+$0xFFFFFF30] =	vst v6;
	v6 =	vmul.f32 v12, v5  }
0x2ae: {  	v62 =	vld [tilespmem:s5+$0xFFFFFFC0];
	[tilespmem:s5+$0xFFFFFF40] =	vst v4;
	v4 =	vmul.f32 v13, v5  }
0x2af: {  	[tilespmem:s5+$0xFFFFFF50] =	vst v6;
	v6 =	vmul.f32 v8, v14;
	v8 =	vld [tilespmem:s5+$0xFFFFFFD0]  }
0x2b0: {  	v5 =	vmul.f32 v7, v5;
	v7 =	vld [tilespmem:s5+$0xFFFFFFE0];
	[tilespmem:s5+$0xFFFFFF60] =	vst v4  }
0x2b1: {  	v9 =	vmul.f32 v9, v14;
	v4 =	vld.idx.msk [tilespmem:v10+s28+$0x0], $0xffff;
	[tilespmem:s5+$0xFFFFFF80] =	vst v6  }
0x2b2: {  	[tilespmem:s5+$0xFFFFFF70] =	vst v5;
	v10 =	vld [tilespmem:s5+$0xFFFFFFF0];
	v5 =	vmul.f32 v11, v14  }
0x2b3: {  	v63 =	vld [tilespmem:s5+$0x0];
	v6 =	vmul.f32 v61, v14;
	[tilespmem:s5+$0xFFFFFF90] =	vst v9  }
0x2b4: {  	v9 =	vld [tilespmem:s5+$0x10];
	[tilespmem:s5+$0xFFFFFFA0] =	vst v5;
	v5 =	vmul.f32 v62, v14  }
0x2b5: {  	[tilespmem:s5+$0xFFFFFFB0] =	vst v6;
	v6 =	vmul.f32 v8, v14;
	v8 =	vld [tilespmem:s5+$0x20]  }
0x2b6: {  	[tilespmem:s5+$0xFFFFFFC0] =	vst v5;
	v5 =	vmul.f32 v7, v14;
	v7 =	vld [tilespmem:s5+$0x30]  }
0x2b7: {  	[tilespmem:s5+$0xFFFFFFD0] =	vst v6;
	v6 =	vld [tilespmem:s5+$0x40];
	v11 =	vmul.f32 v10, v14  }
0x2b8: {  	s10 =	simm.s32 $0x0;
	s9 =	simm.s32 $0xE880;
	v10 =	vmul.f32 v63, v3;
	[tilespmem:s5+$0xFFFFFFE0] =	vst v5;
	v5 =	vld [tilespmem:s5+$0x50]  }
.LBB2_22:
0x2b9: {  	s11 =	sadd.s32 $0x26C7, s10;
	[tilespmem:s5+$0xFFFFFFF0] =	vst v11;
	v9 =	vmul.f32 v9, v3;
	v11 =	vld [tilespmem:s5+$0x60]  }
0x2ba: {  	s12 =	sadd.s32 $0x26C4, s10;
	s13 =	sadd.s32 $0x26C5, s10;
	v12 =	vmov s11;
	[tilespmem:s5+$0x0] =	vst v10;
	v8 =	vmul.f32 v8, v3;
	v10 =	vld [tilespmem:s5+$0x80]  }
0x2bb: {  	v13 =	vmov s12;
	v14 =	vmov s13;
	[tilespmem:s5+$0x10] =	vst v9;
	v7 =	vmul.f32 v7, v3;
	v9 =	vld [tilespmem:s5+$0x90]  }
0x2bc: {  	s11 =	sadd.s32 $0x26C6, s10;
	s10 =	sadd.s32 $0x4, s10;
	v13 =	vand.u32 $0xFFFFFFFC, v13;
	v14 =	vand.u32 $0xFFFFFFFD, v14;
	[tilespmem:s5+$0x20] =	vst v8;
	v6 =	vmul.f32 v6, v3;
	v8 =	vld [tilespmem:s5+$0xA0]  }
0x2bd: {  	v15 =	vmov s11;
	p0 =	slt.u32 s10, $0x4C;
	v13 =	vbroadcast v13, $0x0;
	[tilespmem:s5+$0x30] =	vst v7;
	v5 =	vmul.f32 v5, v3;
	v7 =	vld [tilespmem:s5+$0xB0]  }
0x2be: {  	v14 =	vbroadcast v14, $0x0;
	v15 =	vand.u32 $0xFFFFFFFE, v15;
	[tilespmem:s5+$0x40] =	vst v6;
	v3 =	vmul.f32 v11, v3;
	v6 =	vld [tilespmem:s5+$0xC0]  }
0x2bf: {  	v11 =	vbroadcast v15, $0x0;
	[tilespmem:s5+$0x50] =	vst v5;
	v5 =	vmul.f32 v10, v4;
	v10 =	vld [tilespmem:s5+$0xD0]  }
0x2c0: {  	[tilespmem:s5+$0x60] =	vst v3;
	v3 =	vmul.f32 v9, v4;
	v9 =	vld [tilespmem:s5+$0xE0]  }
0x2c1: {  	[tilespmem:s5+$0x80] =	vst v5;
	v5 =	vmul.f32 v8, v4;
	v8 =	vld [tilespmem:s5+$0xF0]  }
0x2c2: {  	v12 =	vld.idx.msk [tilespmem:v12+s28+$0x0], $0xffff;
	[tilespmem:s5+$0x90] =	vst v3;
	v3 =	vmul.f32 v7, v4  }
0x2c3: {  	v7 =	vld.idx.msk [tilespmem:v13+s28+$0x0], $0xffff;
	[tilespmem:s5+$0xA0] =	vst v5;
	v5 =	vmul.f32 v6, v4  }
0x2c4: {  	v6 =	vld.idx.msk [tilespmem:v14+s28+$0x0], $0xffff;
	[tilespmem:s5+$0xB0] =	vst v3;
	v10 =	vmul.f32 v10, v4  }
0x2c5: {  	s5 =	sadd.s32 $0x200, s5;
	v3 =	vld.idx.msk [tilespmem:v11+s28+$0x0], $0xffff;
	[tilespmem:s9+$0xC0] =	vst v5;
	v5 =	vmul.f32 v9, v4  }
0x2c6: {  	v9 =	vld [tilespmem:s5+$0x70];
	[tilespmem:s9+$0xD0] =	vst v10;
	v10 =	vmul.f32 v8, v4  }
0x2c7: {  	v8 =	vld [tilespmem:s5+$0xFFFFFF00];
	[tilespmem:s9+$0xE0] =	vst v5  }
0x2c8: {  	v4 =	vmov v12;
	v5 =	vld [tilespmem:s5+$0xFFFFFF10];
	[tilespmem:s9+$0xF0] =	vst v10;
	s9 =	smov.u32 s5  }
0x2c9: {  	v10 =	vld [tilespmem:s5+$0xFFFFFF20]  }
0x2ca: {  	v11 =	vld [tilespmem:s5+$0xFFFFFF30]  }
0x2cb: {  	v12 =	vld [tilespmem:s5+$0xFFFFFF40];
	v9 =	vmul.f32 v9, v3  }
0x2cc: {  	v8 =	vmul.f32 v8, v7;
	v13 =	vld [tilespmem:s5+$0xFFFFFF50]  }
0x2cd: {  	v5 =	vmul.f32 v5, v7;
	v14 =	vld [tilespmem:s5+$0xFFFFFF60];
	[tilespmem:s5+$0x70] =	vst v9  }
0x2ce: {  	[tilespmem:s5+$0xFFFFFF00] =	vst v8;
	v8 =	vmul.f32 v10, v7;
	v9 =	vld [tilespmem:s5+$0xFFFFFF70]  }
0x2cf: {  	[tilespmem:s5+$0xFFFFFF10] =	vst v5;
	v5 =	vmul.f32 v11, v7;
	v10 =	vld [tilespmem:s5+$0xFFFFFF80]  }
0x2d0: {  	[tilespmem:s5+$0xFFFFFF20] =	vst v8;
	v8 =	vmul.f32 v12, v7;
	v11 =	vld [tilespmem:s5+$0xFFFFFF90]  }
0x2d1: {  	[tilespmem:s5+$0xFFFFFF30] =	vst v5;
	v5 =	vmul.f32 v13, v7;
	v12 =	vld [tilespmem:s5+$0xFFFFFFA0]  }
0x2d2: {  	[tilespmem:s5+$0xFFFFFF40] =	vst v8;
	v8 =	vmul.f32 v14, v7;
	v13 =	vld [tilespmem:s5+$0xFFFFFFB0]  }
0x2d3: {  	[tilespmem:s5+$0xFFFFFF50] =	vst v5;
	v5 =	vmul.f32 v9, v7;
	v7 =	vld [tilespmem:s5+$0xFFFFFFC0]  }
0x2d4: {  	[tilespmem:s5+$0xFFFFFF60] =	vst v8;
	v8 =	vmul.f32 v10, v6;
	v10 =	vld [tilespmem:s5+$0xFFFFFFD0]  }
0x2d5: {  	[tilespmem:s5+$0xFFFFFF70] =	vst v5;
	v5 =	vmul.f32 v11, v6;
	v11 =	vld [tilespmem:s5+$0xFFFFFFE0]  }
0x2d6: {  	[tilespmem:s5+$0xFFFFFF80] =	vst v8;
	v8 =	vmul.f32 v12, v6;
	v12 =	vld [tilespmem:s5+$0xFFFFFFF0]  }
0x2d7: {  	[tilespmem:s5+$0xFFFFFF90] =	vst v5;
	v5 =	vmul.f32 v13, v6;
	v13 =	vld [tilespmem:s5+$0x0]  }
.Ltmp10:
0x2d8: {  	[tilespmem:s5+$0xFFFFFFA0] =	vst v8;
	v7 =	vmul.f32 v7, v6;
	v9 =	vld [tilespmem:s5+$0x10];
	(pc) =	sbr.rel @p0 .LBB2_22-.Ltmp10, $4  }
0x2d9: {  	[tilespmem:s5+$0xFFFFFFB0] =	vst v5;
	v5 =	vmul.f32 v10, v6;
	v8 =	vld [tilespmem:s5+$0x20]  }
0x2da: {  	[tilespmem:s5+$0xFFFFFFC0] =	vst v7;
	v10 =	vmul.f32 v11, v6;
	v7 =	vld [tilespmem:s5+$0x30]  }
0x2db: {  	[tilespmem:s5+$0xFFFFFFD0] =	vst v5;
	v11 =	vmul.f32 v12, v6;
	v6 =	vld [tilespmem:s5+$0x40]  }
0x2dc: {  	[tilespmem:s5+$0xFFFFFFE0] =	vst v10;
	v10 =	vmul.f32 v13, v3;
	v5 =	vld [tilespmem:s5+$0x50]  }
0x2dd: {  	[tilespmem:s5+$0xFFFFFFF0] =	vst v11;
	v9 =	vmul.f32 v9, v3;
	v53 =	vld [tilespmem:s5+$0x80]  }
0x2de: {  	v12 =	vld [tilespmem:s5+$0x60];
	[tilespmem:s5+$0x0] =	vst v10;
	v8 =	vmul.f32 v8, v3  }
0x2df: {  	v54 =	vld [tilespmem:s5+$0x90];
	[tilespmem:s5+$0x10] =	vst v9;
	v7 =	vmul.f32 v7, v3  }
0x2e0: {  	v56 =	vld [tilespmem:s5+$0xB0];
	[tilespmem:s5+$0x20] =	vst v8;
	v6 =	vmul.f32 v6, v3  }
0x2e1: {  	v55 =	vld [tilespmem:s5+$0xA0];
	[tilespmem:s5+$0x30] =	vst v7;
	v5 =	vmul.f32 v5, v3  }
0x2e2: {  	v59 =	vld [tilespmem:s5+$0xD0];
	[tilespmem:s5+$0x40] =	vst v6;
	v58 =	vmul.f32 v53, v4  }
0x2e3: {  	v57 =	vld [tilespmem:s5+$0xC0];
	v3 =	vmul.f32 v12, v3;
	[tilespmem:s5+$0x50] =	vst v5  }
0x2e4: {  	v61 =	vld [tilespmem:s5+$0xF0];
	v10 =	vmul.f32 v54, v4;
	[tilespmem:s5+$0x80] =	vst v58  }
0x2e5: {  	v60 =	vld [tilespmem:s5+$0xE0];
	v8 =	vmul.f32 v56, v4;
	[tilespmem:s5+$0x60] =	vst v3  }
0x2e6: {  	v3 =	vmul.f32 v55, v4;
	[tilespmem:s5+$0x90] =	vst v10  }
0x2e7: {  	v62 =	vmul.f32 v59, v4;
	[tilespmem:s5+$0xB0] =	vst v8  }
0x2e8: {  	[tilespmem:s5+$0xA0] =	vst v3;
	v3 =	vmul.f32 v57, v4  }
0x2e9: {  	v63 =	vmul.f32 v61, v4;
	[tilespmem:s9+$0xD0] =	vst v62  }
0x2ea: {  	[tilespmem:s9+$0xC0] =	vst v3;
	v3 =	vmul.f32 v60, v4  }
0x2eb: {  	[tilespmem:s9+$0xF0] =	vst v63  }
0x2ec: {  	s20 =	simm.s32 $0xBE00;
	[tilespmem:s9+$0xE0] =	vst v3  }
0x2ed: {  	[spmem:s3] =	stream.indirect.scatter.add.f32 [tilespmem:s31], [sflag:$0x5], $0x80, s20, s30, $0xb8;
	[tilespmem:$0x1F780] =	vst v63  }
0x2ee: {  	_ =	swait.ge [sflag:s23], $0x2800  }
0x2ef: {  	[sflag:s23] =	ssyncset.done $0x0  }
0x2f0: {  	[sflag:s23] =	ssyncadd.s32 $0xFFFFD800  }
0x2f1: {  	[bflag:$0x0] =	sbarrier.arrive $0xFFFF  }
0x2f2: {  	s21 =	rddreg [dreg:$0xe]  }
0x2f3: {  	[hbm:s21], [sflag:s6] =	dma.local [spmem:s7], $0x1400  }
0x2f4: {  	_ =	swait.ge [sflag:s23], $0x1400  }
0x2f5: {  	s4 =	sadd.s32 $0x1, s4;
	s22 =	rddreg [dreg:$0xf]  }
0x2f6: {  	p0 =	sne.s32 s4, s22  }
.Ltmp11:
0x2f7: {  	_ = 	snop;
	(pc) =	sbr.rel @p0 .LBB2_1-.Ltmp11, $4  }
0x2f8: {  	[sflag:s23] =	ssyncset.done $0x0  }
0x2f9: {  	[sflag:s23] =	ssyncadd.s32 $0xFFFFEC00  }
0x2fa: {  	[bflag:$0x0] =	sbarrier.arrive $0xFFFF  }
0x2fb: {  	s12 =	smov.u32 s14;
	s13 =	smov.u32 s15  }
0x2fc: {  	_ =	sfence.sel $0x180000  }
0x2fd: {  	[bflag:$0x0] =	sbarrier.arrive $0xFFFF  }
0x2fe: {  	_ =	strace $0x90000047  }
0x2ff: {  	s0 =	stileid.u32;
	[bflag:$0x2] =	sbarrier.arrive $0xFFFF  }
0x300: {  	p0 =	sne.s32 s0, $0x0;
	s0 =	rddreg [dreg:$0x3]  }
0x301: {  	s0 =	sadd.s32 @!p0 $0x100000, s0  }
0x302: {  	[sflag:s0] =	ssyncadd.tile.s32 @!p0 $0x1;
	_ =	shalt  }
.Lfunc_end2:
_tile_overlayer_lowered:
.L_overlay_start_2:
0x303: {  	(tag) =	ssettag $0x2  }
0x304: {  	s0 =	rddreg [dreg:$0x0];
	s2 =	stileid.u32  }
0x305: {  	s1 =	rddreg [dreg:$0x1];
	p0 =	sne.s32 s2, $0x0  }
0x306: {  	s3 =	rddreg [dreg:$0x2];
	[bflag:$0x3] =	sbarrier.arrive $0xFFFF;
	s2 =	simm.s32 @!p0 $0x1C05  }
0x307: {  	[timem:s3], [sflag:s2] =	dma.local @!p0 [hbm:s0], s1  }
0x308: {  	s0 =	simm.s32 @!p0 $0x5  }
0x309: {  	_ =	swait.ge @!p0 [sflag:s0], s1  }
0x30a: {  	s1 =	ssub.s32 @!p0 $0x0, s1;
	[sflag:s0] =	ssyncset.done @!p0 $0x0  }
0x30b: {  	[sflag:s0] =	ssyncadd.s32 @!p0 s1  }
0x30c: {  	[bflag:$0x3] =	sbarrier.arrive $0xFFFF  }
0x30d: {  	_ =	shalt  }

</sc_bundles>
